<compile_context>
chip_gen: v7x
topology: tpu7x:2x2x1
jax: 0.10.2.dev20260603
libtpu: 0.0.44.dev20260713+nightly
codegen_flags: <defaults>
</compile_context>

<pallas_src>
import functools

import jax
import jax.numpy as jnp
from jax import lax
from jax.experimental import pallas as pl
from jax.experimental.pallas import tpu as pltpu
from jax.experimental.pallas import tpu_sc as plsc

N = 10000
E = 320000
D = 128
NC = 2
NS = 16
NW = NC * NS
IR = E // 128
RPW = IR // NW
TROW = NW * RPW
EPW = RPW * 128
DEG_PAD = NS * 640
NPAD = NS * 640

_MESH = plsc.VectorSubcoreMesh(core_axis_name="c", subcore_axis_name="s")
_F32 = jnp.float32
_I32 = jnp.int32


@functools.partial(
    pl.kernel,
    out_type=jax.ShapeDtypeStruct((NC * DEG_PAD,), _F32),
    mesh=_MESH,
    compiler_params=pltpu.CompilerParams(
        needs_layout_passes=False, use_tc_tiling_on_sc=False),
    scratch_types=[
        pltpu.VMEM((RPW, 128), _I32),
        pltpu.VMEM((1, 128), _I32),
        pltpu.VMEM((128,), _F32),
        pltpu.VMEM((640,), _F32),
        pltpu.VMEM_SHARED((DEG_PAD,), _F32),
    ],
)
def _sc_degree(dst2_hbm, out_hbm, idxb, tailb, onesv, zbuf, acc):
    c = lax.axis_index("c")
    s = lax.axis_index("s")
    w = c * NS + s

    zero16 = jnp.zeros((16,), _F32)
    one16 = jnp.ones((16,), _F32)
    for j in range(640 // 16):
        zbuf[pl.ds(j * 16, 16)] = zero16
    for j in range(128 // 16):
        onesv[pl.ds(j * 16, 16)] = one16
    pltpu.sync_copy(dst2_hbm.at[pl.ds(w * RPW, RPW), :], idxb)
    pltpu.sync_copy(zbuf, acc.at[pl.ds(s * 640, 640)])
    plsc.subcore_barrier()

    def body(j, _):
        pltpu.sync_copy(onesv, acc.at[idxb.at[j]], add=True)
        return ()

    lax.fori_loop(0, RPW, body, ())

    @pl.when(w < IR - TROW)
    def _():
        pltpu.sync_copy(dst2_hbm.at[pl.ds(TROW + w, 1), :], tailb)
        pltpu.sync_copy(onesv, acc.at[tailb.at[0]], add=True)

    plsc.subcore_barrier()
    pltpu.sync_copy(acc.at[pl.ds(s * 640, 640)],
                    out_hbm.at[pl.ds(c * DEG_PAD + s * 640, 640)])


@functools.partial(
    pl.kernel,
    out_type=jax.ShapeDtypeStruct((NC, NPAD, D), _F32),
    mesh=_MESH,
    compiler_params=pltpu.CompilerParams(
        needs_layout_passes=False, use_tc_tiling_on_sc=False),
    scratch_types=[
        pltpu.VMEM((RPW // 2, 128), _I32),
        pltpu.VMEM((RPW, 128), _I32),
        pltpu.VMEM((128, D), _F32),
        pltpu.VMEM((128, D), _F32),
        pltpu.VMEM_SHARED((NPAD, D), _F32),
        pltpu.SemaphoreType.DMA,
        pltpu.SemaphoreType.DMA,
        pltpu.SemaphoreType.DMA,
    ],
)
def _sc_aggregate(table_hbm, src2_hbm, dst2_hbm, out_hbm,
                  srcb, dstb, rows0, rows1, acc, sg0, sg1, si):
    c = lax.axis_index("c")
    s = lax.axis_index("s")
    w = c * NS + s
    rowbufs = (rows0, rows1)
    sgs = (sg0, sg1)
    half = RPW // 2

    def gather_copy(jloc, b):
        return pltpu.make_async_copy(
            table_hbm.at[srcb.at[jloc]], rowbufs[b], sgs[b])

    src_cp = pltpu.make_async_copy(
        src2_hbm.at[pl.ds(w * RPW, half), :], srcb, si)
    src_cp.start()
    dst_cp = pltpu.make_async_copy(
        dst2_hbm.at[pl.ds(w * RPW, RPW), :], dstb, sg1)
    dst_cp.start()

    zero16 = jnp.zeros((16,), _F32)

    def zbody(i, _):
        for j in range(D // 16):
            rows0[i, pl.ds(j * 16, 16)] = zero16
        return ()

    lax.fori_loop(0, 128, zbody, ())
    for k in range(5):
        pltpu.sync_copy(rows0,
                        acc.at[pl.ds(s * 640 + k * 128, 128), :])

    src_cp.wait()
    dst_cp.wait()
    gather_copy(0, 0).start()

    plsc.subcore_barrier()

    for ph in range(2):
        if ph == 1:
            pltpu.sync_copy(
                src2_hbm.at[pl.ds(w * RPW + half, half), :], srcb)
            gather_copy(0, 0).start()

        def body(j, _, _ph=ph):
            b = lax.rem(j, 2)
            for bb in range(2):
                @pl.when(b == bb)
                def _():
                    gather_copy(j, bb).wait()

                    @pl.when(j + 1 < half)
                    def _():
                        gather_copy(j + 1, 1 - bb).start()
                    pltpu.sync_copy(
                        rowbufs[bb], acc.at[dstb.at[_ph * half + j]],
                        add=True)
            return ()

        lax.fori_loop(0, half, body, ())

    @pl.when(w < IR - TROW)
    def _():
        pltpu.sync_copy(src2_hbm.at[pl.ds(TROW + w, 1), :],
                        srcb.at[pl.ds(0, 1), :])
        pltpu.sync_copy(dst2_hbm.at[pl.ds(TROW + w, 1), :],
                        dstb.at[pl.ds(0, 1), :])
        pltpu.async_copy(table_hbm.at[srcb.at[0]], rows0, sg0).wait()
        pltpu.sync_copy(rows0, acc.at[dstb.at[0]], add=True)

    plsc.subcore_barrier()
    pltpu.sync_copy(acc.at[pl.ds(s * 640, 640), :],
                    out_hbm.at[c, pl.ds(s * 640, 640), :])


def _make_agg_diag(mode):
    @functools.partial(
        pl.kernel,
        out_type=jax.ShapeDtypeStruct((NC, NPAD, D), _F32),
        mesh=_MESH,
        compiler_params=pltpu.CompilerParams(
            needs_layout_passes=False, use_tc_tiling_on_sc=False),
        scratch_types=[
            pltpu.VMEM((RPW // 2, 128), _I32),
            pltpu.VMEM((RPW, 128), _I32),
            pltpu.VMEM((128, D), _F32),
            pltpu.VMEM((128, D), _F32),
            pltpu.VMEM_SHARED((NPAD, D), _F32),
            pltpu.SemaphoreType.DMA,
            pltpu.SemaphoreType.DMA,
            pltpu.SemaphoreType.DMA,
        ],
    )
    def _diag(table_hbm, src2_hbm, dst2_hbm, out_hbm,
              srcb, dstb, rows0, rows1, acc, sg0, sg1, si):
        c = lax.axis_index("c")
        s = lax.axis_index("s")
        w = c * NS + s
        rowbufs = (rows0, rows1)
        sgs = (sg0, sg1)
        half = RPW // 2

        def gather_copy(jloc, b):
            return pltpu.make_async_copy(
                table_hbm.at[srcb.at[jloc]], rowbufs[b], sgs[b])

        src_cp = pltpu.make_async_copy(
            src2_hbm.at[pl.ds(w * RPW, half), :], srcb, si)
        src_cp.start()
        dst_cp = pltpu.make_async_copy(
            dst2_hbm.at[pl.ds(w * RPW, RPW), :], dstb, sg1)
        dst_cp.start()
        zero16 = jnp.zeros((16,), _F32)

        def zbody(i, _):
            for j in range(D // 16):
                rows0[i, pl.ds(j * 16, 16)] = zero16
            return ()

        lax.fori_loop(0, 128, zbody, ())
        for k in range(5):
            pltpu.sync_copy(rows0, acc.at[pl.ds(s * 640 + k * 128, 128), :])
        src_cp.wait()
        dst_cp.wait()
        if mode == "gonly":
            gather_copy(0, 0).start()
        plsc.subcore_barrier()

        for ph in range(2):
            if mode == "gonly":
                if ph == 1:
                    pltpu.sync_copy(
                        src2_hbm.at[pl.ds(w * RPW + half, half), :], srcb)
                    gather_copy(0, 0).start()

                def body(j, _):
                    b = lax.rem(j, 2)
                    for bb in range(2):
                        @pl.when(b == bb)
                        def _():
                            gather_copy(j, bb).wait()

                            @pl.when(j + 1 < half)
                            def _():
                                gather_copy(j + 1, 1 - bb).start()
                    return ()
            else:
                def body(j, _, _ph=ph):
                    pltpu.sync_copy(
                        rows0, acc.at[dstb.at[_ph * half + j]], add=True)
                    return ()

            lax.fori_loop(0, half, body, ())

        plsc.subcore_barrier()
        pltpu.sync_copy(acc.at[pl.ds(s * 640, 640), :],
                        out_hbm.at[c, pl.ds(s * 640, 640), :])
    return _diag


_sc_agg_gonly = _make_agg_diag("gonly")
_sc_agg_sonly = _make_agg_diag("sonly")


@functools.partial(
    pl.kernel,
    out_type=jax.ShapeDtypeStruct((2 * E,), _F32),
    mesh=_MESH,
    compiler_params=pltpu.CompilerParams(
        needs_layout_passes=False, use_tc_tiling_on_sc=False),
    scratch_types=[
        pltpu.VMEM((2 * N,), _F32),
        pltpu.VMEM((2 * N,), _F32),
        pltpu.VMEM((RPW, 128), _I32),
        pltpu.VMEM((RPW, 128), _I32),
        pltpu.VMEM((2 * EPW,), _F32),
        pltpu.VMEM((256,), _F32),
    ],
)
def _sc_edge_head(es_hbm, ed_hbm, src2_hbm, dst2_hbm, out_hbm,
                  esv, edv, srcv, dstv, outv, tailv):
    c = lax.axis_index("c")
    s = lax.axis_index("s")
    w = c * NS + s
    base = w * EPW
    pltpu.sync_copy(es_hbm, esv)
    pltpu.sync_copy(ed_hbm, edv)
    pltpu.sync_copy(src2_hbm.at[pl.ds(w * RPW, RPW), :], srcv)
    pltpu.sync_copy(dst2_hbm.at[pl.ds(w * RPW, RPW), :], dstv)

    ones16 = jnp.ones((16,), _I32)

    def do16(srcref, dstref, erow, eoff, outref, ooff):
        s2 = srcref[erow, pl.ds(eoff, 16)] * 2
        d2 = dstref[erow, pl.ds(eoff, 16)] * 2
        o0 = plsc.load_gather(esv, [s2]) + plsc.load_gather(edv, [d2])
        o1 = (plsc.load_gather(esv, [s2 + ones16]) +
              plsc.load_gather(edv, [d2 + ones16]))
        outref[pl.ds(ooff, 16)] = o0
        outref[pl.ds(ooff + 128, 16)] = o1

    def body(jq, _):
        for jr in range(8):
            do16(srcv, dstv, jq, jr * 16,
                 outv, pl.multiple_of(jq * 256 + jr * 16, 16))
        return ()

    lax.fori_loop(0, RPW, body, ())
    pltpu.sync_copy(outv, out_hbm.at[pl.ds(2 * base, 2 * EPW)])

    @pl.when(w < IR - TROW)
    def _():
        pltpu.sync_copy(src2_hbm.at[pl.ds(TROW + w, 1), :],
                        srcv.at[pl.ds(0, 1), :])
        pltpu.sync_copy(dst2_hbm.at[pl.ds(TROW + w, 1), :],
                        dstv.at[pl.ds(0, 1), :])
        for jr in range(8):
            do16(srcv, dstv, 0, jr * 16, tailv, jr * 16)
        pltpu.sync_copy(tailv, out_hbm.at[pl.ds(2 * (TROW + w) * 128, 256)])


_RB = 1000
_GRID = N // _RB


def _row_spec(width):
    return pl.BlockSpec((_RB, width), lambda i: (i, 0))


def _full_spec(r, cdim):
    return pl.BlockSpec((r, cdim), lambda i: (0, 0))


def _dinv(p0, p1):
    return lax.rsqrt(p0 + p1 + 1.0)


def _tc_matmul_body(x_ref, w_ref, out_ref):
    out_ref[...] = jnp.dot(x_ref[...], w_ref[...],
                           preferred_element_type=_F32)


def _tc_scale1_body(xw_ref, p0_ref, p1_ref, out_ref):
    out_ref[...] = xw_ref[...] * _dinv(p0_ref[...], p1_ref[...])


def _tc_mid_body(a0_ref, a1_ref, s1_ref, p0_ref, p1_ref, w_ref, b1_ref,
                 out_ref):
    dinv = _dinv(p0_ref[...], p1_ref[...])
    pre = dinv * (a0_ref[...] + a1_ref[...] + s1_ref[...]) + b1_ref[...]
    h = jnp.maximum(pre, 0.0)
    out_ref[...] = dinv * jnp.dot(h, w_ref[...], preferred_element_type=_F32)


def _tc_head_body(a0_ref, a1_ref, s2_ref, p0_ref, p1_ref, b2_ref,
                  wn_ref, bn_ref, ws_ref, wd_ref, be_ref,
                  nx_ref, es_ref, ed_ref):
    dinv = _dinv(p0_ref[...], p1_ref[...])
    emb = dinv * (a0_ref[...] + a1_ref[...] + s2_ref[...]) + b2_ref[...]
    nx_ref[...] = jnp.dot(emb, wn_ref[...], preferred_element_type=_F32) + bn_ref[...]
    es_ref[...] = jnp.dot(emb, ws_ref[...], preferred_element_type=_F32) + be_ref[...]
    ed_ref[...] = jnp.dot(emb, wd_ref[...], preferred_element_type=_F32)


def kernel(x, edge_index, W1, b1, W2, b2, Wn, bn, We, be):
    src2 = edge_index[0].astype(_I32).reshape(IR, 128)
    dst2 = edge_index[1].astype(_I32).reshape(IR, 128)

    deg_parts = _sc_degree(dst2)
    p0 = deg_parts[:N].reshape(N, 1)
    p1 = deg_parts[DEG_PAD:DEG_PAD + N].reshape(N, 1)

    xw1 = pl.pallas_call(
        _tc_matmul_body,
        grid=(_GRID,),
        in_specs=[_row_spec(D), _full_spec(D, D)],
        out_specs=_row_spec(D),
        out_shape=jax.ShapeDtypeStruct((N, D), _F32),
    )(x, W1)

    scaled1 = pl.pallas_call(
        _tc_scale1_body,
        grid=(_GRID,),
        in_specs=[_row_spec(D), _row_spec(1), _row_spec(1)],
        out_specs=_row_spec(D),
        out_shape=jax.ShapeDtypeStruct((N, D), _F32),
    )(xw1, p0, p1)

    agg1 = _sc_agg_gonly(scaled1, src2, dst2)

    scaled2 = pl.pallas_call(
        _tc_mid_body,
        grid=(_GRID,),
        in_specs=[_row_spec(D), _row_spec(D), _row_spec(D), _row_spec(1),
                  _row_spec(1), _full_spec(D, D), _full_spec(1, D)],
        out_specs=_row_spec(D),
        out_shape=jax.ShapeDtypeStruct((N, D), _F32),
    )(agg1[0], agg1[1], scaled1, p0, p1, W2, b1.reshape(1, D))

    agg2 = _sc_agg_sonly(scaled2, src2, dst2)

    node_x, es, ed = pl.pallas_call(
        _tc_head_body,
        grid=(_GRID,),
        in_specs=[_row_spec(D), _row_spec(D), _row_spec(D), _row_spec(1),
                  _row_spec(1), _full_spec(1, D), _full_spec(D, 2),
                  _full_spec(1, 2), _full_spec(D, 2), _full_spec(D, 2),
                  _full_spec(1, 2)],
        out_specs=[_row_spec(2), _row_spec(2), _row_spec(2)],
        out_shape=[jax.ShapeDtypeStruct((N, 2), _F32),
                   jax.ShapeDtypeStruct((N, 2), _F32),
                   jax.ShapeDtypeStruct((N, 2), _F32)],
    )(agg2[0], agg2[1], scaled2, p0, p1, b2.reshape(1, D),
      Wn, bn.reshape(1, 2), We[:D], We[D:], be.reshape(1, 2))

    edge_flat = _sc_edge_head(es.reshape(-1), ed.reshape(-1), src2, dst2)
    edge_x = edge_flat.reshape(IR, 2, 128).transpose(0, 2, 1).reshape(E, 2)
    return (node_x, edge_x)

# --- scband reference (transcript-rebuilt; emitter-appended) ---
"""Pipeline reference for scband-gcn-21165598834696 (READ-ONLY COPY).

The authoritative reference and input builder live on the scoring server;
editing this copy changes nothing except your own understanding.
"""

import jax, jax.numpy as jnp
import numpy as np

N_NODES = 10000
N_EDGES = 320000
D_IN = 128
D_H1 = 128
D_H2 = 128
NODE_CLS = 2
EDGE_CLS = 2


def setup_inputs(seed: int = 0) -> dict:
    key = jax.random.key(seed)
    ks = jax.random.split(key, 12)
    x = jax.random.normal(ks[0], (N_NODES, D_IN), dtype=jnp.float32)
    edge_index = jax.random.randint(ks[1], (2, N_EDGES), 0, N_NODES, dtype=jnp.int64)
    # GCNConv layer 1 params (Glorot-ish scale)
    W1 = jax.random.normal(ks[2], (D_IN, D_H1), dtype=jnp.float32) * (1.0 / np.sqrt(D_IN))
    b1 = jnp.zeros((D_H1,), dtype=jnp.float32)
    # GCNConv layer 2 params
    W2 = jax.random.normal(ks[3], (D_H1, D_H2), dtype=jnp.float32) * (1.0 / np.sqrt(D_H1))
    b2 = jnp.zeros((D_H2,), dtype=jnp.float32)
    # node classifier
    Wn = jax.random.normal(ks[4], (D_H2, NODE_CLS), dtype=jnp.float32) * (1.0 / np.sqrt(D_H2))
    bn = jnp.zeros((NODE_CLS,), dtype=jnp.float32)
    # edge classifier (input dim = 2 * D_H2)
    We = jax.random.normal(ks[5], (2 * D_H2, EDGE_CLS), dtype=jnp.float32) * (1.0 / np.sqrt(2 * D_H2))
    be = jnp.zeros((EDGE_CLS,), dtype=jnp.float32)
    return {"x": x, "edge_index": edge_index, "W1": W1, "b1": b1, "W2": W2, "b2": b2, "Wn": Wn, "bn": bn, "We": We, "be": be}


def gcn_conv(x, edge_index, W, b, num_nodes):
    # PyG GCNConv: add self-loops, symmetric normalization D^-1/2 (A+I) D^-1/2, then X W + b
    loop = jnp.arange(num_nodes, dtype=edge_index.dtype)
    src = jnp.concatenate([edge_index[0], loop])
    dst = jnp.concatenate([edge_index[1], loop])
    deg = jnp.zeros((num_nodes,), dtype=x.dtype).at[dst].add(1.0)
    deg_inv_sqrt = jnp.where(deg > 0, deg ** -0.5, 0.0)
    norm = deg_inv_sqrt[src] * deg_inv_sqrt[dst]
    xw = x @ W
    msgs = xw[src] * norm[:, None]
    out = jnp.zeros_like(xw).at[dst].add(msgs)
    return out + b


def reference(x, edge_index, W1, b1, W2, b2, Wn, bn, We, be):
    num_nodes = x.shape[0]
    h = gcn_conv(x, edge_index, W1, b1, num_nodes)
    h = jax.nn.relu(h)
    embeddings = gcn_conv(h, edge_index, W2, b2, num_nodes)
    # dropout in eval mode -> identity
    node_x = embeddings @ Wn + bn
    src = edge_index[0]
    dst = edge_index[1]
    edge_features = jnp.concatenate([embeddings[src, :], embeddings[dst, :]], axis=-1)
    edge_x = edge_features @ We + be
    return (node_x, edge_x)

if __name__ == "__main__":
    import jax
    _d = setup_inputs()
    print(jax.jit(kernel)(*tuple(_d.values())))

</pallas_src>

<mosaic_0001>
#map = affine_map<(d0, d1) -> (0, 0)>
#map1 = affine_map<(d0, d1) -> (0, 0, 0)>
module attributes {stable_mosaic.version = 14 : i64} {
  func.func @_diag(%arg0: i32, %arg1: i32, %arg2: memref<10000x128xf32, #tpu.memory_space<hbm>>, %arg3: memref<2500x128xi32, #tpu.memory_space<hbm>>, %arg4: memref<2500x128xi32, #tpu.memory_space<hbm>>, %arg5: memref<2x10240x128xf32, #tpu.memory_space<hbm>>, %arg6: memref<39x128xi32, #tpu.memory_space<vmem>>, %arg7: memref<78x128xi32, #tpu.memory_space<vmem>>, %arg8: memref<128x128xf32, #tpu.memory_space<vmem>>, %arg9: memref<128x128xf32, #tpu.memory_space<vmem>>, %arg10: memref<10240x128xf32, #tpu.memory_space<vmem_shared>>, %arg11: memref<!tpu.dma_semaphore, #tpu.memory_space<semaphore_mem>>, %arg12: memref<!tpu.dma_semaphore, #tpu.memory_space<semaphore_mem>>, %arg13: memref<!tpu.dma_semaphore, #tpu.memory_space<semaphore_mem>>) attributes {dimension_semantics = [#tpu.dimension_semantics<core_parallel>, #tpu.dimension_semantics<subcore_parallel>], iteration_bounds = array<i64: 2, 16>, scalar_prefetch = 0 : i64, scratch_operands = 8 : i64, tpu.core_type = #tpu.core_type<sc_vector_subcore>, window_params = [{transform_indices = #map}, {transform_indices = #map}, {transform_indices = #map}, {transform_indices = #map1}]} {
    %mul3A = arith.constant 16 : i32
    %mul3A_0 = arith.muli %arg0, %mul3A : i32
    %add3A = arith.addi %mul3A_0, %arg1 : i32
    %mul3A_1 = arith.constant 78 : i32
    %mul3A_2 = arith.muli %add3A, %mul3A_1 : i32
    %dma_start3A = arith.constant 0 : i32
    %dma_start3A_3 = tpu.memref_slice %arg3[%mul3A_2, %dma_start3A] : memref<2500x128xi32, #tpu.memory_space<hbm>> -> memref<39x128xi32, #tpu.memory_space<hbm>>
    %dma_start3A_4 = arith.constant 0 : i32
    %dma_start3A_5 = tpu.memref_slice %arg3[%mul3A_2, %dma_start3A_4] : memref<2500x128xi32, #tpu.memory_space<hbm>> -> memref<39x128xi32, #tpu.memory_space<hbm>>
    tpu.enqueue_dma source(%dma_start3A_5 : memref<39x128xi32, #tpu.memory_space<hbm>>) target(%arg6 : memref<39x128xi32, #tpu.memory_space<vmem>>) target_semaphore(%arg13 : memref<!tpu.dma_semaphore, #tpu.memory_space<semaphore_mem>>)
    %mul3A_6 = arith.constant 78 : i32
    %mul3A_7 = arith.muli %add3A, %mul3A_6 : i32
    %dma_start3A_8 = arith.constant 0 : i32
    %dma_start3A_9 = tpu.memref_slice %arg4[%mul3A_7, %dma_start3A_8] : memref<2500x128xi32, #tpu.memory_space<hbm>> -> memref<78x128xi32, #tpu.memory_space<hbm>>
    %dma_start3A_10 = arith.constant 0 : i32
    %dma_start3A_11 = tpu.memref_slice %arg4[%mul3A_7, %dma_start3A_10] : memref<2500x128xi32, #tpu.memory_space<hbm>> -> memref<78x128xi32, #tpu.memory_space<hbm>>
    tpu.enqueue_dma source(%dma_start3A_11 : memref<78x128xi32, #tpu.memory_space<hbm>>) target(%arg7 : memref<78x128xi32, #tpu.memory_space<vmem>>) target_semaphore(%arg12 : memref<!tpu.dma_semaphore, #tpu.memory_space<semaphore_mem>>)
    %broadcast_in_dim3A = arith.constant 0.000000e+00 : f32
    %broadcast_in_dim3A_12 = vector.broadcast %broadcast_in_dim3A : f32 to vector<16xf32>
    %scan3A = arith.constant 0 : i32
    %scan3A_13 = arith.constant 128 : i32
    %scan3A_14 = arith.addi %scan3A, %scan3A_13 : i32
    %scan3A_15 = arith.constant 1 : i32
    scf.for %scan3A_59 = %scan3A to %scan3A_14 step %scan3A_15  : i32 {
      %swap3A = arith.index_cast %scan3A_59 : i32 to index
      %swap3A_60 = arith.constant 0 : index
      %swap3A_61 = tpu.vector_load %arg8[%swap3A, %swap3A_60] {strides = array<i32>} : memref<128x128xf32, #tpu.memory_space<vmem>>, vector<16xf32>,
      tpu.vector_store %arg8[%swap3A, %swap3A_60], %broadcast_in_dim3A_12 {strides = array<i32>} : memref<128x128xf32, #tpu.memory_space<vmem>>, vector<16xf32>,
      %swap3A_62 = arith.index_cast %scan3A_59 : i32 to index
      %swap3A_63 = arith.constant 16 : index
      %swap3A_64 = tpu.vector_load %arg8[%swap3A_62, %swap3A_63] {strides = array<i32>} : memref<128x128xf32, #tpu.memory_space<vmem>>, vector<16xf32>,
      tpu.vector_store %arg8[%swap3A_62, %swap3A_63], %broadcast_in_dim3A_12 {strides = array<i32>} : memref<128x128xf32, #tpu.memory_space<vmem>>, vector<16xf32>,
      %swap3A_65 = arith.index_cast %scan3A_59 : i32 to index
      %swap3A_66 = arith.constant 32 : index
      %swap3A_67 = tpu.vector_load %arg8[%swap3A_65, %swap3A_66] {strides = array<i32>} : memref<128x128xf32, #tpu.memory_space<vmem>>, vector<16xf32>,
      tpu.vector_store %arg8[%swap3A_65, %swap3A_66], %broadcast_in_dim3A_12 {strides = array<i32>} : memref<128x128xf32, #tpu.memory_space<vmem>>, vector<16xf32>,
      %swap3A_68 = arith.index_cast %scan3A_59 : i32 to index
      %swap3A_69 = arith.constant 48 : index
      %swap3A_70 = tpu.vector_load %arg8[%swap3A_68, %swap3A_69] {strides = array<i32>} : memref<128x128xf32, #tpu.memory_space<vmem>>, vector<16xf32>,
      tpu.vector_store %arg8[%swap3A_68, %swap3A_69], %broadcast_in_dim3A_12 {strides = array<i32>} : memref<128x128xf32, #tpu.memory_space<vmem>>, vector<16xf32>,
      %swap3A_71 = arith.index_cast %scan3A_59 : i32 to index
      %swap3A_72 = arith.constant 64 : index
      %swap3A_73 = tpu.vector_load %arg8[%swap3A_71, %swap3A_72] {strides = array<i32>} : memref<128x128xf32, #tpu.memory_space<vmem>>, vector<16xf32>,
      tpu.vector_store %arg8[%swap3A_71, %swap3A_72], %broadcast_in_dim3A_12 {strides = array<i32>} : memref<128x128xf32, #tpu.memory_space<vmem>>, vector<16xf32>,
      %swap3A_74 = arith.index_cast %scan3A_59 : i32 to index
      %swap3A_75 = arith.constant 80 : index
      %swap3A_76 = tpu.vector_load %arg8[%swap3A_74, %swap3A_75] {strides = array<i32>} : memref<128x128xf32, #tpu.memory_space<vmem>>, vector<16xf32>,
      tpu.vector_store %arg8[%swap3A_74, %swap3A_75], %broadcast_in_dim3A_12 {strides = array<i32>} : memref<128x128xf32, #tpu.memory_space<vmem>>, vector<16xf32>,
      %swap3A_77 = arith.index_cast %scan3A_59 : i32 to index
      %swap3A_78 = arith.constant 96 : index
      %swap3A_79 = tpu.vector_load %arg8[%swap3A_77, %swap3A_78] {strides = array<i32>} : memref<128x128xf32, #tpu.memory_space<vmem>>, vector<16xf32>,
      tpu.vector_store %arg8[%swap3A_77, %swap3A_78], %broadcast_in_dim3A_12 {strides = array<i32>} : memref<128x128xf32, #tpu.memory_space<vmem>>, vector<16xf32>,
      %swap3A_80 = arith.index_cast %scan3A_59 : i32 to index
      %swap3A_81 = arith.constant 112 : index
      %swap3A_82 = tpu.vector_load %arg8[%swap3A_80, %swap3A_81] {strides = array<i32>} : memref<128x128xf32, #tpu.memory_space<vmem>>, vector<16xf32>,
      tpu.vector_store %arg8[%swap3A_80, %swap3A_81], %broadcast_in_dim3A_12 {strides = array<i32>} : memref<128x128xf32, #tpu.memory_space<vmem>>, vector<16xf32>,
    }
    %scan3A_16 = arith.constant 128 : i32
    %mul3A_17 = arith.constant 640 : i32
    %mul3A_18 = arith.muli %arg1, %mul3A_17 : i32
    %add3A_19 = arith.constant 0 : i32
    %add3A_20 = arith.addi %mul3A_18, %add3A_19 : i32
    "tpu.region"() ({
      %run_scoped3A = tpu.sem_alloc : memref<!tpu.dma_semaphore, #tpu.memory_space<semaphore_mem>>
      %dma_start3A_59 = arith.constant 0 : i32
      %dma_start3A_60 = tpu.memref_slice %arg10[%add3A_20, %dma_start3A_59] : memref<10240x128xf32, #tpu.memory_space<vmem_shared>> -> memref<128x128xf32, #tpu.memory_space<vmem_shared>>
      %dma_start3A_61 = arith.constant 0 : i32
      %dma_start3A_62 = tpu.memref_slice %arg10[%add3A_20, %dma_start3A_61] : memref<10240x128xf32, #tpu.memory_space<vmem_shared>> -> memref<128x128xf32, #tpu.memory_space<vmem_shared>>
      tpu.enqueue_dma source(%arg8 : memref<128x128xf32, #tpu.memory_space<vmem>>) target(%dma_start3A_62 : memref<128x128xf32, #tpu.memory_space<vmem_shared>>) target_semaphore(%run_scoped3A : memref<!tpu.dma_semaphore, #tpu.memory_space<semaphore_mem>>)
      %dma_wait3A_63 = arith.constant 0 : i32
      %dma_wait3A_64 = tpu.memref_slice %arg10[%add3A_20, %dma_wait3A_63] : memref<10240x128xf32, #tpu.memory_space<vmem_shared>> -> memref<128x128xf32, #tpu.memory_space<vmem_shared>>
      %dma_wait3A_65 = arith.constant 0 : i32
      %dma_wait3A_66 = tpu.memref_slice %arg10[%add3A_20, %dma_wait3A_65] : memref<10240x128xf32, #tpu.memory_space<vmem_shared>> -> memref<128x128xf32, #tpu.memory_space<vmem_shared>>
      tpu.wait_dma2 semaphore(%run_scoped3A : memref<!tpu.dma_semaphore, #tpu.memory_space<semaphore_mem>>) src(%arg8 : memref<128x128xf32, #tpu.memory_space<vmem>>) dst(%dma_wait3A_66 : memref<128x128xf32, #tpu.memory_space<vmem_shared>>)
      tpu.yield
    }) : () -> ()
    %mul3A_21 = arith.constant 640 : i32
    %mul3A_22 = arith.muli %arg1, %mul3A_21 : i32
    %add3A_23 = arith.constant 128 : i32
    %add3A_24 = arith.addi %mul3A_22, %add3A_23 : i32
    "tpu.region"() ({
      %run_scoped3A = tpu.sem_alloc : memref<!tpu.dma_semaphore, #tpu.memory_space<semaphore_mem>>
      %dma_start3A_59 = arith.constant 0 : i32
      %dma_start3A_60 = tpu.memref_slice %arg10[%add3A_24, %dma_start3A_59] : memref<10240x128xf32, #tpu.memory_space<vmem_shared>> -> memref<128x128xf32, #tpu.memory_space<vmem_shared>>
      %dma_start3A_61 = arith.constant 0 : i32
      %dma_start3A_62 = tpu.memref_slice %arg10[%add3A_24, %dma_start3A_61] : memref<10240x128xf32, #tpu.memory_space<vmem_shared>> -> memref<128x128xf32, #tpu.memory_space<vmem_shared>>
      tpu.enqueue_dma source(%arg8 : memref<128x128xf32, #tpu.memory_space<vmem>>) target(%dma_start3A_62 : memref<128x128xf32, #tpu.memory_space<vmem_shared>>) target_semaphore(%run_scoped3A : memref<!tpu.dma_semaphore, #tpu.memory_space<semaphore_mem>>)
      %dma_wait3A_63 = arith.constant 0 : i32
      %dma_wait3A_64 = tpu.memref_slice %arg10[%add3A_24, %dma_wait3A_63] : memref<10240x128xf32, #tpu.memory_space<vmem_shared>> -> memref<128x128xf32, #tpu.memory_space<vmem_shared>>
      %dma_wait3A_65 = arith.constant 0 : i32
      %dma_wait3A_66 = tpu.memref_slice %arg10[%add3A_24, %dma_wait3A_65] : memref<10240x128xf32, #tpu.memory_space<vmem_shared>> -> memref<128x128xf32, #tpu.memory_space<vmem_shared>>
      tpu.wait_dma2 semaphore(%run_scoped3A : memref<!tpu.dma_semaphore, #tpu.memory_space<semaphore_mem>>) src(%arg8 : memref<128x128xf32, #tpu.memory_space<vmem>>) dst(%dma_wait3A_66 : memref<128x128xf32, #tpu.memory_space<vmem_shared>>)
      tpu.yield
    }) : () -> ()
    %mul3A_25 = arith.constant 640 : i32
    %mul3A_26 = arith.muli %arg1, %mul3A_25 : i32
    %add3A_27 = arith.constant 256 : i32
    %add3A_28 = arith.addi %mul3A_26, %add3A_27 : i32
    "tpu.region"() ({
      %run_scoped3A = tpu.sem_alloc : memref<!tpu.dma_semaphore, #tpu.memory_space<semaphore_mem>>
      %dma_start3A_59 = arith.constant 0 : i32
      %dma_start3A_60 = tpu.memref_slice %arg10[%add3A_28, %dma_start3A_59] : memref<10240x128xf32, #tpu.memory_space<vmem_shared>> -> memref<128x128xf32, #tpu.memory_space<vmem_shared>>
      %dma_start3A_61 = arith.constant 0 : i32
      %dma_start3A_62 = tpu.memref_slice %arg10[%add3A_28, %dma_start3A_61] : memref<10240x128xf32, #tpu.memory_space<vmem_shared>> -> memref<128x128xf32, #tpu.memory_space<vmem_shared>>
      tpu.enqueue_dma source(%arg8 : memref<128x128xf32, #tpu.memory_space<vmem>>) target(%dma_start3A_62 : memref<128x128xf32, #tpu.memory_space<vmem_shared>>) target_semaphore(%run_scoped3A : memref<!tpu.dma_semaphore, #tpu.memory_space<semaphore_mem>>)
      %dma_wait3A_63 = arith.constant 0 : i32
      %dma_wait3A_64 = tpu.memref_slice %arg10[%add3A_28, %dma_wait3A_63] : memref<10240x128xf32, #tpu.memory_space<vmem_shared>> -> memref<128x128xf32, #tpu.memory_space<vmem_shared>>
      %dma_wait3A_65 = arith.constant 0 : i32
      %dma_wait3A_66 = tpu.memref_slice %arg10[%add3A_28, %dma_wait3A_65] : memref<10240x128xf32, #tpu.memory_space<vmem_shared>> -> memref<128x128xf32, #tpu.memory_space<vmem_shared>>
      tpu.wait_dma2 semaphore(%run_scoped3A : memref<!tpu.dma_semaphore, #tpu.memory_space<semaphore_mem>>) src(%arg8 : memref<128x128xf32, #tpu.memory_space<vmem>>) dst(%dma_wait3A_66 : memref<128x128xf32, #tpu.memory_space<vmem_shared>>)
      tpu.yield
    }) : () -> ()
    %mul3A_29 = arith.constant 640 : i32
    %mul3A_30 = arith.muli %arg1, %mul3A_29 : i32
    %add3A_31 = arith.constant 384 : i32
    %add3A_32 = arith.addi %mul3A_30, %add3A_31 : i32
    "tpu.region"() ({
      %run_scoped3A = tpu.sem_alloc : memref<!tpu.dma_semaphore, #tpu.memory_space<semaphore_mem>>
      %dma_start3A_59 = arith.constant 0 : i32
      %dma_start3A_60 = tpu.memref_slice %arg10[%add3A_32, %dma_start3A_59] : memref<10240x128xf32, #tpu.memory_space<vmem_shared>> -> memref<128x128xf32, #tpu.memory_space<vmem_shared>>
      %dma_start3A_61 = arith.constant 0 : i32
      %dma_start3A_62 = tpu.memref_slice %arg10[%add3A_32, %dma_start3A_61] : memref<10240x128xf32, #tpu.memory_space<vmem_shared>> -> memref<128x128xf32, #tpu.memory_space<vmem_shared>>
      tpu.enqueue_dma source(%arg8 : memref<128x128xf32, #tpu.memory_space<vmem>>) target(%dma_start3A_62 : memref<128x128xf32, #tpu.memory_space<vmem_shared>>) target_semaphore(%run_scoped3A : memref<!tpu.dma_semaphore, #tpu.memory_space<semaphore_mem>>)
      %dma_wait3A_63 = arith.constant 0 : i32
      %dma_wait3A_64 = tpu.memref_slice %arg10[%add3A_32, %dma_wait3A_63] : memref<10240x128xf32, #tpu.memory_space<vmem_shared>> -> memref<128x128xf32, #tpu.memory_space<vmem_shared>>
      %dma_wait3A_65 = arith.constant 0 : i32
      %dma_wait3A_66 = tpu.memref_slice %arg10[%add3A_32, %dma_wait3A_65] : memref<10240x128xf32, #tpu.memory_space<vmem_shared>> -> memref<128x128xf32, #tpu.memory_space<vmem_shared>>
      tpu.wait_dma2 semaphore(%run_scoped3A : memref<!tpu.dma_semaphore, #tpu.memory_space<semaphore_mem>>) src(%arg8 : memref<128x128xf32, #tpu.memory_space<vmem>>) dst(%dma_wait3A_66 : memref<128x128xf32, #tpu.memory_space<vmem_shared>>)
      tpu.yield
    }) : () -> ()
    %mul3A_33 = arith.constant 640 : i32
    %mul3A_34 = arith.muli %arg1, %mul3A_33 : i32
    %add3A_35 = arith.constant 512 : i32
    %add3A_36 = arith.addi %mul3A_34, %add3A_35 : i32
    "tpu.region"() ({
      %run_scoped3A = tpu.sem_alloc : memref<!tpu.dma_semaphore, #tpu.memory_space<semaphore_mem>>
      %dma_start3A_59 = arith.constant 0 : i32
      %dma_start3A_60 = tpu.memref_slice %arg10[%add3A_36, %dma_start3A_59] : memref<10240x128xf32, #tpu.memory_space<vmem_shared>> -> memref<128x128xf32, #tpu.memory_space<vmem_shared>>
      %dma_start3A_61 = arith.constant 0 : i32
      %dma_start3A_62 = tpu.memref_slice %arg10[%add3A_36, %dma_start3A_61] : memref<10240x128xf32, #tpu.memory_space<vmem_shared>> -> memref<128x128xf32, #tpu.memory_space<vmem_shared>>
      tpu.enqueue_dma source(%arg8 : memref<128x128xf32, #tpu.memory_space<vmem>>) target(%dma_start3A_62 : memref<128x128xf32, #tpu.memory_space<vmem_shared>>) target_semaphore(%run_scoped3A : memref<!tpu.dma_semaphore, #tpu.memory_space<semaphore_mem>>)
      %dma_wait3A_63 = arith.constant 0 : i32
      %dma_wait3A_64 = tpu.memref_slice %arg10[%add3A_36, %dma_wait3A_63] : memref<10240x128xf32, #tpu.memory_space<vmem_shared>> -> memref<128x128xf32, #tpu.memory_space<vmem_shared>>
      %dma_wait3A_65 = arith.constant 0 : i32
      %dma_wait3A_66 = tpu.memref_slice %arg10[%add3A_36, %dma_wait3A_65] : memref<10240x128xf32, #tpu.memory_space<vmem_shared>> -> memref<128x128xf32, #tpu.memory_space<vmem_shared>>
      tpu.wait_dma2 semaphore(%run_scoped3A : memref<!tpu.dma_semaphore, #tpu.memory_space<semaphore_mem>>) src(%arg8 : memref<128x128xf32, #tpu.memory_space<vmem>>) dst(%dma_wait3A_66 : memref<128x128xf32, #tpu.memory_space<vmem_shared>>)
      tpu.yield
    }) : () -> ()
    %dma_wait3A = arith.constant 0 : i32
    %dma_wait3A_37 = tpu.memref_slice %arg3[%mul3A_2, %dma_wait3A] : memref<2500x128xi32, #tpu.memory_space<hbm>> -> memref<39x128xi32, #tpu.memory_space<hbm>>
    %dma_wait3A_38 = arith.constant 0 : i32
    %dma_wait3A_39 = tpu.memref_slice %arg3[%mul3A_2, %dma_wait3A_38] : memref<2500x128xi32, #tpu.memory_space<hbm>> -> memref<39x128xi32, #tpu.memory_space<hbm>>
    tpu.wait_dma2 semaphore(%arg13 : memref<!tpu.dma_semaphore, #tpu.memory_space<semaphore_mem>>) src(%dma_wait3A_39 : memref<39x128xi32, #tpu.memory_space<hbm>>) dst(%arg6 : memref<39x128xi32, #tpu.memory_space<vmem>>)
    %dma_wait3A_40 = arith.constant 0 : i32
    %dma_wait3A_41 = tpu.memref_slice %arg4[%mul3A_7, %dma_wait3A_40] : memref<2500x128xi32, #tpu.memory_space<hbm>> -> memref<78x128xi32, #tpu.memory_space<hbm>>
    %dma_wait3A_42 = arith.constant 0 : i32
    %dma_wait3A_43 = tpu.memref_slice %arg4[%mul3A_7, %dma_wait3A_42] : memref<2500x128xi32, #tpu.memory_space<hbm>> -> memref<78x128xi32, #tpu.memory_space<hbm>>
    tpu.wait_dma2 semaphore(%arg12 : memref<!tpu.dma_semaphore, #tpu.memory_space<semaphore_mem>>) src(%dma_wait3A_43 : memref<78x128xi32, #tpu.memory_space<hbm>>) dst(%arg7 : memref<78x128xi32, #tpu.memory_space<vmem>>)
    %barrier3A = arith.constant 0 : index
    tpu.barrier barrier_id(%barrier3A)
    %scan3A_44 = arith.constant 0 : i32
    %scan3A_45 = arith.constant 39 : i32
    %scan3A_46 = arith.addi %scan3A_44, %scan3A_45 : i32
    %scan3A_47 = arith.constant 1 : i32
    scf.for %scan3A_59 = %scan3A_44 to %scan3A_46 step %scan3A_47  : i32 {
      %add3A_60 = arith.constant 0 : i32
      %add3A_61 = arith.addi %add3A_60, %scan3A_59 : i32
      "tpu.region"() ({
        %run_scoped3A = tpu.sem_alloc : memref<!tpu.dma_semaphore, #tpu.memory_space<semaphore_mem>>
        %dma_start3A_62 = arith.constant 0 : i32
        %dma_start3A_63 = tpu.memref_slice %arg7[%add3A_61, %dma_start3A_62] : memref<78x128xi32, #tpu.memory_space<vmem>> -> memref<1x128xi32, #tpu.memory_space<vmem>>
        %dma_start3A_64 = tpu.memref_squeeze %dma_start3A_63 : memref<1x128xi32, #tpu.memory_space<vmem>> -> memref<128xi32, #tpu.memory_space<vmem>>
        %dma_start3A_65 = arith.constant 0 : i32
        %dma_start3A_66 = arith.constant 0 : i32
        %dma_start3A_67 = tpu.memref_slice %arg10[%dma_start3A_65, %dma_start3A_66] : memref<10240x128xf32, #tpu.memory_space<vmem_shared>> -> memref<10240x128xf32, #tpu.memory_space<vmem_shared>>
        tpu.enqueue_indirect_dma source(%arg8 : memref<128x128xf32, #tpu.memory_space<vmem>>) target(%dma_start3A_67 : memref<10240x128xf32, #tpu.memory_space<vmem_shared>>) offsets(%dma_start3A_64 : memref<128xi32, #tpu.memory_space<vmem>>) semaphore(%run_scoped3A : memref<!tpu.dma_semaphore, #tpu.memory_space<semaphore_mem>>) {add = true}
        %dma_wait3A_68 = arith.constant 0 : i32
        %dma_wait3A_69 = tpu.memref_slice %arg7[%add3A_61, %dma_wait3A_68] : memref<78x128xi32, #tpu.memory_space<vmem>> -> memref<1x128xi32, #tpu.memory_space<vmem>>
        %dma_wait3A_70 = tpu.memref_squeeze %dma_wait3A_69 : memref<1x128xi32, #tpu.memory_space<vmem>> -> memref<128xi32, #tpu.memory_space<vmem>>
        %dma_wait3A_71 = arith.constant 0 : i32
        %dma_wait3A_72 = arith.constant 0 : i32
        %dma_wait3A_73 = tpu.memref_slice %arg10[%dma_wait3A_71, %dma_wait3A_72] : memref<10240x128xf32, #tpu.memory_space<vmem_shared>> -> memref<10240x128xf32, #tpu.memory_space<vmem_shared>>
        tpu.wait_indirect_dma semaphore(%run_scoped3A : memref<!tpu.dma_semaphore, #tpu.memory_space<semaphore_mem>>) src(%arg8 : memref<128x128xf32, #tpu.memory_space<vmem>>) dst(%dma_wait3A_73 : memref<10240x128xf32, #tpu.memory_space<vmem_shared>>)
        tpu.yield
      }) : () -> ()
    }
    %scan3A_48 = arith.constant 39 : i32
    %scan3A_49 = arith.constant 0 : i32
    %scan3A_50 = arith.constant 39 : i32
    %scan3A_51 = arith.addi %scan3A_49, %scan3A_50 : i32
    %scan3A_52 = arith.constant 1 : i32
    scf.for %scan3A_59 = %scan3A_49 to %scan3A_51 step %scan3A_52  : i32 {
      %add3A_60 = arith.constant 39 : i32
      %add3A_61 = arith.addi %add3A_60, %scan3A_59 : i32
      "tpu.region"() ({
        %run_scoped3A = tpu.sem_alloc : memref<!tpu.dma_semaphore, #tpu.memory_space<semaphore_mem>>
        %dma_start3A_62 = arith.constant 0 : i32
        %dma_start3A_63 = tpu.memref_slice %arg7[%add3A_61, %dma_start3A_62] : memref<78x128xi32, #tpu.memory_space<vmem>> -> memref<1x128xi32, #tpu.memory_space<vmem>>
        %dma_start3A_64 = tpu.memref_squeeze %dma_start3A_63 : memref<1x128xi32, #tpu.memory_space<vmem>> -> memref<128xi32, #tpu.memory_space<vmem>>
        %dma_start3A_65 = arith.constant 0 : i32
        %dma_start3A_66 = arith.constant 0 : i32
        %dma_start3A_67 = tpu.memref_slice %arg10[%dma_start3A_65, %dma_start3A_66] : memref<10240x128xf32, #tpu.memory_space<vmem_shared>> -> memref<10240x128xf32, #tpu.memory_space<vmem_shared>>
        tpu.enqueue_indirect_dma source(%arg8 : memref<128x128xf32, #tpu.memory_space<vmem>>) target(%dma_start3A_67 : memref<10240x128xf32, #tpu.memory_space<vmem_shared>>) offsets(%dma_start3A_64 : memref<128xi32, #tpu.memory_space<vmem>>) semaphore(%run_scoped3A : memref<!tpu.dma_semaphore, #tpu.memory_space<semaphore_mem>>) {add = true}
        %dma_wait3A_68 = arith.constant 0 : i32
        %dma_wait3A_69 = tpu.memref_slice %arg7[%add3A_61, %dma_wait3A_68] : memref<78x128xi32, #tpu.memory_space<vmem>> -> memref<1x128xi32, #tpu.memory_space<vmem>>
        %dma_wait3A_70 = tpu.memref_squeeze %dma_wait3A_69 : memref<1x128xi32, #tpu.memory_space<vmem>> -> memref<128xi32, #tpu.memory_space<vmem>>
        %dma_wait3A_71 = arith.constant 0 : i32
        %dma_wait3A_72 = arith.constant 0 : i32
        %dma_wait3A_73 = tpu.memref_slice %arg10[%dma_wait3A_71, %dma_wait3A_72] : memref<10240x128xf32, #tpu.memory_space<vmem_shared>> -> memref<10240x128xf32, #tpu.memory_space<vmem_shared>>
        tpu.wait_indirect_dma semaphore(%run_scoped3A : memref<!tpu.dma_semaphore, #tpu.memory_space<semaphore_mem>>) src(%arg8 : memref<128x128xf32, #tpu.memory_space<vmem>>) dst(%dma_wait3A_73 : memref<10240x128xf32, #tpu.memory_space<vmem_shared>>)
        tpu.yield
      }) : () -> ()
    }
    %scan3A_53 = arith.constant 39 : i32
    %barrier3A_54 = arith.constant 0 : index
    tpu.barrier barrier_id(%barrier3A_54)
    %mul3A_55 = arith.constant 640 : i32
    %mul3A_56 = arith.muli %arg1, %mul3A_55 : i32
    %mul3A_57 = arith.constant 640 : i32
    %mul3A_58 = arith.muli %arg1, %mul3A_57 : i32
    "tpu.region"() ({
      %run_scoped3A = tpu.sem_alloc : memref<!tpu.dma_semaphore, #tpu.memory_space<semaphore_mem>>
      %dma_start3A_59 = arith.constant 0 : i32
      %dma_start3A_60 = tpu.memref_slice %arg5[%arg0, %mul3A_58, %dma_start3A_59] : memref<2x10240x128xf32, #tpu.memory_space<hbm>> -> memref<1x640x128xf32, #tpu.memory_space<hbm>>
      %dma_start3A_61 = tpu.memref_squeeze %dma_start3A_60 : memref<1x640x128xf32, #tpu.memory_space<hbm>> -> memref<640x128xf32, #tpu.memory_space<hbm>>
      %dma_start3A_62 = arith.constant 0 : i32
      %dma_start3A_63 = tpu.memref_slice %arg10[%mul3A_56, %dma_start3A_62] : memref<10240x128xf32, #tpu.memory_space<vmem_shared>> -> memref<640x128xf32, #tpu.memory_space<vmem_shared>>
      tpu.enqueue_dma source(%dma_start3A_63 : memref<640x128xf32, #tpu.memory_space<vmem_shared>>) target(%dma_start3A_61 : memref<640x128xf32, #tpu.memory_space<hbm>>) target_semaphore(%run_scoped3A : memref<!tpu.dma_semaphore, #tpu.memory_space<semaphore_mem>>)
      %dma_wait3A_64 = arith.constant 0 : i32
      %dma_wait3A_65 = tpu.memref_slice %arg5[%arg0, %mul3A_58, %dma_wait3A_64] : memref<2x10240x128xf32, #tpu.memory_space<hbm>> -> memref<1x640x128xf32, #tpu.memory_space<hbm>>
      %dma_wait3A_66 = tpu.memref_squeeze %dma_wait3A_65 : memref<1x640x128xf32, #tpu.memory_space<hbm>> -> memref<640x128xf32, #tpu.memory_space<hbm>>
      %dma_wait3A_67 = arith.constant 0 : i32
      %dma_wait3A_68 = tpu.memref_slice %arg10[%mul3A_56, %dma_wait3A_67] : memref<10240x128xf32, #tpu.memory_space<vmem_shared>> -> memref<640x128xf32, #tpu.memory_space<vmem_shared>>
      tpu.wait_dma2 semaphore(%run_scoped3A : memref<!tpu.dma_semaphore, #tpu.memory_space<semaphore_mem>>) src(%dma_wait3A_68 : memref<640x128xf32, #tpu.memory_space<vmem_shared>>) dst(%dma_wait3A_66 : memref<640x128xf32, #tpu.memory_space<hbm>>)
      tpu.yield
    }) : () -> ()
    return
  }
}

#map = affine_map<(d0, d1) -> (0, 0)>
#map1 = affine_map<(d0, d1) -> (0)>
module attributes {stable_mosaic.version = 14 : i64} {
  func.func @_sc_degree(%arg0: i32, %arg1: i32, %arg2: memref<2500x128xi32, #tpu.memory_space<hbm>>, %arg3: memref<20480xf32, #tpu.memory_space<hbm>>, %arg4: memref<78x128xi32, #tpu.memory_space<vmem>>, %arg5: memref<1x128xi32, #tpu.memory_space<vmem>>, %arg6: memref<128xf32, #tpu.memory_space<vmem>>, %arg7: memref<640xf32, #tpu.memory_space<vmem>>, %arg8: memref<10240xf32, #tpu.memory_space<vmem_shared>>) attributes {dimension_semantics = [#tpu.dimension_semantics<core_parallel>, #tpu.dimension_semantics<subcore_parallel>], iteration_bounds = array<i64: 2, 16>, scalar_prefetch = 0 : i64, scratch_operands = 5 : i64, tpu.core_type = #tpu.core_type<sc_vector_subcore>, window_params = [{transform_indices = #map}, {transform_indices = #map1}]} {
    %mul3A = arith.constant 16 : i32
    %mul3A_0 = arith.muli %arg0, %mul3A : i32
    %add3A = arith.addi %mul3A_0, %arg1 : i32
    %broadcast_in_dim3A = arith.constant 0.000000e+00 : f32
    %broadcast_in_dim3A_1 = vector.broadcast %broadcast_in_dim3A : f32 to vector<16xf32>
    %broadcast_in_dim3A_2 = arith.constant 1.000000e+00 : f32
    %broadcast_in_dim3A_3 = vector.broadcast %broadcast_in_dim3A_2 : f32 to vector<16xf32>
    %swap3A = arith.constant 0 : index
    %swap3A_4 = tpu.vector_load %arg7[%swap3A] {strides = array<i32>} : memref<640xf32, #tpu.memory_space<vmem>>, vector<16xf32>,
    tpu.vector_store %arg7[%swap3A], %broadcast_in_dim3A_1 {strides = array<i32>} : memref<640xf32, #tpu.memory_space<vmem>>, vector<16xf32>,
    %swap3A_5 = arith.constant 16 : index
    %swap3A_6 = tpu.vector_load %arg7[%swap3A_5] {strides = array<i32>} : memref<640xf32, #tpu.memory_space<vmem>>, vector<16xf32>,
    tpu.vector_store %arg7[%swap3A_5], %broadcast_in_dim3A_1 {strides = array<i32>} : memref<640xf32, #tpu.memory_space<vmem>>, vector<16xf32>,
    %swap3A_7 = arith.constant 32 : index
    %swap3A_8 = tpu.vector_load %arg7[%swap3A_7] {strides = array<i32>} : memref<640xf32, #tpu.memory_space<vmem>>, vector<16xf32>,
    tpu.vector_store %arg7[%swap3A_7], %broadcast_in_dim3A_1 {strides = array<i32>} : memref<640xf32, #tpu.memory_space<vmem>>, vector<16xf32>,
    %swap3A_9 = arith.constant 48 : index
    %swap3A_10 = tpu.vector_load %arg7[%swap3A_9] {strides = array<i32>} : memref<640xf32, #tpu.memory_space<vmem>>, vector<16xf32>,
    tpu.vector_store %arg7[%swap3A_9], %broadcast_in_dim3A_1 {strides = array<i32>} : memref<640xf32, #tpu.memory_space<vmem>>, vector<16xf32>,
    %swap3A_11 = arith.constant 64 : index
    %swap3A_12 = tpu.vector_load %arg7[%swap3A_11] {strides = array<i32>} : memref<640xf32, #tpu.memory_space<vmem>>, vector<16xf32>,
    tpu.vector_store %arg7[%swap3A_11], %broadcast_in_dim3A_1 {strides = array<i32>} : memref<640xf32, #tpu.memory_space<vmem>>, vector<16xf32>,
    %swap3A_13 = arith.constant 80 : index
    %swap3A_14 = tpu.vector_load %arg7[%swap3A_13] {strides = array<i32>} : memref<640xf32, #tpu.memory_space<vmem>>, vector<16xf32>,
    tpu.vector_store %arg7[%swap3A_13], %broadcast_in_dim3A_1 {strides = array<i32>} : memref<640xf32, #tpu.memory_space<vmem>>, vector<16xf32>,
    %swap3A_15 = arith.constant 96 : index
    %swap3A_16 = tpu.vector_load %arg7[%swap3A_15] {strides = array<i32>} : memref<640xf32, #tpu.memory_space<vmem>>, vector<16xf32>,
    tpu.vector_store %arg7[%swap3A_15], %broadcast_in_dim3A_1 {strides = array<i32>} : memref<640xf32, #tpu.memory_space<vmem>>, vector<16xf32>,
    %swap3A_17 = arith.constant 112 : index
    %swap3A_18 = tpu.vector_load %arg7[%swap3A_17] {strides = array<i32>} : memref<640xf32, #tpu.memory_space<vmem>>, vector<16xf32>,
    tpu.vector_store %arg7[%swap3A_17], %broadcast_in_dim3A_1 {strides = array<i32>} : memref<640xf32, #tpu.memory_space<vmem>>, vector<16xf32>,
    %swap3A_19 = arith.constant 128 : index
    %swap3A_20 = tpu.vector_load %arg7[%swap3A_19] {strides = array<i32>} : memref<640xf32, #tpu.memory_space<vmem>>, vector<16xf32>,
    tpu.vector_store %arg7[%swap3A_19], %broadcast_in_dim3A_1 {strides = array<i32>} : memref<640xf32, #tpu.memory_space<vmem>>, vector<16xf32>,
    %swap3A_21 = arith.constant 144 : index
    %swap3A_22 = tpu.vector_load %arg7[%swap3A_21] {strides = array<i32>} : memref<640xf32, #tpu.memory_space<vmem>>, vector<16xf32>,
    tpu.vector_store %arg7[%swap3A_21], %broadcast_in_dim3A_1 {strides = array<i32>} : memref<640xf32, #tpu.memory_space<vmem>>, vector<16xf32>,
    %swap3A_23 = arith.constant 160 : index
    %swap3A_24 = tpu.vector_load %arg7[%swap3A_23] {strides = array<i32>} : memref<640xf32, #tpu.memory_space<vmem>>, vector<16xf32>,
    tpu.vector_store %arg7[%swap3A_23], %broadcast_in_dim3A_1 {strides = array<i32>} : memref<640xf32, #tpu.memory_space<vmem>>, vector<16xf32>,
    %swap3A_25 = arith.constant 176 : index
    %swap3A_26 = tpu.vector_load %arg7[%swap3A_25] {strides = array<i32>} : memref<640xf32, #tpu.memory_space<vmem>>, vector<16xf32>,
    tpu.vector_store %arg7[%swap3A_25], %broadcast_in_dim3A_1 {strides = array<i32>} : memref<640xf32, #tpu.memory_space<vmem>>, vector<16xf32>,
    %swap3A_27 = arith.constant 192 : index
    %swap3A_28 = tpu.vector_load %arg7[%swap3A_27] {strides = array<i32>} : memref<640xf32, #tpu.memory_space<vmem>>, vector<16xf32>,
    tpu.vector_store %arg7[%swap3A_27], %broadcast_in_dim3A_1 {strides = array<i32>} : memref<640xf32, #tpu.memory_space<vmem>>, vector<16xf32>,
    %swap3A_29 = arith.constant 208 : index
    %swap3A_30 = tpu.vector_load %arg7[%swap3A_29] {strides = array<i32>} : memref<640xf32, #tpu.memory_space<vmem>>, vector<16xf32>,
    tpu.vector_store %arg7[%swap3A_29], %broadcast_in_dim3A_1 {strides = array<i32>} : memref<640xf32, #tpu.memory_space<vmem>>, vector<16xf32>,
    %swap3A_31 = arith.constant 224 : index
    %swap3A_32 = tpu.vector_load %arg7[%swap3A_31] {strides = array<i32>} : memref<640xf32, #tpu.memory_space<vmem>>, vector<16xf32>,
    tpu.vector_store %arg7[%swap3A_31], %broadcast_in_dim3A_1 {strides = array<i32>} : memref<640xf32, #tpu.memory_space<vmem>>, vector<16xf32>,
    %swap3A_33 = arith.constant 240 : index
    %swap3A_34 = tpu.vector_load %arg7[%swap3A_33] {strides = array<i32>} : memref<640xf32, #tpu.memory_space<vmem>>, vector<16xf32>,
    tpu.vector_store %arg7[%swap3A_33], %broadcast_in_dim3A_1 {strides = array<i32>} : memref<640xf32, #tpu.memory_space<vmem>>, vector<16xf32>,
    %swap3A_35 = arith.constant 256 : index
    %swap3A_36 = tpu.vector_load %arg7[%swap3A_35] {strides = array<i32>} : memref<640xf32, #tpu.memory_space<vmem>>, vector<16xf32>,
    tpu.vector_store %arg7[%swap3A_35], %broadcast_in_dim3A_1 {strides = array<i32>} : memref<640xf32, #tpu.memory_space<vmem>>, vector<16xf32>,
    %swap3A_37 = arith.constant 272 : index
    %swap3A_38 = tpu.vector_load %arg7[%swap3A_37] {strides = array<i32>} : memref<640xf32, #tpu.memory_space<vmem>>, vector<16xf32>,
    tpu.vector_store %arg7[%swap3A_37], %broadcast_in_dim3A_1 {strides = array<i32>} : memref<640xf32, #tpu.memory_space<vmem>>, vector<16xf32>,
    %swap3A_39 = arith.constant 288 : index
    %swap3A_40 = tpu.vector_load %arg7[%swap3A_39] {strides = array<i32>} : memref<640xf32, #tpu.memory_space<vmem>>, vector<16xf32>,
    tpu.vector_store %arg7[%swap3A_39], %broadcast_in_dim3A_1 {strides = array<i32>} : memref<640xf32, #tpu.memory_space<vmem>>, vector<16xf32>,
    %swap3A_41 = arith.constant 304 : index
    %swap3A_42 = tpu.vector_load %arg7[%swap3A_41] {strides = array<i32>} : memref<640xf32, #tpu.memory_space<vmem>>, vector<16xf32>,
    tpu.vector_store %arg7[%swap3A_41], %broadcast_in_dim3A_1 {strides = array<i32>} : memref<640xf32, #tpu.memory_space<vmem>>, vector<16xf32>,
    %swap3A_43 = arith.constant 320 : index
    %swap3A_44 = tpu.vector_load %arg7[%swap3A_43] {strides = array<i32>} : memref<640xf32, #tpu.memory_space<vmem>>, vector<16xf32>,
    tpu.vector_store %arg7[%swap3A_43], %broadcast_in_dim3A_1 {strides = array<i32>} : memref<640xf32, #tpu.memory_space<vmem>>, vector<16xf32>,
    %swap3A_45 = arith.constant 336 : index
    %swap3A_46 = tpu.vector_load %arg7[%swap3A_45] {strides = array<i32>} : memref<640xf32, #tpu.memory_space<vmem>>, vector<16xf32>,
    tpu.vector_store %arg7[%swap3A_45], %broadcast_in_dim3A_1 {strides = array<i32>} : memref<640xf32, #tpu.memory_space<vmem>>, vector<16xf32>,
    %swap3A_47 = arith.constant 352 : index
    %swap3A_48 = tpu.vector_load %arg7[%swap3A_47] {strides = array<i32>} : memref<640xf32, #tpu.memory_space<vmem>>, vector<16xf32>,
    tpu.vector_store %arg7[%swap3A_47], %broadcast_in_dim3A_1 {strides = array<i32>} : memref<640xf32, #tpu.memory_space<vmem>>, vector<16xf32>,
    %swap3A_49 = arith.constant 368 : index
    %swap3A_50 = tpu.vector_load %arg7[%swap3A_49] {strides = array<i32>} : memref<640xf32, #tpu.memory_space<vmem>>, vector<16xf32>,
    tpu.vector_store %arg7[%swap3A_49], %broadcast_in_dim3A_1 {strides = array<i32>} : memref<640xf32, #tpu.memory_space<vmem>>, vector<16xf32>,
    %swap3A_51 = arith.constant 384 : index
    %swap3A_52 = tpu.vector_load %arg7[%swap3A_51] {strides = array<i32>} : memref<640xf32, #tpu.memory_space<vmem>>, vector<16xf32>,
    tpu.vector_store %arg7[%swap3A_51], %broadcast_in_dim3A_1 {strides = array<i32>} : memref<640xf32, #tpu.memory_space<vmem>>, vector<16xf32>,
    %swap3A_53 = arith.constant 400 : index
    %swap3A_54 = tpu.vector_load %arg7[%swap3A_53] {strides = array<i32>} : memref<640xf32, #tpu.memory_space<vmem>>, vector<16xf32>,
    tpu.vector_store %arg7[%swap3A_53], %broadcast_in_dim3A_1 {strides = array<i32>} : memref<640xf32, #tpu.memory_space<vmem>>, vector<16xf32>,
    %swap3A_55 = arith.constant 416 : index
    %swap3A_56 = tpu.vector_load %arg7[%swap3A_55] {strides = array<i32>} : memref<640xf32, #tpu.memory_space<vmem>>, vector<16xf32>,
    tpu.vector_store %arg7[%swap3A_55], %broadcast_in_dim3A_1 {strides = array<i32>} : memref<640xf32, #tpu.memory_space<vmem>>, vector<16xf32>,
    %swap3A_57 = arith.constant 432 : index
    %swap3A_58 = tpu.vector_load %arg7[%swap3A_57] {strides = array<i32>} : memref<640xf32, #tpu.memory_space<vmem>>, vector<16xf32>,
    tpu.vector_store %arg7[%swap3A_57], %broadcast_in_dim3A_1 {strides = array<i32>} : memref<640xf32, #tpu.memory_space<vmem>>, vector<16xf32>,
    %swap3A_59 = arith.constant 448 : index
    %swap3A_60 = tpu.vector_load %arg7[%swap3A_59] {strides = array<i32>} : memref<640xf32, #tpu.memory_space<vmem>>, vector<16xf32>,
    tpu.vector_store %arg7[%swap3A_59], %broadcast_in_dim3A_1 {strides = array<i32>} : memref<640xf32, #tpu.memory_space<vmem>>, vector<16xf32>,
    %swap3A_61 = arith.constant 464 : index
    %swap3A_62 = tpu.vector_load %arg7[%swap3A_61] {strides = array<i32>} : memref<640xf32, #tpu.memory_space<vmem>>, vector<16xf32>,
    tpu.vector_store %arg7[%swap3A_61], %broadcast_in_dim3A_1 {strides = array<i32>} : memref<640xf32, #tpu.memory_space<vmem>>, vector<16xf32>,
    %swap3A_63 = arith.constant 480 : index
    %swap3A_64 = tpu.vector_load %arg7[%swap3A_63] {strides = array<i32>} : memref<640xf32, #tpu.memory_space<vmem>>, vector<16xf32>,
    tpu.vector_store %arg7[%swap3A_63], %broadcast_in_dim3A_1 {strides = array<i32>} : memref<640xf32, #tpu.memory_space<vmem>>, vector<16xf32>,
    %swap3A_65 = arith.constant 496 : index
    %swap3A_66 = tpu.vector_load %arg7[%swap3A_65] {strides = array<i32>} : memref<640xf32, #tpu.memory_space<vmem>>, vector<16xf32>,
    tpu.vector_store %arg7[%swap3A_65], %broadcast_in_dim3A_1 {strides = array<i32>} : memref<640xf32, #tpu.memory_space<vmem>>, vector<16xf32>,
    %swap3A_67 = arith.constant 512 : index
    %swap3A_68 = tpu.vector_load %arg7[%swap3A_67] {strides = array<i32>} : memref<640xf32, #tpu.memory_space<vmem>>, vector<16xf32>,
    tpu.vector_store %arg7[%swap3A_67], %broadcast_in_dim3A_1 {strides = array<i32>} : memref<640xf32, #tpu.memory_space<vmem>>, vector<16xf32>,
    %swap3A_69 = arith.constant 528 : index
    %swap3A_70 = tpu.vector_load %arg7[%swap3A_69] {strides = array<i32>} : memref<640xf32, #tpu.memory_space<vmem>>, vector<16xf32>,
    tpu.vector_store %arg7[%swap3A_69], %broadcast_in_dim3A_1 {strides = array<i32>} : memref<640xf32, #tpu.memory_space<vmem>>, vector<16xf32>,
    %swap3A_71 = arith.constant 544 : index
    %swap3A_72 = tpu.vector_load %arg7[%swap3A_71] {strides = array<i32>} : memref<640xf32, #tpu.memory_space<vmem>>, vector<16xf32>,
    tpu.vector_store %arg7[%swap3A_71], %broadcast_in_dim3A_1 {strides = array<i32>} : memref<640xf32, #tpu.memory_space<vmem>>, vector<16xf32>,
    %swap3A_73 = arith.constant 560 : index
    %swap3A_74 = tpu.vector_load %arg7[%swap3A_73] {strides = array<i32>} : memref<640xf32, #tpu.memory_space<vmem>>, vector<16xf32>,
    tpu.vector_store %arg7[%swap3A_73], %broadcast_in_dim3A_1 {strides = array<i32>} : memref<640xf32, #tpu.memory_space<vmem>>, vector<16xf32>,
    %swap3A_75 = arith.constant 576 : index
    %swap3A_76 = tpu.vector_load %arg7[%swap3A_75] {strides = array<i32>} : memref<640xf32, #tpu.memory_space<vmem>>, vector<16xf32>,
    tpu.vector_store %arg7[%swap3A_75], %broadcast_in_dim3A_1 {strides = array<i32>} : memref<640xf32, #tpu.memory_space<vmem>>, vector<16xf32>,
    %swap3A_77 = arith.constant 592 : index
    %swap3A_78 = tpu.vector_load %arg7[%swap3A_77] {strides = array<i32>} : memref<640xf32, #tpu.memory_space<vmem>>, vector<16xf32>,
    tpu.vector_store %arg7[%swap3A_77], %broadcast_in_dim3A_1 {strides = array<i32>} : memref<640xf32, #tpu.memory_space<vmem>>, vector<16xf32>,
    %swap3A_79 = arith.constant 608 : index
    %swap3A_80 = tpu.vector_load %arg7[%swap3A_79] {strides = array<i32>} : memref<640xf32, #tpu.memory_space<vmem>>, vector<16xf32>,
    tpu.vector_store %arg7[%swap3A_79], %broadcast_in_dim3A_1 {strides = array<i32>} : memref<640xf32, #tpu.memory_space<vmem>>, vector<16xf32>,
    %swap3A_81 = arith.constant 624 : index
    %swap3A_82 = tpu.vector_load %arg7[%swap3A_81] {strides = array<i32>} : memref<640xf32, #tpu.memory_space<vmem>>, vector<16xf32>,
    tpu.vector_store %arg7[%swap3A_81], %broadcast_in_dim3A_1 {strides = array<i32>} : memref<640xf32, #tpu.memory_space<vmem>>, vector<16xf32>,
    %swap3A_83 = arith.constant 0 : index
    %swap3A_84 = tpu.vector_load %arg6[%swap3A_83] {strides = array<i32>} : memref<128xf32, #tpu.memory_space<vmem>>, vector<16xf32>,
    tpu.vector_store %arg6[%swap3A_83], %broadcast_in_dim3A_3 {strides = array<i32>} : memref<128xf32, #tpu.memory_space<vmem>>, vector<16xf32>,
    %swap3A_85 = arith.constant 16 : index
    %swap3A_86 = tpu.vector_load %arg6[%swap3A_85] {strides = array<i32>} : memref<128xf32, #tpu.memory_space<vmem>>, vector<16xf32>,
    tpu.vector_store %arg6[%swap3A_85], %broadcast_in_dim3A_3 {strides = array<i32>} : memref<128xf32, #tpu.memory_space<vmem>>, vector<16xf32>,
    %swap3A_87 = arith.constant 32 : index
    %swap3A_88 = tpu.vector_load %arg6[%swap3A_87] {strides = array<i32>} : memref<128xf32, #tpu.memory_space<vmem>>, vector<16xf32>,
    tpu.vector_store %arg6[%swap3A_87], %broadcast_in_dim3A_3 {strides = array<i32>} : memref<128xf32, #tpu.memory_space<vmem>>, vector<16xf32>,
    %swap3A_89 = arith.constant 48 : index
    %swap3A_90 = tpu.vector_load %arg6[%swap3A_89] {strides = array<i32>} : memref<128xf32, #tpu.memory_space<vmem>>, vector<16xf32>,
    tpu.vector_store %arg6[%swap3A_89], %broadcast_in_dim3A_3 {strides = array<i32>} : memref<128xf32, #tpu.memory_space<vmem>>, vector<16xf32>,
    %swap3A_91 = arith.constant 64 : index
    %swap3A_92 = tpu.vector_load %arg6[%swap3A_91] {strides = array<i32>} : memref<128xf32, #tpu.memory_space<vmem>>, vector<16xf32>,
    tpu.vector_store %arg6[%swap3A_91], %broadcast_in_dim3A_3 {strides = array<i32>} : memref<128xf32, #tpu.memory_space<vmem>>, vector<16xf32>,
    %swap3A_93 = arith.constant 80 : index
    %swap3A_94 = tpu.vector_load %arg6[%swap3A_93] {strides = array<i32>} : memref<128xf32, #tpu.memory_space<vmem>>, vector<16xf32>,
    tpu.vector_store %arg6[%swap3A_93], %broadcast_in_dim3A_3 {strides = array<i32>} : memref<128xf32, #tpu.memory_space<vmem>>, vector<16xf32>,
    %swap3A_95 = arith.constant 96 : index
    %swap3A_96 = tpu.vector_load %arg6[%swap3A_95] {strides = array<i32>} : memref<128xf32, #tpu.memory_space<vmem>>, vector<16xf32>,
    tpu.vector_store %arg6[%swap3A_95], %broadcast_in_dim3A_3 {strides = array<i32>} : memref<128xf32, #tpu.memory_space<vmem>>, vector<16xf32>,
    %swap3A_97 = arith.constant 112 : index
    %swap3A_98 = tpu.vector_load %arg6[%swap3A_97] {strides = array<i32>} : memref<128xf32, #tpu.memory_space<vmem>>, vector<16xf32>,
    tpu.vector_store %arg6[%swap3A_97], %broadcast_in_dim3A_3 {strides = array<i32>} : memref<128xf32, #tpu.memory_space<vmem>>, vector<16xf32>,
    %mul3A_99 = arith.constant 78 : i32
    %mul3A_100 = arith.muli %add3A, %mul3A_99 : i32
    "tpu.region"() ({
      %run_scoped3A = tpu.sem_alloc : memref<!tpu.dma_semaphore, #tpu.memory_space<semaphore_mem>>
      %dma_start3A = arith.constant 0 : i32
      %dma_start3A_117 = tpu.memref_slice %arg2[%mul3A_100, %dma_start3A] : memref<2500x128xi32, #tpu.memory_space<hbm>> -> memref<78x128xi32, #tpu.memory_space<hbm>>
      %dma_start3A_118 = arith.constant 0 : i32
      %dma_start3A_119 = tpu.memref_slice %arg2[%mul3A_100, %dma_start3A_118] : memref<2500x128xi32, #tpu.memory_space<hbm>> -> memref<78x128xi32, #tpu.memory_space<hbm>>
      tpu.enqueue_dma source(%dma_start3A_119 : memref<78x128xi32, #tpu.memory_space<hbm>>) target(%arg4 : memref<78x128xi32, #tpu.memory_space<vmem>>) target_semaphore(%run_scoped3A : memref<!tpu.dma_semaphore, #tpu.memory_space<semaphore_mem>>)
      %dma_wait3A = arith.constant 0 : i32
      %dma_wait3A_120 = tpu.memref_slice %arg2[%mul3A_100, %dma_wait3A] : memref<2500x128xi32, #tpu.memory_space<hbm>> -> memref<78x128xi32, #tpu.memory_space<hbm>>
      %dma_wait3A_121 = arith.constant 0 : i32
      %dma_wait3A_122 = tpu.memref_slice %arg2[%mul3A_100, %dma_wait3A_121] : memref<2500x128xi32, #tpu.memory_space<hbm>> -> memref<78x128xi32, #tpu.memory_space<hbm>>
      tpu.wait_dma2 semaphore(%run_scoped3A : memref<!tpu.dma_semaphore, #tpu.memory_space<semaphore_mem>>) src(%dma_wait3A_122 : memref<78x128xi32, #tpu.memory_space<hbm>>) dst(%arg4 : memref<78x128xi32, #tpu.memory_space<vmem>>)
      tpu.yield
    }) : () -> ()
    %mul3A_101 = arith.constant 640 : i32
    %mul3A_102 = arith.muli %arg1, %mul3A_101 : i32
    "tpu.region"() ({
      %run_scoped3A = tpu.sem_alloc : memref<!tpu.dma_semaphore, #tpu.memory_space<semaphore_mem>>
      %dma_start3A = tpu.memref_slice %arg8[%mul3A_102] : memref<10240xf32, #tpu.memory_space<vmem_shared>> -> memref<640xf32, #tpu.memory_space<vmem_shared>>
      %dma_start3A_117 = tpu.memref_slice %arg8[%mul3A_102] : memref<10240xf32, #tpu.memory_space<vmem_shared>> -> memref<640xf32, #tpu.memory_space<vmem_shared>>
      tpu.enqueue_dma source(%arg7 : memref<640xf32, #tpu.memory_space<vmem>>) target(%dma_start3A_117 : memref<640xf32, #tpu.memory_space<vmem_shared>>) target_semaphore(%run_scoped3A : memref<!tpu.dma_semaphore, #tpu.memory_space<semaphore_mem>>)
      %dma_wait3A = tpu.memref_slice %arg8[%mul3A_102] : memref<10240xf32, #tpu.memory_space<vmem_shared>> -> memref<640xf32, #tpu.memory_space<vmem_shared>>
      %dma_wait3A_118 = tpu.memref_slice %arg8[%mul3A_102] : memref<10240xf32, #tpu.memory_space<vmem_shared>> -> memref<640xf32, #tpu.memory_space<vmem_shared>>
      tpu.wait_dma2 semaphore(%run_scoped3A : memref<!tpu.dma_semaphore, #tpu.memory_space<semaphore_mem>>) src(%arg7 : memref<640xf32, #tpu.memory_space<vmem>>) dst(%dma_wait3A_118 : memref<640xf32, #tpu.memory_space<vmem_shared>>)
      tpu.yield
    }) : () -> ()
    %barrier3A = arith.constant 0 : index
    tpu.barrier barrier_id(%barrier3A)
    %scan3A = arith.constant 0 : i32
    %scan3A_103 = arith.constant 78 : i32
    %scan3A_104 = arith.addi %scan3A, %scan3A_103 : i32
    %scan3A_105 = arith.constant 1 : i32
    scf.for %scan3A_117 = %scan3A to %scan3A_104 step %scan3A_105  : i32 {
      "tpu.region"() ({
        %run_scoped3A = tpu.sem_alloc : memref<!tpu.dma_semaphore, #tpu.memory_space<semaphore_mem>>
        %dma_start3A = arith.constant 0 : i32
        %dma_start3A_118 = tpu.memref_slice %arg4[%scan3A_117, %dma_start3A] : memref<78x128xi32, #tpu.memory_space<vmem>> -> memref<1x128xi32, #tpu.memory_space<vmem>>
        %dma_start3A_119 = tpu.memref_squeeze %dma_start3A_118 : memref<1x128xi32, #tpu.memory_space<vmem>> -> memref<128xi32, #tpu.memory_space<vmem>>
        %dma_start3A_120 = arith.constant 0 : i32
        %dma_start3A_121 = tpu.memref_slice %arg8[%dma_start3A_120] : memref<10240xf32, #tpu.memory_space<vmem_shared>> -> memref<10240xf32, #tpu.memory_space<vmem_shared>>
        tpu.enqueue_indirect_dma source(%arg6 : memref<128xf32, #tpu.memory_space<vmem>>) target(%dma_start3A_121 : memref<10240xf32, #tpu.memory_space<vmem_shared>>) offsets(%dma_start3A_119 : memref<128xi32, #tpu.memory_space<vmem>>) semaphore(%run_scoped3A : memref<!tpu.dma_semaphore, #tpu.memory_space<semaphore_mem>>) {add = true}
        %dma_wait3A = arith.constant 0 : i32
        %dma_wait3A_122 = tpu.memref_slice %arg4[%scan3A_117, %dma_wait3A] : memref<78x128xi32, #tpu.memory_space<vmem>> -> memref<1x128xi32, #tpu.memory_space<vmem>>
        %dma_wait3A_123 = tpu.memref_squeeze %dma_wait3A_122 : memref<1x128xi32, #tpu.memory_space<vmem>> -> memref<128xi32, #tpu.memory_space<vmem>>
        %dma_wait3A_124 = arith.constant 0 : i32
        %dma_wait3A_125 = tpu.memref_slice %arg8[%dma_wait3A_124] : memref<10240xf32, #tpu.memory_space<vmem_shared>> -> memref<10240xf32, #tpu.memory_space<vmem_shared>>
        tpu.wait_indirect_dma semaphore(%run_scoped3A : memref<!tpu.dma_semaphore, #tpu.memory_space<semaphore_mem>>) src(%arg6 : memref<128xf32, #tpu.memory_space<vmem>>) dst(%dma_wait3A_125 : memref<10240xf32, #tpu.memory_space<vmem_shared>>)
        tpu.yield
      }) : () -> ()
    }
    %scan3A_106 = arith.constant 78 : i32
    %lt3A = arith.constant 4 : i32
    %lt3A_107 = arith.cmpi slt, %add3A, %lt3A : i32
    %convert_element_type3A = arith.extui %lt3A_107 : i1 to i32
    %cond3A = arith.constant 0 : i32
    %cond3A_108 = arith.cmpi ne, %convert_element_type3A, %cond3A : i32
    scf.if %cond3A_108 {
      %add3A_117 = arith.constant 2496 : i32
      %add3A_118 = arith.addi %add3A_117, %add3A : i32
      "tpu.region"() ({
        %run_scoped3A_119 = tpu.sem_alloc : memref<!tpu.dma_semaphore, #tpu.memory_space<semaphore_mem>>
        %dma_start3A = arith.constant 0 : i32
        %dma_start3A_120 = tpu.memref_slice %arg2[%add3A_118, %dma_start3A] : memref<2500x128xi32, #tpu.memory_space<hbm>> -> memref<1x128xi32, #tpu.memory_space<hbm>>
        %dma_start3A_121 = arith.constant 0 : i32
        %dma_start3A_122 = tpu.memref_slice %arg2[%add3A_118, %dma_start3A_121] : memref<2500x128xi32, #tpu.memory_space<hbm>> -> memref<1x128xi32, #tpu.memory_space<hbm>>
        tpu.enqueue_dma source(%dma_start3A_122 : memref<1x128xi32, #tpu.memory_space<hbm>>) target(%arg5 : memref<1x128xi32, #tpu.memory_space<vmem>>) target_semaphore(%run_scoped3A_119 : memref<!tpu.dma_semaphore, #tpu.memory_space<semaphore_mem>>)
        %dma_wait3A = arith.constant 0 : i32
        %dma_wait3A_123 = tpu.memref_slice %arg2[%add3A_118, %dma_wait3A] : memref<2500x128xi32, #tpu.memory_space<hbm>> -> memref<1x128xi32, #tpu.memory_space<hbm>>
        %dma_wait3A_124 = arith.constant 0 : i32
        %dma_wait3A_125 = tpu.memref_slice %arg2[%add3A_118, %dma_wait3A_124] : memref<2500x128xi32, #tpu.memory_space<hbm>> -> memref<1x128xi32, #tpu.memory_space<hbm>>
        tpu.wait_dma2 semaphore(%run_scoped3A_119 : memref<!tpu.dma_semaphore, #tpu.memory_space<semaphore_mem>>) src(%dma_wait3A_125 : memref<1x128xi32, #tpu.memory_space<hbm>>) dst(%arg5 : memref<1x128xi32, #tpu.memory_space<vmem>>)
        tpu.yield
      }) : () -> ()
      %run_scoped3A = arith.constant 0 : i32
      "tpu.region"() ({
        %run_scoped3A_119 = tpu.sem_alloc : memref<!tpu.dma_semaphore, #tpu.memory_space<semaphore_mem>>
        %dma_start3A = arith.constant 0 : i32
        %dma_start3A_120 = tpu.memref_slice %arg5[%run_scoped3A, %dma_start3A] : memref<1x128xi32, #tpu.memory_space<vmem>> -> memref<1x128xi32, #tpu.memory_space<vmem>>
        %dma_start3A_121 = tpu.memref_squeeze %dma_start3A_120 : memref<1x128xi32, #tpu.memory_space<vmem>> -> memref<128xi32, #tpu.memory_space<vmem>>
        %dma_start3A_122 = arith.constant 0 : i32
        %dma_start3A_123 = tpu.memref_slice %arg8[%dma_start3A_122] : memref<10240xf32, #tpu.memory_space<vmem_shared>> -> memref<10240xf32, #tpu.memory_space<vmem_shared>>
        tpu.enqueue_indirect_dma source(%arg6 : memref<128xf32, #tpu.memory_space<vmem>>) target(%dma_start3A_123 : memref<10240xf32, #tpu.memory_space<vmem_shared>>) offsets(%dma_start3A_121 : memref<128xi32, #tpu.memory_space<vmem>>) semaphore(%run_scoped3A_119 : memref<!tpu.dma_semaphore, #tpu.memory_space<semaphore_mem>>) {add = true}
        %dma_wait3A = arith.constant 0 : i32
        %dma_wait3A_124 = tpu.memref_slice %arg5[%run_scoped3A, %dma_wait3A] : memref<1x128xi32, #tpu.memory_space<vmem>> -> memref<1x128xi32, #tpu.memory_space<vmem>>
        %dma_wait3A_125 = tpu.memref_squeeze %dma_wait3A_124 : memref<1x128xi32, #tpu.memory_space<vmem>> -> memref<128xi32, #tpu.memory_space<vmem>>
        %dma_wait3A_126 = arith.constant 0 : i32
        %dma_wait3A_127 = tpu.memref_slice %arg8[%dma_wait3A_126] : memref<10240xf32, #tpu.memory_space<vmem_shared>> -> memref<10240xf32, #tpu.memory_space<vmem_shared>>
        tpu.wait_indirect_dma semaphore(%run_scoped3A_119 : memref<!tpu.dma_semaphore, #tpu.memory_space<semaphore_mem>>) src(%arg6 : memref<128xf32, #tpu.memory_space<vmem>>) dst(%dma_wait3A_127 : memref<10240xf32, #tpu.memory_space<vmem_shared>>)
        tpu.yield
      }) : () -> ()
    } else {
    }
    %barrier3A_109 = arith.constant 0 : index
    tpu.barrier barrier_id(%barrier3A_109)
    %mul3A_110 = arith.constant 640 : i32
    %mul3A_111 = arith.muli %arg1, %mul3A_110 : i32
    %mul3A_112 = arith.constant 10240 : i32
    %mul3A_113 = arith.muli %arg0, %mul3A_112 : i32
    %mul3A_114 = arith.constant 640 : i32
    %mul3A_115 = arith.muli %arg1, %mul3A_114 : i32
    %add3A_116 = arith.addi %mul3A_113, %mul3A_115 : i32
    "tpu.region"() ({
      %run_scoped3A = tpu.sem_alloc : memref<!tpu.dma_semaphore, #tpu.memory_space<semaphore_mem>>
      %dma_start3A = tpu.memref_slice %arg3[%add3A_116] : memref<20480xf32, #tpu.memory_space<hbm>> -> memref<640xf32, #tpu.memory_space<hbm>>
      %dma_start3A_117 = tpu.memref_slice %arg8[%mul3A_111] : memref<10240xf32, #tpu.memory_space<vmem_shared>> -> memref<640xf32, #tpu.memory_space<vmem_shared>>
      tpu.enqueue_dma source(%dma_start3A_117 : memref<640xf32, #tpu.memory_space<vmem_shared>>) target(%dma_start3A : memref<640xf32, #tpu.memory_space<hbm>>) target_semaphore(%run_scoped3A : memref<!tpu.dma_semaphore, #tpu.memory_space<semaphore_mem>>)
      %dma_wait3A = tpu.memref_slice %arg3[%add3A_116] : memref<20480xf32, #tpu.memory_space<hbm>> -> memref<640xf32, #tpu.memory_space<hbm>>
      %dma_wait3A_118 = tpu.memref_slice %arg8[%mul3A_111] : memref<10240xf32, #tpu.memory_space<vmem_shared>> -> memref<640xf32, #tpu.memory_space<vmem_shared>>
      tpu.wait_dma2 semaphore(%run_scoped3A : memref<!tpu.dma_semaphore, #tpu.memory_space<semaphore_mem>>) src(%dma_wait3A_118 : memref<640xf32, #tpu.memory_space<vmem_shared>>) dst(%dma_wait3A : memref<640xf32, #tpu.memory_space<hbm>>)
      tpu.yield
    }) : () -> ()
    return
  }
}

#map = affine_map<(d0, d1) -> (0)>
#map1 = affine_map<(d0, d1) -> (0, 0)>
module attributes {stable_mosaic.version = 14 : i64} {
  func.func @_sc_edge_head(%arg0: i32, %arg1: i32, %arg2: memref<20000xf32, #tpu.memory_space<hbm>>, %arg3: memref<20000xf32, #tpu.memory_space<hbm>>, %arg4: memref<2500x128xi32, #tpu.memory_space<hbm>>, %arg5: memref<2500x128xi32, #tpu.memory_space<hbm>>, %arg6: memref<640000xf32, #tpu.memory_space<hbm>>, %arg7: memref<20000xf32, #tpu.memory_space<vmem>>, %arg8: memref<20000xf32, #tpu.memory_space<vmem>>, %arg9: memref<78x128xi32, #tpu.memory_space<vmem>>, %arg10: memref<78x128xi32, #tpu.memory_space<vmem>>, %arg11: memref<19968xf32, #tpu.memory_space<vmem>>, %arg12: memref<256xf32, #tpu.memory_space<vmem>>) attributes {dimension_semantics = [#tpu.dimension_semantics<core_parallel>, #tpu.dimension_semantics<subcore_parallel>], iteration_bounds = array<i64: 2, 16>, scalar_prefetch = 0 : i64, scratch_operands = 6 : i64, tpu.core_type = #tpu.core_type<sc_vector_subcore>, window_params = [{transform_indices = #map}, {transform_indices = #map}, {transform_indices = #map1}, {transform_indices = #map1}, {transform_indices = #map}]} {
    %mul3A = arith.constant 16 : i32
    %mul3A_0 = arith.muli %arg0, %mul3A : i32
    %add3A = arith.addi %mul3A_0, %arg1 : i32
    %mul3A_1 = arith.constant 9984 : i32
    %mul3A_2 = arith.muli %add3A, %mul3A_1 : i32
    "tpu.region"() ({
      %run_scoped3A = tpu.sem_alloc : memref<!tpu.dma_semaphore, #tpu.memory_space<semaphore_mem>>
      tpu.enqueue_dma source(%arg2 : memref<20000xf32, #tpu.memory_space<hbm>>) target(%arg7 : memref<20000xf32, #tpu.memory_space<vmem>>) target_semaphore(%run_scoped3A : memref<!tpu.dma_semaphore, #tpu.memory_space<semaphore_mem>>)
      tpu.wait_dma2 semaphore(%run_scoped3A : memref<!tpu.dma_semaphore, #tpu.memory_space<semaphore_mem>>) src(%arg2 : memref<20000xf32, #tpu.memory_space<hbm>>) dst(%arg7 : memref<20000xf32, #tpu.memory_space<vmem>>)
      tpu.yield
    }) : () -> ()
    "tpu.region"() ({
      %run_scoped3A = tpu.sem_alloc : memref<!tpu.dma_semaphore, #tpu.memory_space<semaphore_mem>>
      tpu.enqueue_dma source(%arg3 : memref<20000xf32, #tpu.memory_space<hbm>>) target(%arg8 : memref<20000xf32, #tpu.memory_space<vmem>>) target_semaphore(%run_scoped3A : memref<!tpu.dma_semaphore, #tpu.memory_space<semaphore_mem>>)
      tpu.wait_dma2 semaphore(%run_scoped3A : memref<!tpu.dma_semaphore, #tpu.memory_space<semaphore_mem>>) src(%arg3 : memref<20000xf32, #tpu.memory_space<hbm>>) dst(%arg8 : memref<20000xf32, #tpu.memory_space<vmem>>)
      tpu.yield
    }) : () -> ()
    %mul3A_3 = arith.constant 78 : i32
    %mul3A_4 = arith.muli %add3A, %mul3A_3 : i32
    "tpu.region"() ({
      %run_scoped3A = tpu.sem_alloc : memref<!tpu.dma_semaphore, #tpu.memory_space<semaphore_mem>>
      %dma_start3A = arith.constant 0 : i32
      %dma_start3A_16 = tpu.memref_slice %arg4[%mul3A_4, %dma_start3A] : memref<2500x128xi32, #tpu.memory_space<hbm>> -> memref<78x128xi32, #tpu.memory_space<hbm>>
      %dma_start3A_17 = arith.constant 0 : i32
      %dma_start3A_18 = tpu.memref_slice %arg4[%mul3A_4, %dma_start3A_17] : memref<2500x128xi32, #tpu.memory_space<hbm>> -> memref<78x128xi32, #tpu.memory_space<hbm>>
      tpu.enqueue_dma source(%dma_start3A_18 : memref<78x128xi32, #tpu.memory_space<hbm>>) target(%arg9 : memref<78x128xi32, #tpu.memory_space<vmem>>) target_semaphore(%run_scoped3A : memref<!tpu.dma_semaphore, #tpu.memory_space<semaphore_mem>>)
      %dma_wait3A = arith.constant 0 : i32
      %dma_wait3A_19 = tpu.memref_slice %arg4[%mul3A_4, %dma_wait3A] : memref<2500x128xi32, #tpu.memory_space<hbm>> -> memref<78x128xi32, #tpu.memory_space<hbm>>
      %dma_wait3A_20 = arith.constant 0 : i32
      %dma_wait3A_21 = tpu.memref_slice %arg4[%mul3A_4, %dma_wait3A_20] : memref<2500x128xi32, #tpu.memory_space<hbm>> -> memref<78x128xi32, #tpu.memory_space<hbm>>
      tpu.wait_dma2 semaphore(%run_scoped3A : memref<!tpu.dma_semaphore, #tpu.memory_space<semaphore_mem>>) src(%dma_wait3A_21 : memref<78x128xi32, #tpu.memory_space<hbm>>) dst(%arg9 : memref<78x128xi32, #tpu.memory_space<vmem>>)
      tpu.yield
    }) : () -> ()
    %mul3A_5 = arith.constant 78 : i32
    %mul3A_6 = arith.muli %add3A, %mul3A_5 : i32
    "tpu.region"() ({
      %run_scoped3A = tpu.sem_alloc : memref<!tpu.dma_semaphore, #tpu.memory_space<semaphore_mem>>
      %dma_start3A = arith.constant 0 : i32
      %dma_start3A_16 = tpu.memref_slice %arg5[%mul3A_6, %dma_start3A] : memref<2500x128xi32, #tpu.memory_space<hbm>> -> memref<78x128xi32, #tpu.memory_space<hbm>>
      %dma_start3A_17 = arith.constant 0 : i32
      %dma_start3A_18 = tpu.memref_slice %arg5[%mul3A_6, %dma_start3A_17] : memref<2500x128xi32, #tpu.memory_space<hbm>> -> memref<78x128xi32, #tpu.memory_space<hbm>>
      tpu.enqueue_dma source(%dma_start3A_18 : memref<78x128xi32, #tpu.memory_space<hbm>>) target(%arg10 : memref<78x128xi32, #tpu.memory_space<vmem>>) target_semaphore(%run_scoped3A : memref<!tpu.dma_semaphore, #tpu.memory_space<semaphore_mem>>)
      %dma_wait3A = arith.constant 0 : i32
      %dma_wait3A_19 = tpu.memref_slice %arg5[%mul3A_6, %dma_wait3A] : memref<2500x128xi32, #tpu.memory_space<hbm>> -> memref<78x128xi32, #tpu.memory_space<hbm>>
      %dma_wait3A_20 = arith.constant 0 : i32
      %dma_wait3A_21 = tpu.memref_slice %arg5[%mul3A_6, %dma_wait3A_20] : memref<2500x128xi32, #tpu.memory_space<hbm>> -> memref<78x128xi32, #tpu.memory_space<hbm>>
      tpu.wait_dma2 semaphore(%run_scoped3A : memref<!tpu.dma_semaphore, #tpu.memory_space<semaphore_mem>>) src(%dma_wait3A_21 : memref<78x128xi32, #tpu.memory_space<hbm>>) dst(%arg10 : memref<78x128xi32, #tpu.memory_space<vmem>>)
      tpu.yield
    }) : () -> ()
    %broadcast_in_dim3A = arith.constant 1 : i32
    %broadcast_in_dim3A_7 = vector.broadcast %broadcast_in_dim3A : i32 to vector<16xi32>
    %scan3A = arith.constant 0 : i32
    %scan3A_8 = arith.constant 78 : i32
    %scan3A_9 = arith.addi %scan3A, %scan3A_8 : i32
    %scan3A_10 = arith.constant 1 : i32
    scf.for %scan3A_16 = %scan3A to %scan3A_9 step %scan3A_10  : i32 {
      %mul3A_17 = arith.constant 256 : i32
      %mul3A_18 = arith.muli %scan3A_16, %mul3A_17 : i32
      %add3A_19 = arith.constant 0 : i32
      %add3A_20 = arith.addi %mul3A_18, %add3A_19 : i32
      %multiple_of3A = tpu.assume_multiple %add3A_20, 16 : i32
      %get3A = arith.index_cast %scan3A_16 : i32 to index
      %get3A_21 = arith.constant 0 : index
      %get3A_22 = tpu.vector_load %arg9[%get3A, %get3A_21] {strides = array<i32>} : memref<78x128xi32, #tpu.memory_space<vmem>>, vector<16xi32>,
      %mul3A_23 = arith.constant 2 : i32
      %mul3A_24 = vector.broadcast %mul3A_23 : i32 to vector<16xi32>
      %mul3A_25 = arith.muli %get3A_22, %mul3A_24 : vector<16xi32>
      %get3A_26 = arith.index_cast %scan3A_16 : i32 to index
      %get3A_27 = arith.constant 0 : index
      %get3A_28 = tpu.vector_load %arg10[%get3A_26, %get3A_27] {strides = array<i32>} : memref<78x128xi32, #tpu.memory_space<vmem>>, vector<16xi32>,
      %mul3A_29 = arith.constant 2 : i32
      %mul3A_30 = vector.broadcast %mul3A_29 : i32 to vector<16xi32>
      %mul3A_31 = arith.muli %get3A_28, %mul3A_30 : vector<16xi32>
      %gather3A = tpu.vector_load_idx %arg7[%mul3A_25] : memref<20000xf32, #tpu.memory_space<vmem>>[vector<16xi32>], vector<16xf32>,
      %gather3A_32 = tpu.vector_load_idx %arg8[%mul3A_31] : memref<20000xf32, #tpu.memory_space<vmem>>[vector<16xi32>], vector<16xf32>,
      %add3A_33 = arith.addf %gather3A, %gather3A_32 : vector<16xf32>
      %add3A_34 = arith.addi %mul3A_25, %broadcast_in_dim3A_7 : vector<16xi32>
      %gather3A_35 = tpu.vector_load_idx %arg7[%add3A_34] : memref<20000xf32, #tpu.memory_space<vmem>>[vector<16xi32>], vector<16xf32>,
      %add3A_36 = arith.addi %mul3A_31, %broadcast_in_dim3A_7 : vector<16xi32>
      %gather3A_37 = tpu.vector_load_idx %arg8[%add3A_36] : memref<20000xf32, #tpu.memory_space<vmem>>[vector<16xi32>], vector<16xf32>,
      %add3A_38 = arith.addf %gather3A_35, %gather3A_37 : vector<16xf32>
      %swap3A = arith.index_cast %multiple_of3A : i32 to index
      %swap3A_39 = tpu.vector_load %arg11[%swap3A] {strides = array<i32>} : memref<19968xf32, #tpu.memory_space<vmem>>, vector<16xf32>,
      tpu.vector_store %arg11[%swap3A], %add3A_33 {strides = array<i32>} : memref<19968xf32, #tpu.memory_space<vmem>>, vector<16xf32>,
      %add3A_40 = arith.constant 128 : i32
      %add3A_41 = arith.addi %multiple_of3A, %add3A_40 : i32
      %swap3A_42 = arith.index_cast %add3A_41 : i32 to index
      %swap3A_43 = tpu.vector_load %arg11[%swap3A_42] {strides = array<i32>} : memref<19968xf32, #tpu.memory_space<vmem>>, vector<16xf32>,
      tpu.vector_store %arg11[%swap3A_42], %add3A_38 {strides = array<i32>} : memref<19968xf32, #tpu.memory_space<vmem>>, vector<16xf32>,
      %mul3A_44 = arith.constant 256 : i32
      %mul3A_45 = arith.muli %scan3A_16, %mul3A_44 : i32
      %add3A_46 = arith.constant 16 : i32
      %add3A_47 = arith.addi %mul3A_45, %add3A_46 : i32
      %multiple_of3A_48 = tpu.assume_multiple %add3A_47, 16 : i32
      %get3A_49 = arith.index_cast %scan3A_16 : i32 to index
      %get3A_50 = arith.constant 16 : index
      %get3A_51 = tpu.vector_load %arg9[%get3A_49, %get3A_50] {strides = array<i32>} : memref<78x128xi32, #tpu.memory_space<vmem>>, vector<16xi32>,
      %mul3A_52 = arith.constant 2 : i32
      %mul3A_53 = vector.broadcast %mul3A_52 : i32 to vector<16xi32>
      %mul3A_54 = arith.muli %get3A_51, %mul3A_53 : vector<16xi32>
      %get3A_55 = arith.index_cast %scan3A_16 : i32 to index
      %get3A_56 = arith.constant 16 : index
      %get3A_57 = tpu.vector_load %arg10[%get3A_55, %get3A_56] {strides = array<i32>} : memref<78x128xi32, #tpu.memory_space<vmem>>, vector<16xi32>,
      %mul3A_58 = arith.constant 2 : i32
      %mul3A_59 = vector.broadcast %mul3A_58 : i32 to vector<16xi32>
      %mul3A_60 = arith.muli %get3A_57, %mul3A_59 : vector<16xi32>
      %gather3A_61 = tpu.vector_load_idx %arg7[%mul3A_54] : memref<20000xf32, #tpu.memory_space<vmem>>[vector<16xi32>], vector<16xf32>,
      %gather3A_62 = tpu.vector_load_idx %arg8[%mul3A_60] : memref<20000xf32, #tpu.memory_space<vmem>>[vector<16xi32>], vector<16xf32>,
      %add3A_63 = arith.addf %gather3A_61, %gather3A_62 : vector<16xf32>
      %add3A_64 = arith.addi %mul3A_54, %broadcast_in_dim3A_7 : vector<16xi32>
      %gather3A_65 = tpu.vector_load_idx %arg7[%add3A_64] : memref<20000xf32, #tpu.memory_space<vmem>>[vector<16xi32>], vector<16xf32>,
      %add3A_66 = arith.addi %mul3A_60, %broadcast_in_dim3A_7 : vector<16xi32>
      %gather3A_67 = tpu.vector_load_idx %arg8[%add3A_66] : memref<20000xf32, #tpu.memory_space<vmem>>[vector<16xi32>], vector<16xf32>,
      %add3A_68 = arith.addf %gather3A_65, %gather3A_67 : vector<16xf32>
      %swap3A_69 = arith.index_cast %multiple_of3A_48 : i32 to index
      %swap3A_70 = tpu.vector_load %arg11[%swap3A_69] {strides = array<i32>} : memref<19968xf32, #tpu.memory_space<vmem>>, vector<16xf32>,
      tpu.vector_store %arg11[%swap3A_69], %add3A_63 {strides = array<i32>} : memref<19968xf32, #tpu.memory_space<vmem>>, vector<16xf32>,
      %add3A_71 = arith.constant 128 : i32
      %add3A_72 = arith.addi %multiple_of3A_48, %add3A_71 : i32
      %swap3A_73 = arith.index_cast %add3A_72 : i32 to index
      %swap3A_74 = tpu.vector_load %arg11[%swap3A_73] {strides = array<i32>} : memref<19968xf32, #tpu.memory_space<vmem>>, vector<16xf32>,
      tpu.vector_store %arg11[%swap3A_73], %add3A_68 {strides = array<i32>} : memref<19968xf32, #tpu.memory_space<vmem>>, vector<16xf32>,
      %mul3A_75 = arith.constant 256 : i32
      %mul3A_76 = arith.muli %scan3A_16, %mul3A_75 : i32
      %add3A_77 = arith.constant 32 : i32
      %add3A_78 = arith.addi %mul3A_76, %add3A_77 : i32
      %multiple_of3A_79 = tpu.assume_multiple %add3A_78, 16 : i32
      %get3A_80 = arith.index_cast %scan3A_16 : i32 to index
      %get3A_81 = arith.constant 32 : index
      %get3A_82 = tpu.vector_load %arg9[%get3A_80, %get3A_81] {strides = array<i32>} : memref<78x128xi32, #tpu.memory_space<vmem>>, vector<16xi32>,
      %mul3A_83 = arith.constant 2 : i32
      %mul3A_84 = vector.broadcast %mul3A_83 : i32 to vector<16xi32>
      %mul3A_85 = arith.muli %get3A_82, %mul3A_84 : vector<16xi32>
      %get3A_86 = arith.index_cast %scan3A_16 : i32 to index
      %get3A_87 = arith.constant 32 : index
      %get3A_88 = tpu.vector_load %arg10[%get3A_86, %get3A_87] {strides = array<i32>} : memref<78x128xi32, #tpu.memory_space<vmem>>, vector<16xi32>,
      %mul3A_89 = arith.constant 2 : i32
      %mul3A_90 = vector.broadcast %mul3A_89 : i32 to vector<16xi32>
      %mul3A_91 = arith.muli %get3A_88, %mul3A_90 : vector<16xi32>
      %gather3A_92 = tpu.vector_load_idx %arg7[%mul3A_85] : memref<20000xf32, #tpu.memory_space<vmem>>[vector<16xi32>], vector<16xf32>,
      %gather3A_93 = tpu.vector_load_idx %arg8[%mul3A_91] : memref<20000xf32, #tpu.memory_space<vmem>>[vector<16xi32>], vector<16xf32>,
      %add3A_94 = arith.addf %gather3A_92, %gather3A_93 : vector<16xf32>
      %add3A_95 = arith.addi %mul3A_85, %broadcast_in_dim3A_7 : vector<16xi32>
      %gather3A_96 = tpu.vector_load_idx %arg7[%add3A_95] : memref<20000xf32, #tpu.memory_space<vmem>>[vector<16xi32>], vector<16xf32>,
      %add3A_97 = arith.addi %mul3A_91, %broadcast_in_dim3A_7 : vector<16xi32>
      %gather3A_98 = tpu.vector_load_idx %arg8[%add3A_97] : memref<20000xf32, #tpu.memory_space<vmem>>[vector<16xi32>], vector<16xf32>,
      %add3A_99 = arith.addf %gather3A_96, %gather3A_98 : vector<16xf32>
      %swap3A_100 = arith.index_cast %multiple_of3A_79 : i32 to index
      %swap3A_101 = tpu.vector_load %arg11[%swap3A_100] {strides = array<i32>} : memref<19968xf32, #tpu.memory_space<vmem>>, vector<16xf32>,
      tpu.vector_store %arg11[%swap3A_100], %add3A_94 {strides = array<i32>} : memref<19968xf32, #tpu.memory_space<vmem>>, vector<16xf32>,
      %add3A_102 = arith.constant 128 : i32
      %add3A_103 = arith.addi %multiple_of3A_79, %add3A_102 : i32
      %swap3A_104 = arith.index_cast %add3A_103 : i32 to index
      %swap3A_105 = tpu.vector_load %arg11[%swap3A_104] {strides = array<i32>} : memref<19968xf32, #tpu.memory_space<vmem>>, vector<16xf32>,
      tpu.vector_store %arg11[%swap3A_104], %add3A_99 {strides = array<i32>} : memref<19968xf32, #tpu.memory_space<vmem>>, vector<16xf32>,
      %mul3A_106 = arith.constant 256 : i32
      %mul3A_107 = arith.muli %scan3A_16, %mul3A_106 : i32
      %add3A_108 = arith.constant 48 : i32
      %add3A_109 = arith.addi %mul3A_107, %add3A_108 : i32
      %multiple_of3A_110 = tpu.assume_multiple %add3A_109, 16 : i32
      %get3A_111 = arith.index_cast %scan3A_16 : i32 to index
      %get3A_112 = arith.constant 48 : index
      %get3A_113 = tpu.vector_load %arg9[%get3A_111, %get3A_112] {strides = array<i32>} : memref<78x128xi32, #tpu.memory_space<vmem>>, vector<16xi32>,
      %mul3A_114 = arith.constant 2 : i32
      %mul3A_115 = vector.broadcast %mul3A_114 : i32 to vector<16xi32>
      %mul3A_116 = arith.muli %get3A_113, %mul3A_115 : vector<16xi32>
      %get3A_117 = arith.index_cast %scan3A_16 : i32 to index
      %get3A_118 = arith.constant 48 : index
      %get3A_119 = tpu.vector_load %arg10[%get3A_117, %get3A_118] {strides = array<i32>} : memref<78x128xi32, #tpu.memory_space<vmem>>, vector<16xi32>,
      %mul3A_120 = arith.constant 2 : i32
      %mul3A_121 = vector.broadcast %mul3A_120 : i32 to vector<16xi32>
      %mul3A_122 = arith.muli %get3A_119, %mul3A_121 : vector<16xi32>
      %gather3A_123 = tpu.vector_load_idx %arg7[%mul3A_116] : memref<20000xf32, #tpu.memory_space<vmem>>[vector<16xi32>], vector<16xf32>,
      %gather3A_124 = tpu.vector_load_idx %arg8[%mul3A_122] : memref<20000xf32, #tpu.memory_space<vmem>>[vector<16xi32>], vector<16xf32>,
      %add3A_125 = arith.addf %gather3A_123, %gather3A_124 : vector<16xf32>
      %add3A_126 = arith.addi %mul3A_116, %broadcast_in_dim3A_7 : vector<16xi32>
      %gather3A_127 = tpu.vector_load_idx %arg7[%add3A_126] : memref<20000xf32, #tpu.memory_space<vmem>>[vector<16xi32>], vector<16xf32>,
      %add3A_128 = arith.addi %mul3A_122, %broadcast_in_dim3A_7 : vector<16xi32>
      %gather3A_129 = tpu.vector_load_idx %arg8[%add3A_128] : memref<20000xf32, #tpu.memory_space<vmem>>[vector<16xi32>], vector<16xf32>,
      %add3A_130 = arith.addf %gather3A_127, %gather3A_129 : vector<16xf32>
      %swap3A_131 = arith.index_cast %multiple_of3A_110 : i32 to index
      %swap3A_132 = tpu.vector_load %arg11[%swap3A_131] {strides = array<i32>} : memref<19968xf32, #tpu.memory_space<vmem>>, vector<16xf32>,
      tpu.vector_store %arg11[%swap3A_131], %add3A_125 {strides = array<i32>} : memref<19968xf32, #tpu.memory_space<vmem>>, vector<16xf32>,
      %add3A_133 = arith.constant 128 : i32
      %add3A_134 = arith.addi %multiple_of3A_110, %add3A_133 : i32
      %swap3A_135 = arith.index_cast %add3A_134 : i32 to index
      %swap3A_136 = tpu.vector_load %arg11[%swap3A_135] {strides = array<i32>} : memref<19968xf32, #tpu.memory_space<vmem>>, vector<16xf32>,
      tpu.vector_store %arg11[%swap3A_135], %add3A_130 {strides = array<i32>} : memref<19968xf32, #tpu.memory_space<vmem>>, vector<16xf32>,
      %mul3A_137 = arith.constant 256 : i32
      %mul3A_138 = arith.muli %scan3A_16, %mul3A_137 : i32
      %add3A_139 = arith.constant 64 : i32
      %add3A_140 = arith.addi %mul3A_138, %add3A_139 : i32
      %multiple_of3A_141 = tpu.assume_multiple %add3A_140, 16 : i32
      %get3A_142 = arith.index_cast %scan3A_16 : i32 to index
      %get3A_143 = arith.constant 64 : index
      %get3A_144 = tpu.vector_load %arg9[%get3A_142, %get3A_143] {strides = array<i32>} : memref<78x128xi32, #tpu.memory_space<vmem>>, vector<16xi32>,
      %mul3A_145 = arith.constant 2 : i32
      %mul3A_146 = vector.broadcast %mul3A_145 : i32 to vector<16xi32>
      %mul3A_147 = arith.muli %get3A_144, %mul3A_146 : vector<16xi32>
      %get3A_148 = arith.index_cast %scan3A_16 : i32 to index
      %get3A_149 = arith.constant 64 : index
      %get3A_150 = tpu.vector_load %arg10[%get3A_148, %get3A_149] {strides = array<i32>} : memref<78x128xi32, #tpu.memory_space<vmem>>, vector<16xi32>,
      %mul3A_151 = arith.constant 2 : i32
      %mul3A_152 = vector.broadcast %mul3A_151 : i32 to vector<16xi32>
      %mul3A_153 = arith.muli %get3A_150, %mul3A_152 : vector<16xi32>
      %gather3A_154 = tpu.vector_load_idx %arg7[%mul3A_147] : memref<20000xf32, #tpu.memory_space<vmem>>[vector<16xi32>], vector<16xf32>,
      %gather3A_155 = tpu.vector_load_idx %arg8[%mul3A_153] : memref<20000xf32, #tpu.memory_space<vmem>>[vector<16xi32>], vector<16xf32>,
      %add3A_156 = arith.addf %gather3A_154, %gather3A_155 : vector<16xf32>
      %add3A_157 = arith.addi %mul3A_147, %broadcast_in_dim3A_7 : vector<16xi32>
      %gather3A_158 = tpu.vector_load_idx %arg7[%add3A_157] : memref<20000xf32, #tpu.memory_space<vmem>>[vector<16xi32>], vector<16xf32>,
      %add3A_159 = arith.addi %mul3A_153, %broadcast_in_dim3A_7 : vector<16xi32>
      %gather3A_160 = tpu.vector_load_idx %arg8[%add3A_159] : memref<20000xf32, #tpu.memory_space<vmem>>[vector<16xi32>], vector<16xf32>,
      %add3A_161 = arith.addf %gather3A_158, %gather3A_160 : vector<16xf32>
      %swap3A_162 = arith.index_cast %multiple_of3A_141 : i32 to index
      %swap3A_163 = tpu.vector_load %arg11[%swap3A_162] {strides = array<i32>} : memref<19968xf32, #tpu.memory_space<vmem>>, vector<16xf32>,
      tpu.vector_store %arg11[%swap3A_162], %add3A_156 {strides = array<i32>} : memref<19968xf32, #tpu.memory_space<vmem>>, vector<16xf32>,
      %add3A_164 = arith.constant 128 : i32
      %add3A_165 = arith.addi %multiple_of3A_141, %add3A_164 : i32
      %swap3A_166 = arith.index_cast %add3A_165 : i32 to index
      %swap3A_167 = tpu.vector_load %arg11[%swap3A_166] {strides = array<i32>} : memref<19968xf32, #tpu.memory_space<vmem>>, vector<16xf32>,
      tpu.vector_store %arg11[%swap3A_166], %add3A_161 {strides = array<i32>} : memref<19968xf32, #tpu.memory_space<vmem>>, vector<16xf32>,
      %mul3A_168 = arith.constant 256 : i32
      %mul3A_169 = arith.muli %scan3A_16, %mul3A_168 : i32
      %add3A_170 = arith.constant 80 : i32
      %add3A_171 = arith.addi %mul3A_169, %add3A_170 : i32
      %multiple_of3A_172 = tpu.assume_multiple %add3A_171, 16 : i32
      %get3A_173 = arith.index_cast %scan3A_16 : i32 to index
      %get3A_174 = arith.constant 80 : index
      %get3A_175 = tpu.vector_load %arg9[%get3A_173, %get3A_174] {strides = array<i32>} : memref<78x128xi32, #tpu.memory_space<vmem>>, vector<16xi32>,
      %mul3A_176 = arith.constant 2 : i32
      %mul3A_177 = vector.broadcast %mul3A_176 : i32 to vector<16xi32>
      %mul3A_178 = arith.muli %get3A_175, %mul3A_177 : vector<16xi32>
      %get3A_179 = arith.index_cast %scan3A_16 : i32 to index
      %get3A_180 = arith.constant 80 : index
      %get3A_181 = tpu.vector_load %arg10[%get3A_179, %get3A_180] {strides = array<i32>} : memref<78x128xi32, #tpu.memory_space<vmem>>, vector<16xi32>,
      %mul3A_182 = arith.constant 2 : i32
      %mul3A_183 = vector.broadcast %mul3A_182 : i32 to vector<16xi32>
      %mul3A_184 = arith.muli %get3A_181, %mul3A_183 : vector<16xi32>
      %gather3A_185 = tpu.vector_load_idx %arg7[%mul3A_178] : memref<20000xf32, #tpu.memory_space<vmem>>[vector<16xi32>], vector<16xf32>,
      %gather3A_186 = tpu.vector_load_idx %arg8[%mul3A_184] : memref<20000xf32, #tpu.memory_space<vmem>>[vector<16xi32>], vector<16xf32>,
      %add3A_187 = arith.addf %gather3A_185, %gather3A_186 : vector<16xf32>
      %add3A_188 = arith.addi %mul3A_178, %broadcast_in_dim3A_7 : vector<16xi32>
      %gather3A_189 = tpu.vector_load_idx %arg7[%add3A_188] : memref<20000xf32, #tpu.memory_space<vmem>>[vector<16xi32>], vector<16xf32>,
      %add3A_190 = arith.addi %mul3A_184, %broadcast_in_dim3A_7 : vector<16xi32>
      %gather3A_191 = tpu.vector_load_idx %arg8[%add3A_190] : memref<20000xf32, #tpu.memory_space<vmem>>[vector<16xi32>], vector<16xf32>,
      %add3A_192 = arith.addf %gather3A_189, %gather3A_191 : vector<16xf32>
      %swap3A_193 = arith.index_cast %multiple_of3A_172 : i32 to index
      %swap3A_194 = tpu.vector_load %arg11[%swap3A_193] {strides = array<i32>} : memref<19968xf32, #tpu.memory_space<vmem>>, vector<16xf32>,
      tpu.vector_store %arg11[%swap3A_193], %add3A_187 {strides = array<i32>} : memref<19968xf32, #tpu.memory_space<vmem>>, vector<16xf32>,
      %add3A_195 = arith.constant 128 : i32
      %add3A_196 = arith.addi %multiple_of3A_172, %add3A_195 : i32
      %swap3A_197 = arith.index_cast %add3A_196 : i32 to index
      %swap3A_198 = tpu.vector_load %arg11[%swap3A_197] {strides = array<i32>} : memref<19968xf32, #tpu.memory_space<vmem>>, vector<16xf32>,
      tpu.vector_store %arg11[%swap3A_197], %add3A_192 {strides = array<i32>} : memref<19968xf32, #tpu.memory_space<vmem>>, vector<16xf32>,
      %mul3A_199 = arith.constant 256 : i32
      %mul3A_200 = arith.muli %scan3A_16, %mul3A_199 : i32
      %add3A_201 = arith.constant 96 : i32
      %add3A_202 = arith.addi %mul3A_200, %add3A_201 : i32
      %multiple_of3A_203 = tpu.assume_multiple %add3A_202, 16 : i32
      %get3A_204 = arith.index_cast %scan3A_16 : i32 to index
      %get3A_205 = arith.constant 96 : index
      %get3A_206 = tpu.vector_load %arg9[%get3A_204, %get3A_205] {strides = array<i32>} : memref<78x128xi32, #tpu.memory_space<vmem>>, vector<16xi32>,
      %mul3A_207 = arith.constant 2 : i32
      %mul3A_208 = vector.broadcast %mul3A_207 : i32 to vector<16xi32>
      %mul3A_209 = arith.muli %get3A_206, %mul3A_208 : vector<16xi32>
      %get3A_210 = arith.index_cast %scan3A_16 : i32 to index
      %get3A_211 = arith.constant 96 : index
      %get3A_212 = tpu.vector_load %arg10[%get3A_210, %get3A_211] {strides = array<i32>} : memref<78x128xi32, #tpu.memory_space<vmem>>, vector<16xi32>,
      %mul3A_213 = arith.constant 2 : i32
      %mul3A_214 = vector.broadcast %mul3A_213 : i32 to vector<16xi32>
      %mul3A_215 = arith.muli %get3A_212, %mul3A_214 : vector<16xi32>
      %gather3A_216 = tpu.vector_load_idx %arg7[%mul3A_209] : memref<20000xf32, #tpu.memory_space<vmem>>[vector<16xi32>], vector<16xf32>,
      %gather3A_217 = tpu.vector_load_idx %arg8[%mul3A_215] : memref<20000xf32, #tpu.memory_space<vmem>>[vector<16xi32>], vector<16xf32>,
      %add3A_218 = arith.addf %gather3A_216, %gather3A_217 : vector<16xf32>
      %add3A_219 = arith.addi %mul3A_209, %broadcast_in_dim3A_7 : vector<16xi32>
      %gather3A_220 = tpu.vector_load_idx %arg7[%add3A_219] : memref<20000xf32, #tpu.memory_space<vmem>>[vector<16xi32>], vector<16xf32>,
      %add3A_221 = arith.addi %mul3A_215, %broadcast_in_dim3A_7 : vector<16xi32>
      %gather3A_222 = tpu.vector_load_idx %arg8[%add3A_221] : memref<20000xf32, #tpu.memory_space<vmem>>[vector<16xi32>], vector<16xf32>,
      %add3A_223 = arith.addf %gather3A_220, %gather3A_222 : vector<16xf32>
      %swap3A_224 = arith.index_cast %multiple_of3A_203 : i32 to index
      %swap3A_225 = tpu.vector_load %arg11[%swap3A_224] {strides = array<i32>} : memref<19968xf32, #tpu.memory_space<vmem>>, vector<16xf32>,
      tpu.vector_store %arg11[%swap3A_224], %add3A_218 {strides = array<i32>} : memref<19968xf32, #tpu.memory_space<vmem>>, vector<16xf32>,
      %add3A_226 = arith.constant 128 : i32
      %add3A_227 = arith.addi %multiple_of3A_203, %add3A_226 : i32
      %swap3A_228 = arith.index_cast %add3A_227 : i32 to index
      %swap3A_229 = tpu.vector_load %arg11[%swap3A_228] {strides = array<i32>} : memref<19968xf32, #tpu.memory_space<vmem>>, vector<16xf32>,
      tpu.vector_store %arg11[%swap3A_228], %add3A_223 {strides = array<i32>} : memref<19968xf32, #tpu.memory_space<vmem>>, vector<16xf32>,
      %mul3A_230 = arith.constant 256 : i32
      %mul3A_231 = arith.muli %scan3A_16, %mul3A_230 : i32
      %add3A_232 = arith.constant 112 : i32
      %add3A_233 = arith.addi %mul3A_231, %add3A_232 : i32
      %multiple_of3A_234 = tpu.assume_multiple %add3A_233, 16 : i32
      %get3A_235 = arith.index_cast %scan3A_16 : i32 to index
      %get3A_236 = arith.constant 112 : index
      %get3A_237 = tpu.vector_load %arg9[%get3A_235, %get3A_236] {strides = array<i32>} : memref<78x128xi32, #tpu.memory_space<vmem>>, vector<16xi32>,
      %mul3A_238 = arith.constant 2 : i32
      %mul3A_239 = vector.broadcast %mul3A_238 : i32 to vector<16xi32>
      %mul3A_240 = arith.muli %get3A_237, %mul3A_239 : vector<16xi32>
      %get3A_241 = arith.index_cast %scan3A_16 : i32 to index
      %get3A_242 = arith.constant 112 : index
      %get3A_243 = tpu.vector_load %arg10[%get3A_241, %get3A_242] {strides = array<i32>} : memref<78x128xi32, #tpu.memory_space<vmem>>, vector<16xi32>,
      %mul3A_244 = arith.constant 2 : i32
      %mul3A_245 = vector.broadcast %mul3A_244 : i32 to vector<16xi32>
      %mul3A_246 = arith.muli %get3A_243, %mul3A_245 : vector<16xi32>
      %gather3A_247 = tpu.vector_load_idx %arg7[%mul3A_240] : memref<20000xf32, #tpu.memory_space<vmem>>[vector<16xi32>], vector<16xf32>,
      %gather3A_248 = tpu.vector_load_idx %arg8[%mul3A_246] : memref<20000xf32, #tpu.memory_space<vmem>>[vector<16xi32>], vector<16xf32>,
      %add3A_249 = arith.addf %gather3A_247, %gather3A_248 : vector<16xf32>
      %add3A_250 = arith.addi %mul3A_240, %broadcast_in_dim3A_7 : vector<16xi32>
      %gather3A_251 = tpu.vector_load_idx %arg7[%add3A_250] : memref<20000xf32, #tpu.memory_space<vmem>>[vector<16xi32>], vector<16xf32>,
      %add3A_252 = arith.addi %mul3A_246, %broadcast_in_dim3A_7 : vector<16xi32>
      %gather3A_253 = tpu.vector_load_idx %arg8[%add3A_252] : memref<20000xf32, #tpu.memory_space<vmem>>[vector<16xi32>], vector<16xf32>,
      %add3A_254 = arith.addf %gather3A_251, %gather3A_253 : vector<16xf32>
      %swap3A_255 = arith.index_cast %multiple_of3A_234 : i32 to index
      %swap3A_256 = tpu.vector_load %arg11[%swap3A_255] {strides = array<i32>} : memref<19968xf32, #tpu.memory_space<vmem>>, vector<16xf32>,
      tpu.vector_store %arg11[%swap3A_255], %add3A_249 {strides = array<i32>} : memref<19968xf32, #tpu.memory_space<vmem>>, vector<16xf32>,
      %add3A_257 = arith.constant 128 : i32
      %add3A_258 = arith.addi %multiple_of3A_234, %add3A_257 : i32
      %swap3A_259 = arith.index_cast %add3A_258 : i32 to index
      %swap3A_260 = tpu.vector_load %arg11[%swap3A_259] {strides = array<i32>} : memref<19968xf32, #tpu.memory_space<vmem>>, vector<16xf32>,
      tpu.vector_store %arg11[%swap3A_259], %add3A_254 {strides = array<i32>} : memref<19968xf32, #tpu.memory_space<vmem>>, vector<16xf32>,
    }
    %scan3A_11 = arith.constant 78 : i32
    %mul3A_12 = arith.constant 2 : i32
    %mul3A_13 = arith.muli %mul3A_12, %mul3A_2 : i32
    "tpu.region"() ({
      %run_scoped3A = tpu.sem_alloc : memref<!tpu.dma_semaphore, #tpu.memory_space<semaphore_mem>>
      %dma_start3A = tpu.memref_slice %arg6[%mul3A_13] : memref<640000xf32, #tpu.memory_space<hbm>> -> memref<19968xf32, #tpu.memory_space<hbm>>
      %dma_start3A_16 = tpu.memref_slice %arg6[%mul3A_13] : memref<640000xf32, #tpu.memory_space<hbm>> -> memref<19968xf32, #tpu.memory_space<hbm>>
      tpu.enqueue_dma source(%arg11 : memref<19968xf32, #tpu.memory_space<vmem>>) target(%dma_start3A_16 : memref<19968xf32, #tpu.memory_space<hbm>>) target_semaphore(%run_scoped3A : memref<!tpu.dma_semaphore, #tpu.memory_space<semaphore_mem>>)
      %dma_wait3A = tpu.memref_slice %arg6[%mul3A_13] : memref<640000xf32, #tpu.memory_space<hbm>> -> memref<19968xf32, #tpu.memory_space<hbm>>
      %dma_wait3A_17 = tpu.memref_slice %arg6[%mul3A_13] : memref<640000xf32, #tpu.memory_space<hbm>> -> memref<19968xf32, #tpu.memory_space<hbm>>
      tpu.wait_dma2 semaphore(%run_scoped3A : memref<!tpu.dma_semaphore, #tpu.memory_space<semaphore_mem>>) src(%arg11 : memref<19968xf32, #tpu.memory_space<vmem>>) dst(%dma_wait3A_17 : memref<19968xf32, #tpu.memory_space<hbm>>)
      tpu.yield
    }) : () -> ()
    %lt3A = arith.constant 4 : i32
    %lt3A_14 = arith.cmpi slt, %add3A, %lt3A : i32
    %convert_element_type3A = arith.extui %lt3A_14 : i1 to i32
    %cond3A = arith.constant 0 : i32
    %cond3A_15 = arith.cmpi ne, %convert_element_type3A, %cond3A : i32
    scf.if %cond3A_15 {
      %add3A_16 = arith.constant 2496 : i32
      %add3A_17 = arith.addi %add3A_16, %add3A : i32
      "tpu.region"() ({
        %run_scoped3A = tpu.sem_alloc : memref<!tpu.dma_semaphore, #tpu.memory_space<semaphore_mem>>
        %dma_start3A = arith.constant 0 : i32
        %dma_start3A_231 = arith.constant 0 : i32
        %dma_start3A_232 = tpu.memref_slice %arg9[%dma_start3A, %dma_start3A_231] : memref<78x128xi32, #tpu.memory_space<vmem>> -> memref<1x128xi32, #tpu.memory_space<vmem>>
        %dma_start3A_233 = arith.constant 0 : i32
        %dma_start3A_234 = tpu.memref_slice %arg4[%add3A_17, %dma_start3A_233] : memref<2500x128xi32, #tpu.memory_space<hbm>> -> memref<1x128xi32, #tpu.memory_space<hbm>>
        %dma_start3A_235 = arith.constant 0 : i32
        %dma_start3A_236 = arith.constant 0 : i32
        %dma_start3A_237 = tpu.memref_slice %arg9[%dma_start3A_235, %dma_start3A_236] : memref<78x128xi32, #tpu.memory_space<vmem>> -> memref<1x128xi32, #tpu.memory_space<vmem>>
        %dma_start3A_238 = arith.constant 0 : i32
        %dma_start3A_239 = tpu.memref_slice %arg4[%add3A_17, %dma_start3A_238] : memref<2500x128xi32, #tpu.memory_space<hbm>> -> memref<1x128xi32, #tpu.memory_space<hbm>>
        tpu.enqueue_dma source(%dma_start3A_239 : memref<1x128xi32, #tpu.memory_space<hbm>>) target(%dma_start3A_237 : memref<1x128xi32, #tpu.memory_space<vmem>>) target_semaphore(%run_scoped3A : memref<!tpu.dma_semaphore, #tpu.memory_space<semaphore_mem>>)
        %dma_wait3A = arith.constant 0 : i32
        %dma_wait3A_240 = arith.constant 0 : i32
        %dma_wait3A_241 = tpu.memref_slice %arg9[%dma_wait3A, %dma_wait3A_240] : memref<78x128xi32, #tpu.memory_space<vmem>> -> memref<1x128xi32, #tpu.memory_space<vmem>>
        %dma_wait3A_242 = arith.constant 0 : i32
        %dma_wait3A_243 = tpu.memref_slice %arg4[%add3A_17, %dma_wait3A_242] : memref<2500x128xi32, #tpu.memory_space<hbm>> -> memref<1x128xi32, #tpu.memory_space<hbm>>
        %dma_wait3A_244 = arith.constant 0 : i32
        %dma_wait3A_245 = arith.constant 0 : i32
        %dma_wait3A_246 = tpu.memref_slice %arg9[%dma_wait3A_244, %dma_wait3A_245] : memref<78x128xi32, #tpu.memory_space<vmem>> -> memref<1x128xi32, #tpu.memory_space<vmem>>
        %dma_wait3A_247 = arith.constant 0 : i32
        %dma_wait3A_248 = tpu.memref_slice %arg4[%add3A_17, %dma_wait3A_247] : memref<2500x128xi32, #tpu.memory_space<hbm>> -> memref<1x128xi32, #tpu.memory_space<hbm>>
        tpu.wait_dma2 semaphore(%run_scoped3A : memref<!tpu.dma_semaphore, #tpu.memory_space<semaphore_mem>>) src(%dma_wait3A_248 : memref<1x128xi32, #tpu.memory_space<hbm>>) dst(%dma_wait3A_246 : memref<1x128xi32, #tpu.memory_space<vmem>>)
        tpu.yield
      }) : () -> ()
      %add3A_18 = arith.constant 2496 : i32
      %add3A_19 = arith.addi %add3A_18, %add3A : i32
      "tpu.region"() ({
        %run_scoped3A = tpu.sem_alloc : memref<!tpu.dma_semaphore, #tpu.memory_space<semaphore_mem>>
        %dma_start3A = arith.constant 0 : i32
        %dma_start3A_231 = arith.constant 0 : i32
        %dma_start3A_232 = tpu.memref_slice %arg10[%dma_start3A, %dma_start3A_231] : memref<78x128xi32, #tpu.memory_space<vmem>> -> memref<1x128xi32, #tpu.memory_space<vmem>>
        %dma_start3A_233 = arith.constant 0 : i32
        %dma_start3A_234 = tpu.memref_slice %arg5[%add3A_19, %dma_start3A_233] : memref<2500x128xi32, #tpu.memory_space<hbm>> -> memref<1x128xi32, #tpu.memory_space<hbm>>
        %dma_start3A_235 = arith.constant 0 : i32
        %dma_start3A_236 = arith.constant 0 : i32
        %dma_start3A_237 = tpu.memref_slice %arg10[%dma_start3A_235, %dma_start3A_236] : memref<78x128xi32, #tpu.memory_space<vmem>> -> memref<1x128xi32, #tpu.memory_space<vmem>>
        %dma_start3A_238 = arith.constant 0 : i32
        %dma_start3A_239 = tpu.memref_slice %arg5[%add3A_19, %dma_start3A_238] : memref<2500x128xi32, #tpu.memory_space<hbm>> -> memref<1x128xi32, #tpu.memory_space<hbm>>
        tpu.enqueue_dma source(%dma_start3A_239 : memref<1x128xi32, #tpu.memory_space<hbm>>) target(%dma_start3A_237 : memref<1x128xi32, #tpu.memory_space<vmem>>) target_semaphore(%run_scoped3A : memref<!tpu.dma_semaphore, #tpu.memory_space<semaphore_mem>>)
        %dma_wait3A = arith.constant 0 : i32
        %dma_wait3A_240 = arith.constant 0 : i32
        %dma_wait3A_241 = tpu.memref_slice %arg10[%dma_wait3A, %dma_wait3A_240] : memref<78x128xi32, #tpu.memory_space<vmem>> -> memref<1x128xi32, #tpu.memory_space<vmem>>
        %dma_wait3A_242 = arith.constant 0 : i32
        %dma_wait3A_243 = tpu.memref_slice %arg5[%add3A_19, %dma_wait3A_242] : memref<2500x128xi32, #tpu.memory_space<hbm>> -> memref<1x128xi32, #tpu.memory_space<hbm>>
        %dma_wait3A_244 = arith.constant 0 : i32
        %dma_wait3A_245 = arith.constant 0 : i32
        %dma_wait3A_246 = tpu.memref_slice %arg10[%dma_wait3A_244, %dma_wait3A_245] : memref<78x128xi32, #tpu.memory_space<vmem>> -> memref<1x128xi32, #tpu.memory_space<vmem>>
        %dma_wait3A_247 = arith.constant 0 : i32
        %dma_wait3A_248 = tpu.memref_slice %arg5[%add3A_19, %dma_wait3A_247] : memref<2500x128xi32, #tpu.memory_space<hbm>> -> memref<1x128xi32, #tpu.memory_space<hbm>>
        tpu.wait_dma2 semaphore(%run_scoped3A : memref<!tpu.dma_semaphore, #tpu.memory_space<semaphore_mem>>) src(%dma_wait3A_248 : memref<1x128xi32, #tpu.memory_space<hbm>>) dst(%dma_wait3A_246 : memref<1x128xi32, #tpu.memory_space<vmem>>)
        tpu.yield
      }) : () -> ()
      %get3A = arith.constant 0 : i32
      %get3A_20 = arith.index_cast %get3A : i32 to index
      %get3A_21 = arith.constant 0 : index
      %get3A_22 = tpu.vector_load %arg9[%get3A_20, %get3A_21] {strides = array<i32>} : memref<78x128xi32, #tpu.memory_space<vmem>>, vector<16xi32>,
      %mul3A_23 = arith.constant 2 : i32
      %mul3A_24 = vector.broadcast %mul3A_23 : i32 to vector<16xi32>
      %mul3A_25 = arith.muli %get3A_22, %mul3A_24 : vector<16xi32>
      %get3A_26 = arith.constant 0 : i32
      %get3A_27 = arith.index_cast %get3A_26 : i32 to index
      %get3A_28 = arith.constant 0 : index
      %get3A_29 = tpu.vector_load %arg10[%get3A_27, %get3A_28] {strides = array<i32>} : memref<78x128xi32, #tpu.memory_space<vmem>>, vector<16xi32>,
      %mul3A_30 = arith.constant 2 : i32
      %mul3A_31 = vector.broadcast %mul3A_30 : i32 to vector<16xi32>
      %mul3A_32 = arith.muli %get3A_29, %mul3A_31 : vector<16xi32>
      %gather3A = tpu.vector_load_idx %arg7[%mul3A_25] : memref<20000xf32, #tpu.memory_space<vmem>>[vector<16xi32>], vector<16xf32>,
      %gather3A_33 = tpu.vector_load_idx %arg8[%mul3A_32] : memref<20000xf32, #tpu.memory_space<vmem>>[vector<16xi32>], vector<16xf32>,
      %add3A_34 = arith.addf %gather3A, %gather3A_33 : vector<16xf32>
      %add3A_35 = arith.addi %mul3A_25, %broadcast_in_dim3A_7 : vector<16xi32>
      %gather3A_36 = tpu.vector_load_idx %arg7[%add3A_35] : memref<20000xf32, #tpu.memory_space<vmem>>[vector<16xi32>], vector<16xf32>,
      %add3A_37 = arith.addi %mul3A_32, %broadcast_in_dim3A_7 : vector<16xi32>
      %gather3A_38 = tpu.vector_load_idx %arg8[%add3A_37] : memref<20000xf32, #tpu.memory_space<vmem>>[vector<16xi32>], vector<16xf32>,
      %add3A_39 = arith.addf %gather3A_36, %gather3A_38 : vector<16xf32>
      %swap3A = arith.constant 0 : index
      %swap3A_40 = tpu.vector_load %arg12[%swap3A] {strides = array<i32>} : memref<256xf32, #tpu.memory_space<vmem>>, vector<16xf32>,
      tpu.vector_store %arg12[%swap3A], %add3A_34 {strides = array<i32>} : memref<256xf32, #tpu.memory_space<vmem>>, vector<16xf32>,
      %swap3A_41 = arith.constant 128 : index
      %swap3A_42 = tpu.vector_load %arg12[%swap3A_41] {strides = array<i32>} : memref<256xf32, #tpu.memory_space<vmem>>, vector<16xf32>,
      tpu.vector_store %arg12[%swap3A_41], %add3A_39 {strides = array<i32>} : memref<256xf32, #tpu.memory_space<vmem>>, vector<16xf32>,
      %get3A_43 = arith.constant 0 : i32
      %get3A_44 = arith.index_cast %get3A_43 : i32 to index
      %get3A_45 = arith.constant 16 : index
      %get3A_46 = tpu.vector_load %arg9[%get3A_44, %get3A_45] {strides = array<i32>} : memref<78x128xi32, #tpu.memory_space<vmem>>, vector<16xi32>,
      %mul3A_47 = arith.constant 2 : i32
      %mul3A_48 = vector.broadcast %mul3A_47 : i32 to vector<16xi32>
      %mul3A_49 = arith.muli %get3A_46, %mul3A_48 : vector<16xi32>
      %get3A_50 = arith.constant 0 : i32
      %get3A_51 = arith.index_cast %get3A_50 : i32 to index
      %get3A_52 = arith.constant 16 : index
      %get3A_53 = tpu.vector_load %arg10[%get3A_51, %get3A_52] {strides = array<i32>} : memref<78x128xi32, #tpu.memory_space<vmem>>, vector<16xi32>,
      %mul3A_54 = arith.constant 2 : i32
      %mul3A_55 = vector.broadcast %mul3A_54 : i32 to vector<16xi32>
      %mul3A_56 = arith.muli %get3A_53, %mul3A_55 : vector<16xi32>
      %gather3A_57 = tpu.vector_load_idx %arg7[%mul3A_49] : memref<20000xf32, #tpu.memory_space<vmem>>[vector<16xi32>], vector<16xf32>,
      %gather3A_58 = tpu.vector_load_idx %arg8[%mul3A_56] : memref<20000xf32, #tpu.memory_space<vmem>>[vector<16xi32>], vector<16xf32>,
      %add3A_59 = arith.addf %gather3A_57, %gather3A_58 : vector<16xf32>
      %add3A_60 = arith.addi %mul3A_49, %broadcast_in_dim3A_7 : vector<16xi32>
      %gather3A_61 = tpu.vector_load_idx %arg7[%add3A_60] : memref<20000xf32, #tpu.memory_space<vmem>>[vector<16xi32>], vector<16xf32>,
      %add3A_62 = arith.addi %mul3A_56, %broadcast_in_dim3A_7 : vector<16xi32>
      %gather3A_63 = tpu.vector_load_idx %arg8[%add3A_62] : memref<20000xf32, #tpu.memory_space<vmem>>[vector<16xi32>], vector<16xf32>,
      %add3A_64 = arith.addf %gather3A_61, %gather3A_63 : vector<16xf32>
      %swap3A_65 = arith.constant 16 : index
      %swap3A_66 = tpu.vector_load %arg12[%swap3A_65] {strides = array<i32>} : memref<256xf32, #tpu.memory_space<vmem>>, vector<16xf32>,
      tpu.vector_store %arg12[%swap3A_65], %add3A_59 {strides = array<i32>} : memref<256xf32, #tpu.memory_space<vmem>>, vector<16xf32>,
      %swap3A_67 = arith.constant 144 : index
      %swap3A_68 = tpu.vector_load %arg12[%swap3A_67] {strides = array<i32>} : memref<256xf32, #tpu.memory_space<vmem>>, vector<16xf32>,
      tpu.vector_store %arg12[%swap3A_67], %add3A_64 {strides = array<i32>} : memref<256xf32, #tpu.memory_space<vmem>>, vector<16xf32>,
      %get3A_69 = arith.constant 0 : i32
      %get3A_70 = arith.index_cast %get3A_69 : i32 to index
      %get3A_71 = arith.constant 32 : index
      %get3A_72 = tpu.vector_load %arg9[%get3A_70, %get3A_71] {strides = array<i32>} : memref<78x128xi32, #tpu.memory_space<vmem>>, vector<16xi32>,
      %mul3A_73 = arith.constant 2 : i32
      %mul3A_74 = vector.broadcast %mul3A_73 : i32 to vector<16xi32>
      %mul3A_75 = arith.muli %get3A_72, %mul3A_74 : vector<16xi32>
      %get3A_76 = arith.constant 0 : i32
      %get3A_77 = arith.index_cast %get3A_76 : i32 to index
      %get3A_78 = arith.constant 32 : index
      %get3A_79 = tpu.vector_load %arg10[%get3A_77, %get3A_78] {strides = array<i32>} : memref<78x128xi32, #tpu.memory_space<vmem>>, vector<16xi32>,
      %mul3A_80 = arith.constant 2 : i32
      %mul3A_81 = vector.broadcast %mul3A_80 : i32 to vector<16xi32>
      %mul3A_82 = arith.muli %get3A_79, %mul3A_81 : vector<16xi32>
      %gather3A_83 = tpu.vector_load_idx %arg7[%mul3A_75] : memref<20000xf32, #tpu.memory_space<vmem>>[vector<16xi32>], vector<16xf32>,
      %gather3A_84 = tpu.vector_load_idx %arg8[%mul3A_82] : memref<20000xf32, #tpu.memory_space<vmem>>[vector<16xi32>], vector<16xf32>,
      %add3A_85 = arith.addf %gather3A_83, %gather3A_84 : vector<16xf32>
      %add3A_86 = arith.addi %mul3A_75, %broadcast_in_dim3A_7 : vector<16xi32>
      %gather3A_87 = tpu.vector_load_idx %arg7[%add3A_86] : memref<20000xf32, #tpu.memory_space<vmem>>[vector<16xi32>], vector<16xf32>,
      %add3A_88 = arith.addi %mul3A_82, %broadcast_in_dim3A_7 : vector<16xi32>
      %gather3A_89 = tpu.vector_load_idx %arg8[%add3A_88] : memref<20000xf32, #tpu.memory_space<vmem>>[vector<16xi32>], vector<16xf32>,
      %add3A_90 = arith.addf %gather3A_87, %gather3A_89 : vector<16xf32>
      %swap3A_91 = arith.constant 32 : index
      %swap3A_92 = tpu.vector_load %arg12[%swap3A_91] {strides = array<i32>} : memref<256xf32, #tpu.memory_space<vmem>>, vector<16xf32>,
      tpu.vector_store %arg12[%swap3A_91], %add3A_85 {strides = array<i32>} : memref<256xf32, #tpu.memory_space<vmem>>, vector<16xf32>,
      %swap3A_93 = arith.constant 160 : index
      %swap3A_94 = tpu.vector_load %arg12[%swap3A_93] {strides = array<i32>} : memref<256xf32, #tpu.memory_space<vmem>>, vector<16xf32>,
      tpu.vector_store %arg12[%swap3A_93], %add3A_90 {strides = array<i32>} : memref<256xf32, #tpu.memory_space<vmem>>, vector<16xf32>,
      %get3A_95 = arith.constant 0 : i32
      %get3A_96 = arith.index_cast %get3A_95 : i32 to index
      %get3A_97 = arith.constant 48 : index
      %get3A_98 = tpu.vector_load %arg9[%get3A_96, %get3A_97] {strides = array<i32>} : memref<78x128xi32, #tpu.memory_space<vmem>>, vector<16xi32>,
      %mul3A_99 = arith.constant 2 : i32
      %mul3A_100 = vector.broadcast %mul3A_99 : i32 to vector<16xi32>
      %mul3A_101 = arith.muli %get3A_98, %mul3A_100 : vector<16xi32>
      %get3A_102 = arith.constant 0 : i32
      %get3A_103 = arith.index_cast %get3A_102 : i32 to index
      %get3A_104 = arith.constant 48 : index
      %get3A_105 = tpu.vector_load %arg10[%get3A_103, %get3A_104] {strides = array<i32>} : memref<78x128xi32, #tpu.memory_space<vmem>>, vector<16xi32>,
      %mul3A_106 = arith.constant 2 : i32
      %mul3A_107 = vector.broadcast %mul3A_106 : i32 to vector<16xi32>
      %mul3A_108 = arith.muli %get3A_105, %mul3A_107 : vector<16xi32>
      %gather3A_109 = tpu.vector_load_idx %arg7[%mul3A_101] : memref<20000xf32, #tpu.memory_space<vmem>>[vector<16xi32>], vector<16xf32>,
      %gather3A_110 = tpu.vector_load_idx %arg8[%mul3A_108] : memref<20000xf32, #tpu.memory_space<vmem>>[vector<16xi32>], vector<16xf32>,
      %add3A_111 = arith.addf %gather3A_109, %gather3A_110 : vector<16xf32>
      %add3A_112 = arith.addi %mul3A_101, %broadcast_in_dim3A_7 : vector<16xi32>
      %gather3A_113 = tpu.vector_load_idx %arg7[%add3A_112] : memref<20000xf32, #tpu.memory_space<vmem>>[vector<16xi32>], vector<16xf32>,
      %add3A_114 = arith.addi %mul3A_108, %broadcast_in_dim3A_7 : vector<16xi32>
      %gather3A_115 = tpu.vector_load_idx %arg8[%add3A_114] : memref<20000xf32, #tpu.memory_space<vmem>>[vector<16xi32>], vector<16xf32>,
      %add3A_116 = arith.addf %gather3A_113, %gather3A_115 : vector<16xf32>
      %swap3A_117 = arith.constant 48 : index
      %swap3A_118 = tpu.vector_load %arg12[%swap3A_117] {strides = array<i32>} : memref<256xf32, #tpu.memory_space<vmem>>, vector<16xf32>,
      tpu.vector_store %arg12[%swap3A_117], %add3A_111 {strides = array<i32>} : memref<256xf32, #tpu.memory_space<vmem>>, vector<16xf32>,
      %swap3A_119 = arith.constant 176 : index
      %swap3A_120 = tpu.vector_load %arg12[%swap3A_119] {strides = array<i32>} : memref<256xf32, #tpu.memory_space<vmem>>, vector<16xf32>,
      tpu.vector_store %arg12[%swap3A_119], %add3A_116 {strides = array<i32>} : memref<256xf32, #tpu.memory_space<vmem>>, vector<16xf32>,
      %get3A_121 = arith.constant 0 : i32
      %get3A_122 = arith.index_cast %get3A_121 : i32 to index
      %get3A_123 = arith.constant 64 : index
      %get3A_124 = tpu.vector_load %arg9[%get3A_122, %get3A_123] {strides = array<i32>} : memref<78x128xi32, #tpu.memory_space<vmem>>, vector<16xi32>,
      %mul3A_125 = arith.constant 2 : i32
      %mul3A_126 = vector.broadcast %mul3A_125 : i32 to vector<16xi32>
      %mul3A_127 = arith.muli %get3A_124, %mul3A_126 : vector<16xi32>
      %get3A_128 = arith.constant 0 : i32
      %get3A_129 = arith.index_cast %get3A_128 : i32 to index
      %get3A_130 = arith.constant 64 : index
      %get3A_131 = tpu.vector_load %arg10[%get3A_129, %get3A_130] {strides = array<i32>} : memref<78x128xi32, #tpu.memory_space<vmem>>, vector<16xi32>,
      %mul3A_132 = arith.constant 2 : i32
      %mul3A_133 = vector.broadcast %mul3A_132 : i32 to vector<16xi32>
      %mul3A_134 = arith.muli %get3A_131, %mul3A_133 : vector<16xi32>
      %gather3A_135 = tpu.vector_load_idx %arg7[%mul3A_127] : memref<20000xf32, #tpu.memory_space<vmem>>[vector<16xi32>], vector<16xf32>,
      %gather3A_136 = tpu.vector_load_idx %arg8[%mul3A_134] : memref<20000xf32, #tpu.memory_space<vmem>>[vector<16xi32>], vector<16xf32>,
      %add3A_137 = arith.addf %gather3A_135, %gather3A_136 : vector<16xf32>
      %add3A_138 = arith.addi %mul3A_127, %broadcast_in_dim3A_7 : vector<16xi32>
      %gather3A_139 = tpu.vector_load_idx %arg7[%add3A_138] : memref<20000xf32, #tpu.memory_space<vmem>>[vector<16xi32>], vector<16xf32>,
      %add3A_140 = arith.addi %mul3A_134, %broadcast_in_dim3A_7 : vector<16xi32>
      %gather3A_141 = tpu.vector_load_idx %arg8[%add3A_140] : memref<20000xf32, #tpu.memory_space<vmem>>[vector<16xi32>], vector<16xf32>,
      %add3A_142 = arith.addf %gather3A_139, %gather3A_141 : vector<16xf32>
      %swap3A_143 = arith.constant 64 : index
      %swap3A_144 = tpu.vector_load %arg12[%swap3A_143] {strides = array<i32>} : memref<256xf32, #tpu.memory_space<vmem>>, vector<16xf32>,
      tpu.vector_store %arg12[%swap3A_143], %add3A_137 {strides = array<i32>} : memref<256xf32, #tpu.memory_space<vmem>>, vector<16xf32>,
      %swap3A_145 = arith.constant 192 : index
      %swap3A_146 = tpu.vector_load %arg12[%swap3A_145] {strides = array<i32>} : memref<256xf32, #tpu.memory_space<vmem>>, vector<16xf32>,
      tpu.vector_store %arg12[%swap3A_145], %add3A_142 {strides = array<i32>} : memref<256xf32, #tpu.memory_space<vmem>>, vector<16xf32>,
      %get3A_147 = arith.constant 0 : i32
      %get3A_148 = arith.index_cast %get3A_147 : i32 to index
      %get3A_149 = arith.constant 80 : index
      %get3A_150 = tpu.vector_load %arg9[%get3A_148, %get3A_149] {strides = array<i32>} : memref<78x128xi32, #tpu.memory_space<vmem>>, vector<16xi32>,
      %mul3A_151 = arith.constant 2 : i32
      %mul3A_152 = vector.broadcast %mul3A_151 : i32 to vector<16xi32>
      %mul3A_153 = arith.muli %get3A_150, %mul3A_152 : vector<16xi32>
      %get3A_154 = arith.constant 0 : i32
      %get3A_155 = arith.index_cast %get3A_154 : i32 to index
      %get3A_156 = arith.constant 80 : index
      %get3A_157 = tpu.vector_load %arg10[%get3A_155, %get3A_156] {strides = array<i32>} : memref<78x128xi32, #tpu.memory_space<vmem>>, vector<16xi32>,
      %mul3A_158 = arith.constant 2 : i32
      %mul3A_159 = vector.broadcast %mul3A_158 : i32 to vector<16xi32>
      %mul3A_160 = arith.muli %get3A_157, %mul3A_159 : vector<16xi32>
      %gather3A_161 = tpu.vector_load_idx %arg7[%mul3A_153] : memref<20000xf32, #tpu.memory_space<vmem>>[vector<16xi32>], vector<16xf32>,
      %gather3A_162 = tpu.vector_load_idx %arg8[%mul3A_160] : memref<20000xf32, #tpu.memory_space<vmem>>[vector<16xi32>], vector<16xf32>,
      %add3A_163 = arith.addf %gather3A_161, %gather3A_162 : vector<16xf32>
      %add3A_164 = arith.addi %mul3A_153, %broadcast_in_dim3A_7 : vector<16xi32>
      %gather3A_165 = tpu.vector_load_idx %arg7[%add3A_164] : memref<20000xf32, #tpu.memory_space<vmem>>[vector<16xi32>], vector<16xf32>,
      %add3A_166 = arith.addi %mul3A_160, %broadcast_in_dim3A_7 : vector<16xi32>
      %gather3A_167 = tpu.vector_load_idx %arg8[%add3A_166] : memref<20000xf32, #tpu.memory_space<vmem>>[vector<16xi32>], vector<16xf32>,
      %add3A_168 = arith.addf %gather3A_165, %gather3A_167 : vector<16xf32>
      %swap3A_169 = arith.constant 80 : index
      %swap3A_170 = tpu.vector_load %arg12[%swap3A_169] {strides = array<i32>} : memref<256xf32, #tpu.memory_space<vmem>>, vector<16xf32>,
      tpu.vector_store %arg12[%swap3A_169], %add3A_163 {strides = array<i32>} : memref<256xf32, #tpu.memory_space<vmem>>, vector<16xf32>,
      %swap3A_171 = arith.constant 208 : index
      %swap3A_172 = tpu.vector_load %arg12[%swap3A_171] {strides = array<i32>} : memref<256xf32, #tpu.memory_space<vmem>>, vector<16xf32>,
      tpu.vector_store %arg12[%swap3A_171], %add3A_168 {strides = array<i32>} : memref<256xf32, #tpu.memory_space<vmem>>, vector<16xf32>,
      %get3A_173 = arith.constant 0 : i32
      %get3A_174 = arith.index_cast %get3A_173 : i32 to index
      %get3A_175 = arith.constant 96 : index
      %get3A_176 = tpu.vector_load %arg9[%get3A_174, %get3A_175] {strides = array<i32>} : memref<78x128xi32, #tpu.memory_space<vmem>>, vector<16xi32>,
      %mul3A_177 = arith.constant 2 : i32
      %mul3A_178 = vector.broadcast %mul3A_177 : i32 to vector<16xi32>
      %mul3A_179 = arith.muli %get3A_176, %mul3A_178 : vector<16xi32>
      %get3A_180 = arith.constant 0 : i32
      %get3A_181 = arith.index_cast %get3A_180 : i32 to index
      %get3A_182 = arith.constant 96 : index
      %get3A_183 = tpu.vector_load %arg10[%get3A_181, %get3A_182] {strides = array<i32>} : memref<78x128xi32, #tpu.memory_space<vmem>>, vector<16xi32>,
      %mul3A_184 = arith.constant 2 : i32
      %mul3A_185 = vector.broadcast %mul3A_184 : i32 to vector<16xi32>
      %mul3A_186 = arith.muli %get3A_183, %mul3A_185 : vector<16xi32>
      %gather3A_187 = tpu.vector_load_idx %arg7[%mul3A_179] : memref<20000xf32, #tpu.memory_space<vmem>>[vector<16xi32>], vector<16xf32>,
      %gather3A_188 = tpu.vector_load_idx %arg8[%mul3A_186] : memref<20000xf32, #tpu.memory_space<vmem>>[vector<16xi32>], vector<16xf32>,
      %add3A_189 = arith.addf %gather3A_187, %gather3A_188 : vector<16xf32>
      %add3A_190 = arith.addi %mul3A_179, %broadcast_in_dim3A_7 : vector<16xi32>
      %gather3A_191 = tpu.vector_load_idx %arg7[%add3A_190] : memref<20000xf32, #tpu.memory_space<vmem>>[vector<16xi32>], vector<16xf32>,
      %add3A_192 = arith.addi %mul3A_186, %broadcast_in_dim3A_7 : vector<16xi32>
      %gather3A_193 = tpu.vector_load_idx %arg8[%add3A_192] : memref<20000xf32, #tpu.memory_space<vmem>>[vector<16xi32>], vector<16xf32>,
      %add3A_194 = arith.addf %gather3A_191, %gather3A_193 : vector<16xf32>
      %swap3A_195 = arith.constant 96 : index
      %swap3A_196 = tpu.vector_load %arg12[%swap3A_195] {strides = array<i32>} : memref<256xf32, #tpu.memory_space<vmem>>, vector<16xf32>,
      tpu.vector_store %arg12[%swap3A_195], %add3A_189 {strides = array<i32>} : memref<256xf32, #tpu.memory_space<vmem>>, vector<16xf32>,
      %swap3A_197 = arith.constant 224 : index
      %swap3A_198 = tpu.vector_load %arg12[%swap3A_197] {strides = array<i32>} : memref<256xf32, #tpu.memory_space<vmem>>, vector<16xf32>,
      tpu.vector_store %arg12[%swap3A_197], %add3A_194 {strides = array<i32>} : memref<256xf32, #tpu.memory_space<vmem>>, vector<16xf32>,
      %get3A_199 = arith.constant 0 : i32
      %get3A_200 = arith.index_cast %get3A_199 : i32 to index
      %get3A_201 = arith.constant 112 : index
      %get3A_202 = tpu.vector_load %arg9[%get3A_200, %get3A_201] {strides = array<i32>} : memref<78x128xi32, #tpu.memory_space<vmem>>, vector<16xi32>,
      %mul3A_203 = arith.constant 2 : i32
      %mul3A_204 = vector.broadcast %mul3A_203 : i32 to vector<16xi32>
      %mul3A_205 = arith.muli %get3A_202, %mul3A_204 : vector<16xi32>
      %get3A_206 = arith.constant 0 : i32
      %get3A_207 = arith.index_cast %get3A_206 : i32 to index
      %get3A_208 = arith.constant 112 : index
      %get3A_209 = tpu.vector_load %arg10[%get3A_207, %get3A_208] {strides = array<i32>} : memref<78x128xi32, #tpu.memory_space<vmem>>, vector<16xi32>,
      %mul3A_210 = arith.constant 2 : i32
      %mul3A_211 = vector.broadcast %mul3A_210 : i32 to vector<16xi32>
      %mul3A_212 = arith.muli %get3A_209, %mul3A_211 : vector<16xi32>
      %gather3A_213 = tpu.vector_load_idx %arg7[%mul3A_205] : memref<20000xf32, #tpu.memory_space<vmem>>[vector<16xi32>], vector<16xf32>,
      %gather3A_214 = tpu.vector_load_idx %arg8[%mul3A_212] : memref<20000xf32, #tpu.memory_space<vmem>>[vector<16xi32>], vector<16xf32>,
      %add3A_215 = arith.addf %gather3A_213, %gather3A_214 : vector<16xf32>
      %add3A_216 = arith.addi %mul3A_205, %broadcast_in_dim3A_7 : vector<16xi32>
      %gather3A_217 = tpu.vector_load_idx %arg7[%add3A_216] : memref<20000xf32, #tpu.memory_space<vmem>>[vector<16xi32>], vector<16xf32>,
      %add3A_218 = arith.addi %mul3A_212, %broadcast_in_dim3A_7 : vector<16xi32>
      %gather3A_219 = tpu.vector_load_idx %arg8[%add3A_218] : memref<20000xf32, #tpu.memory_space<vmem>>[vector<16xi32>], vector<16xf32>,
      %add3A_220 = arith.addf %gather3A_217, %gather3A_219 : vector<16xf32>
      %swap3A_221 = arith.constant 112 : index
      %swap3A_222 = tpu.vector_load %arg12[%swap3A_221] {strides = array<i32>} : memref<256xf32, #tpu.memory_space<vmem>>, vector<16xf32>,
      tpu.vector_store %arg12[%swap3A_221], %add3A_215 {strides = array<i32>} : memref<256xf32, #tpu.memory_space<vmem>>, vector<16xf32>,
      %swap3A_223 = arith.constant 240 : index
      %swap3A_224 = tpu.vector_load %arg12[%swap3A_223] {strides = array<i32>} : memref<256xf32, #tpu.memory_space<vmem>>, vector<16xf32>,
      tpu.vector_store %arg12[%swap3A_223], %add3A_220 {strides = array<i32>} : memref<256xf32, #tpu.memory_space<vmem>>, vector<16xf32>,
      %add3A_225 = arith.constant 2496 : i32
      %add3A_226 = arith.addi %add3A_225, %add3A : i32
      %mul3A_227 = arith.constant 2 : i32
      %mul3A_228 = arith.muli %mul3A_227, %add3A_226 : i32
      %mul3A_229 = arith.constant 128 : i32
      %mul3A_230 = arith.muli %mul3A_228, %mul3A_229 : i32
      "tpu.region"() ({
        %run_scoped3A = tpu.sem_alloc : memref<!tpu.dma_semaphore, #tpu.memory_space<semaphore_mem>>
        %dma_start3A = tpu.memref_slice %arg6[%mul3A_230] : memref<640000xf32, #tpu.memory_space<hbm>> -> memref<256xf32, #tpu.memory_space<hbm>>
        %dma_start3A_231 = tpu.memref_slice %arg6[%mul3A_230] : memref<640000xf32, #tpu.memory_space<hbm>> -> memref<256xf32, #tpu.memory_space<hbm>>
        tpu.enqueue_dma source(%arg12 : memref<256xf32, #tpu.memory_space<vmem>>) target(%dma_start3A_231 : memref<256xf32, #tpu.memory_space<hbm>>) target_semaphore(%run_scoped3A : memref<!tpu.dma_semaphore, #tpu.memory_space<semaphore_mem>>)
        %dma_wait3A = tpu.memref_slice %arg6[%mul3A_230] : memref<640000xf32, #tpu.memory_space<hbm>> -> memref<256xf32, #tpu.memory_space<hbm>>
        %dma_wait3A_232 = tpu.memref_slice %arg6[%mul3A_230] : memref<640000xf32, #tpu.memory_space<hbm>> -> memref<256xf32, #tpu.memory_space<hbm>>
        tpu.wait_dma2 semaphore(%run_scoped3A : memref<!tpu.dma_semaphore, #tpu.memory_space<semaphore_mem>>) src(%arg12 : memref<256xf32, #tpu.memory_space<vmem>>) dst(%dma_wait3A_232 : memref<256xf32, #tpu.memory_space<hbm>>)
        tpu.yield
      }) : () -> ()
    } else {
    }
    return
  }
}

#map = affine_map<(d0, d1) -> (0, 0)>
#map1 = affine_map<(d0, d1) -> (0, 0, 0)>
module attributes {stable_mosaic.version = 14 : i64} {
  func.func @_diag(%arg0: i32, %arg1: i32, %arg2: memref<10000x128xf32, #tpu.memory_space<hbm>>, %arg3: memref<2500x128xi32, #tpu.memory_space<hbm>>, %arg4: memref<2500x128xi32, #tpu.memory_space<hbm>>, %arg5: memref<2x10240x128xf32, #tpu.memory_space<hbm>>, %arg6: memref<39x128xi32, #tpu.memory_space<vmem>>, %arg7: memref<78x128xi32, #tpu.memory_space<vmem>>, %arg8: memref<128x128xf32, #tpu.memory_space<vmem>>, %arg9: memref<128x128xf32, #tpu.memory_space<vmem>>, %arg10: memref<10240x128xf32, #tpu.memory_space<vmem_shared>>, %arg11: memref<!tpu.dma_semaphore, #tpu.memory_space<semaphore_mem>>, %arg12: memref<!tpu.dma_semaphore, #tpu.memory_space<semaphore_mem>>, %arg13: memref<!tpu.dma_semaphore, #tpu.memory_space<semaphore_mem>>) attributes {dimension_semantics = [#tpu.dimension_semantics<core_parallel>, #tpu.dimension_semantics<subcore_parallel>], iteration_bounds = array<i64: 2, 16>, scalar_prefetch = 0 : i64, scratch_operands = 8 : i64, tpu.core_type = #tpu.core_type<sc_vector_subcore>, window_params = [{transform_indices = #map}, {transform_indices = #map}, {transform_indices = #map}, {transform_indices = #map1}]} {
    %mul3A = arith.constant 16 : i32
    %mul3A_0 = arith.muli %arg0, %mul3A : i32
    %add3A = arith.addi %mul3A_0, %arg1 : i32
    %mul3A_1 = arith.constant 78 : i32
    %mul3A_2 = arith.muli %add3A, %mul3A_1 : i32
    %dma_start3A = arith.constant 0 : i32
    %dma_start3A_3 = tpu.memref_slice %arg3[%mul3A_2, %dma_start3A] : memref<2500x128xi32, #tpu.memory_space<hbm>> -> memref<39x128xi32, #tpu.memory_space<hbm>>
    %dma_start3A_4 = arith.constant 0 : i32
    %dma_start3A_5 = tpu.memref_slice %arg3[%mul3A_2, %dma_start3A_4] : memref<2500x128xi32, #tpu.memory_space<hbm>> -> memref<39x128xi32, #tpu.memory_space<hbm>>
    tpu.enqueue_dma source(%dma_start3A_5 : memref<39x128xi32, #tpu.memory_space<hbm>>) target(%arg6 : memref<39x128xi32, #tpu.memory_space<vmem>>) target_semaphore(%arg13 : memref<!tpu.dma_semaphore, #tpu.memory_space<semaphore_mem>>)
    %mul3A_6 = arith.constant 78 : i32
    %mul3A_7 = arith.muli %add3A, %mul3A_6 : i32
    %dma_start3A_8 = arith.constant 0 : i32
    %dma_start3A_9 = tpu.memref_slice %arg4[%mul3A_7, %dma_start3A_8] : memref<2500x128xi32, #tpu.memory_space<hbm>> -> memref<78x128xi32, #tpu.memory_space<hbm>>
    %dma_start3A_10 = arith.constant 0 : i32
    %dma_start3A_11 = tpu.memref_slice %arg4[%mul3A_7, %dma_start3A_10] : memref<2500x128xi32, #tpu.memory_space<hbm>> -> memref<78x128xi32, #tpu.memory_space<hbm>>
    tpu.enqueue_dma source(%dma_start3A_11 : memref<78x128xi32, #tpu.memory_space<hbm>>) target(%arg7 : memref<78x128xi32, #tpu.memory_space<vmem>>) target_semaphore(%arg12 : memref<!tpu.dma_semaphore, #tpu.memory_space<semaphore_mem>>)
    %broadcast_in_dim3A = arith.constant 0.000000e+00 : f32
    %broadcast_in_dim3A_12 = vector.broadcast %broadcast_in_dim3A : f32 to vector<16xf32>
    %scan3A = arith.constant 0 : i32
    %scan3A_13 = arith.constant 128 : i32
    %scan3A_14 = arith.addi %scan3A, %scan3A_13 : i32
    %scan3A_15 = arith.constant 1 : i32
    scf.for %scan3A_77 = %scan3A to %scan3A_14 step %scan3A_15  : i32 {
      %swap3A = arith.index_cast %scan3A_77 : i32 to index
      %swap3A_78 = arith.constant 0 : index
      %swap3A_79 = tpu.vector_load %arg8[%swap3A, %swap3A_78] {strides = array<i32>} : memref<128x128xf32, #tpu.memory_space<vmem>>, vector<16xf32>,
      tpu.vector_store %arg8[%swap3A, %swap3A_78], %broadcast_in_dim3A_12 {strides = array<i32>} : memref<128x128xf32, #tpu.memory_space<vmem>>, vector<16xf32>,
      %swap3A_80 = arith.index_cast %scan3A_77 : i32 to index
      %swap3A_81 = arith.constant 16 : index
      %swap3A_82 = tpu.vector_load %arg8[%swap3A_80, %swap3A_81] {strides = array<i32>} : memref<128x128xf32, #tpu.memory_space<vmem>>, vector<16xf32>,
      tpu.vector_store %arg8[%swap3A_80, %swap3A_81], %broadcast_in_dim3A_12 {strides = array<i32>} : memref<128x128xf32, #tpu.memory_space<vmem>>, vector<16xf32>,
      %swap3A_83 = arith.index_cast %scan3A_77 : i32 to index
      %swap3A_84 = arith.constant 32 : index
      %swap3A_85 = tpu.vector_load %arg8[%swap3A_83, %swap3A_84] {strides = array<i32>} : memref<128x128xf32, #tpu.memory_space<vmem>>, vector<16xf32>,
      tpu.vector_store %arg8[%swap3A_83, %swap3A_84], %broadcast_in_dim3A_12 {strides = array<i32>} : memref<128x128xf32, #tpu.memory_space<vmem>>, vector<16xf32>,
      %swap3A_86 = arith.index_cast %scan3A_77 : i32 to index
      %swap3A_87 = arith.constant 48 : index
      %swap3A_88 = tpu.vector_load %arg8[%swap3A_86, %swap3A_87] {strides = array<i32>} : memref<128x128xf32, #tpu.memory_space<vmem>>, vector<16xf32>,
      tpu.vector_store %arg8[%swap3A_86, %swap3A_87], %broadcast_in_dim3A_12 {strides = array<i32>} : memref<128x128xf32, #tpu.memory_space<vmem>>, vector<16xf32>,
      %swap3A_89 = arith.index_cast %scan3A_77 : i32 to index
      %swap3A_90 = arith.constant 64 : index
      %swap3A_91 = tpu.vector_load %arg8[%swap3A_89, %swap3A_90] {strides = array<i32>} : memref<128x128xf32, #tpu.memory_space<vmem>>, vector<16xf32>,
      tpu.vector_store %arg8[%swap3A_89, %swap3A_90], %broadcast_in_dim3A_12 {strides = array<i32>} : memref<128x128xf32, #tpu.memory_space<vmem>>, vector<16xf32>,
      %swap3A_92 = arith.index_cast %scan3A_77 : i32 to index
      %swap3A_93 = arith.constant 80 : index
      %swap3A_94 = tpu.vector_load %arg8[%swap3A_92, %swap3A_93] {strides = array<i32>} : memref<128x128xf32, #tpu.memory_space<vmem>>, vector<16xf32>,
      tpu.vector_store %arg8[%swap3A_92, %swap3A_93], %broadcast_in_dim3A_12 {strides = array<i32>} : memref<128x128xf32, #tpu.memory_space<vmem>>, vector<16xf32>,
      %swap3A_95 = arith.index_cast %scan3A_77 : i32 to index
      %swap3A_96 = arith.constant 96 : index
      %swap3A_97 = tpu.vector_load %arg8[%swap3A_95, %swap3A_96] {strides = array<i32>} : memref<128x128xf32, #tpu.memory_space<vmem>>, vector<16xf32>,
      tpu.vector_store %arg8[%swap3A_95, %swap3A_96], %broadcast_in_dim3A_12 {strides = array<i32>} : memref<128x128xf32, #tpu.memory_space<vmem>>, vector<16xf32>,
      %swap3A_98 = arith.index_cast %scan3A_77 : i32 to index
      %swap3A_99 = arith.constant 112 : index
      %swap3A_100 = tpu.vector_load %arg8[%swap3A_98, %swap3A_99] {strides = array<i32>} : memref<128x128xf32, #tpu.memory_space<vmem>>, vector<16xf32>,
      tpu.vector_store %arg8[%swap3A_98, %swap3A_99], %broadcast_in_dim3A_12 {strides = array<i32>} : memref<128x128xf32, #tpu.memory_space<vmem>>, vector<16xf32>,
    }
    %scan3A_16 = arith.constant 128 : i32
    %mul3A_17 = arith.constant 640 : i32
    %mul3A_18 = arith.muli %arg1, %mul3A_17 : i32
    %add3A_19 = arith.constant 0 : i32
    %add3A_20 = arith.addi %mul3A_18, %add3A_19 : i32
    "tpu.region"() ({
      %run_scoped3A = tpu.sem_alloc : memref<!tpu.dma_semaphore, #tpu.memory_space<semaphore_mem>>
      %dma_start3A_77 = arith.constant 0 : i32
      %dma_start3A_78 = tpu.memref_slice %arg10[%add3A_20, %dma_start3A_77] : memref<10240x128xf32, #tpu.memory_space<vmem_shared>> -> memref<128x128xf32, #tpu.memory_space<vmem_shared>>
      %dma_start3A_79 = arith.constant 0 : i32
      %dma_start3A_80 = tpu.memref_slice %arg10[%add3A_20, %dma_start3A_79] : memref<10240x128xf32, #tpu.memory_space<vmem_shared>> -> memref<128x128xf32, #tpu.memory_space<vmem_shared>>
      tpu.enqueue_dma source(%arg8 : memref<128x128xf32, #tpu.memory_space<vmem>>) target(%dma_start3A_80 : memref<128x128xf32, #tpu.memory_space<vmem_shared>>) target_semaphore(%run_scoped3A : memref<!tpu.dma_semaphore, #tpu.memory_space<semaphore_mem>>)
      %dma_wait3A_81 = arith.constant 0 : i32
      %dma_wait3A_82 = tpu.memref_slice %arg10[%add3A_20, %dma_wait3A_81] : memref<10240x128xf32, #tpu.memory_space<vmem_shared>> -> memref<128x128xf32, #tpu.memory_space<vmem_shared>>
      %dma_wait3A_83 = arith.constant 0 : i32
      %dma_wait3A_84 = tpu.memref_slice %arg10[%add3A_20, %dma_wait3A_83] : memref<10240x128xf32, #tpu.memory_space<vmem_shared>> -> memref<128x128xf32, #tpu.memory_space<vmem_shared>>
      tpu.wait_dma2 semaphore(%run_scoped3A : memref<!tpu.dma_semaphore, #tpu.memory_space<semaphore_mem>>) src(%arg8 : memref<128x128xf32, #tpu.memory_space<vmem>>) dst(%dma_wait3A_84 : memref<128x128xf32, #tpu.memory_space<vmem_shared>>)
      tpu.yield
    }) : () -> ()
    %mul3A_21 = arith.constant 640 : i32
    %mul3A_22 = arith.muli %arg1, %mul3A_21 : i32
    %add3A_23 = arith.constant 128 : i32
    %add3A_24 = arith.addi %mul3A_22, %add3A_23 : i32
    "tpu.region"() ({
      %run_scoped3A = tpu.sem_alloc : memref<!tpu.dma_semaphore, #tpu.memory_space<semaphore_mem>>
      %dma_start3A_77 = arith.constant 0 : i32
      %dma_start3A_78 = tpu.memref_slice %arg10[%add3A_24, %dma_start3A_77] : memref<10240x128xf32, #tpu.memory_space<vmem_shared>> -> memref<128x128xf32, #tpu.memory_space<vmem_shared>>
      %dma_start3A_79 = arith.constant 0 : i32
      %dma_start3A_80 = tpu.memref_slice %arg10[%add3A_24, %dma_start3A_79] : memref<10240x128xf32, #tpu.memory_space<vmem_shared>> -> memref<128x128xf32, #tpu.memory_space<vmem_shared>>
      tpu.enqueue_dma source(%arg8 : memref<128x128xf32, #tpu.memory_space<vmem>>) target(%dma_start3A_80 : memref<128x128xf32, #tpu.memory_space<vmem_shared>>) target_semaphore(%run_scoped3A : memref<!tpu.dma_semaphore, #tpu.memory_space<semaphore_mem>>)
      %dma_wait3A_81 = arith.constant 0 : i32
      %dma_wait3A_82 = tpu.memref_slice %arg10[%add3A_24, %dma_wait3A_81] : memref<10240x128xf32, #tpu.memory_space<vmem_shared>> -> memref<128x128xf32, #tpu.memory_space<vmem_shared>>
      %dma_wait3A_83 = arith.constant 0 : i32
      %dma_wait3A_84 = tpu.memref_slice %arg10[%add3A_24, %dma_wait3A_83] : memref<10240x128xf32, #tpu.memory_space<vmem_shared>> -> memref<128x128xf32, #tpu.memory_space<vmem_shared>>
      tpu.wait_dma2 semaphore(%run_scoped3A : memref<!tpu.dma_semaphore, #tpu.memory_space<semaphore_mem>>) src(%arg8 : memref<128x128xf32, #tpu.memory_space<vmem>>) dst(%dma_wait3A_84 : memref<128x128xf32, #tpu.memory_space<vmem_shared>>)
      tpu.yield
    }) : () -> ()
    %mul3A_25 = arith.constant 640 : i32
    %mul3A_26 = arith.muli %arg1, %mul3A_25 : i32
    %add3A_27 = arith.constant 256 : i32
    %add3A_28 = arith.addi %mul3A_26, %add3A_27 : i32
    "tpu.region"() ({
      %run_scoped3A = tpu.sem_alloc : memref<!tpu.dma_semaphore, #tpu.memory_space<semaphore_mem>>
      %dma_start3A_77 = arith.constant 0 : i32
      %dma_start3A_78 = tpu.memref_slice %arg10[%add3A_28, %dma_start3A_77] : memref<10240x128xf32, #tpu.memory_space<vmem_shared>> -> memref<128x128xf32, #tpu.memory_space<vmem_shared>>
      %dma_start3A_79 = arith.constant 0 : i32
      %dma_start3A_80 = tpu.memref_slice %arg10[%add3A_28, %dma_start3A_79] : memref<10240x128xf32, #tpu.memory_space<vmem_shared>> -> memref<128x128xf32, #tpu.memory_space<vmem_shared>>
      tpu.enqueue_dma source(%arg8 : memref<128x128xf32, #tpu.memory_space<vmem>>) target(%dma_start3A_80 : memref<128x128xf32, #tpu.memory_space<vmem_shared>>) target_semaphore(%run_scoped3A : memref<!tpu.dma_semaphore, #tpu.memory_space<semaphore_mem>>)
      %dma_wait3A_81 = arith.constant 0 : i32
      %dma_wait3A_82 = tpu.memref_slice %arg10[%add3A_28, %dma_wait3A_81] : memref<10240x128xf32, #tpu.memory_space<vmem_shared>> -> memref<128x128xf32, #tpu.memory_space<vmem_shared>>
      %dma_wait3A_83 = arith.constant 0 : i32
      %dma_wait3A_84 = tpu.memref_slice %arg10[%add3A_28, %dma_wait3A_83] : memref<10240x128xf32, #tpu.memory_space<vmem_shared>> -> memref<128x128xf32, #tpu.memory_space<vmem_shared>>
      tpu.wait_dma2 semaphore(%run_scoped3A : memref<!tpu.dma_semaphore, #tpu.memory_space<semaphore_mem>>) src(%arg8 : memref<128x128xf32, #tpu.memory_space<vmem>>) dst(%dma_wait3A_84 : memref<128x128xf32, #tpu.memory_space<vmem_shared>>)
      tpu.yield
    }) : () -> ()
    %mul3A_29 = arith.constant 640 : i32
    %mul3A_30 = arith.muli %arg1, %mul3A_29 : i32
    %add3A_31 = arith.constant 384 : i32
    %add3A_32 = arith.addi %mul3A_30, %add3A_31 : i32
    "tpu.region"() ({
      %run_scoped3A = tpu.sem_alloc : memref<!tpu.dma_semaphore, #tpu.memory_space<semaphore_mem>>
      %dma_start3A_77 = arith.constant 0 : i32
      %dma_start3A_78 = tpu.memref_slice %arg10[%add3A_32, %dma_start3A_77] : memref<10240x128xf32, #tpu.memory_space<vmem_shared>> -> memref<128x128xf32, #tpu.memory_space<vmem_shared>>
      %dma_start3A_79 = arith.constant 0 : i32
      %dma_start3A_80 = tpu.memref_slice %arg10[%add3A_32, %dma_start3A_79] : memref<10240x128xf32, #tpu.memory_space<vmem_shared>> -> memref<128x128xf32, #tpu.memory_space<vmem_shared>>
      tpu.enqueue_dma source(%arg8 : memref<128x128xf32, #tpu.memory_space<vmem>>) target(%dma_start3A_80 : memref<128x128xf32, #tpu.memory_space<vmem_shared>>) target_semaphore(%run_scoped3A : memref<!tpu.dma_semaphore, #tpu.memory_space<semaphore_mem>>)
      %dma_wait3A_81 = arith.constant 0 : i32
      %dma_wait3A_82 = tpu.memref_slice %arg10[%add3A_32, %dma_wait3A_81] : memref<10240x128xf32, #tpu.memory_space<vmem_shared>> -> memref<128x128xf32, #tpu.memory_space<vmem_shared>>
      %dma_wait3A_83 = arith.constant 0 : i32
      %dma_wait3A_84 = tpu.memref_slice %arg10[%add3A_32, %dma_wait3A_83] : memref<10240x128xf32, #tpu.memory_space<vmem_shared>> -> memref<128x128xf32, #tpu.memory_space<vmem_shared>>
      tpu.wait_dma2 semaphore(%run_scoped3A : memref<!tpu.dma_semaphore, #tpu.memory_space<semaphore_mem>>) src(%arg8 : memref<128x128xf32, #tpu.memory_space<vmem>>) dst(%dma_wait3A_84 : memref<128x128xf32, #tpu.memory_space<vmem_shared>>)
      tpu.yield
    }) : () -> ()
    %mul3A_33 = arith.constant 640 : i32
    %mul3A_34 = arith.muli %arg1, %mul3A_33 : i32
    %add3A_35 = arith.constant 512 : i32
    %add3A_36 = arith.addi %mul3A_34, %add3A_35 : i32
    "tpu.region"() ({
      %run_scoped3A = tpu.sem_alloc : memref<!tpu.dma_semaphore, #tpu.memory_space<semaphore_mem>>
      %dma_start3A_77 = arith.constant 0 : i32
      %dma_start3A_78 = tpu.memref_slice %arg10[%add3A_36, %dma_start3A_77] : memref<10240x128xf32, #tpu.memory_space<vmem_shared>> -> memref<128x128xf32, #tpu.memory_space<vmem_shared>>
      %dma_start3A_79 = arith.constant 0 : i32
      %dma_start3A_80 = tpu.memref_slice %arg10[%add3A_36, %dma_start3A_79] : memref<10240x128xf32, #tpu.memory_space<vmem_shared>> -> memref<128x128xf32, #tpu.memory_space<vmem_shared>>
      tpu.enqueue_dma source(%arg8 : memref<128x128xf32, #tpu.memory_space<vmem>>) target(%dma_start3A_80 : memref<128x128xf32, #tpu.memory_space<vmem_shared>>) target_semaphore(%run_scoped3A : memref<!tpu.dma_semaphore, #tpu.memory_space<semaphore_mem>>)
      %dma_wait3A_81 = arith.constant 0 : i32
      %dma_wait3A_82 = tpu.memref_slice %arg10[%add3A_36, %dma_wait3A_81] : memref<10240x128xf32, #tpu.memory_space<vmem_shared>> -> memref<128x128xf32, #tpu.memory_space<vmem_shared>>
      %dma_wait3A_83 = arith.constant 0 : i32
      %dma_wait3A_84 = tpu.memref_slice %arg10[%add3A_36, %dma_wait3A_83] : memref<10240x128xf32, #tpu.memory_space<vmem_shared>> -> memref<128x128xf32, #tpu.memory_space<vmem_shared>>
      tpu.wait_dma2 semaphore(%run_scoped3A : memref<!tpu.dma_semaphore, #tpu.memory_space<semaphore_mem>>) src(%arg8 : memref<128x128xf32, #tpu.memory_space<vmem>>) dst(%dma_wait3A_84 : memref<128x128xf32, #tpu.memory_space<vmem_shared>>)
      tpu.yield
    }) : () -> ()
    %dma_wait3A = arith.constant 0 : i32
    %dma_wait3A_37 = tpu.memref_slice %arg3[%mul3A_2, %dma_wait3A] : memref<2500x128xi32, #tpu.memory_space<hbm>> -> memref<39x128xi32, #tpu.memory_space<hbm>>
    %dma_wait3A_38 = arith.constant 0 : i32
    %dma_wait3A_39 = tpu.memref_slice %arg3[%mul3A_2, %dma_wait3A_38] : memref<2500x128xi32, #tpu.memory_space<hbm>> -> memref<39x128xi32, #tpu.memory_space<hbm>>
    tpu.wait_dma2 semaphore(%arg13 : memref<!tpu.dma_semaphore, #tpu.memory_space<semaphore_mem>>) src(%dma_wait3A_39 : memref<39x128xi32, #tpu.memory_space<hbm>>) dst(%arg6 : memref<39x128xi32, #tpu.memory_space<vmem>>)
    %dma_wait3A_40 = arith.constant 0 : i32
    %dma_wait3A_41 = tpu.memref_slice %arg4[%mul3A_7, %dma_wait3A_40] : memref<2500x128xi32, #tpu.memory_space<hbm>> -> memref<78x128xi32, #tpu.memory_space<hbm>>
    %dma_wait3A_42 = arith.constant 0 : i32
    %dma_wait3A_43 = tpu.memref_slice %arg4[%mul3A_7, %dma_wait3A_42] : memref<2500x128xi32, #tpu.memory_space<hbm>> -> memref<78x128xi32, #tpu.memory_space<hbm>>
    tpu.wait_dma2 semaphore(%arg12 : memref<!tpu.dma_semaphore, #tpu.memory_space<semaphore_mem>>) src(%dma_wait3A_43 : memref<78x128xi32, #tpu.memory_space<hbm>>) dst(%arg7 : memref<78x128xi32, #tpu.memory_space<vmem>>)
    %dma_start3A_44 = arith.constant 0 : i32
    %dma_start3A_45 = arith.constant 0 : i32
    %dma_start3A_46 = tpu.memref_slice %arg6[%dma_start3A_44, %dma_start3A_45] : memref<39x128xi32, #tpu.memory_space<vmem>> -> memref<1x128xi32, #tpu.memory_space<vmem>>
    %dma_start3A_47 = tpu.memref_squeeze %dma_start3A_46 : memref<1x128xi32, #tpu.memory_space<vmem>> -> memref<128xi32, #tpu.memory_space<vmem>>
    %dma_start3A_48 = arith.constant 0 : i32
    %dma_start3A_49 = arith.constant 0 : i32
    %dma_start3A_50 = tpu.memref_slice %arg2[%dma_start3A_48, %dma_start3A_49] : memref<10000x128xf32, #tpu.memory_space<hbm>> -> memref<10000x128xf32, #tpu.memory_space<hbm>>
    tpu.enqueue_indirect_dma source(%dma_start3A_50 : memref<10000x128xf32, #tpu.memory_space<hbm>>) target(%arg8 : memref<128x128xf32, #tpu.memory_space<vmem>>) offsets(%dma_start3A_47 : memref<128xi32, #tpu.memory_space<vmem>>) semaphore(%arg11 : memref<!tpu.dma_semaphore, #tpu.memory_space<semaphore_mem>>)
    %barrier3A = arith.constant 0 : index
    tpu.barrier barrier_id(%barrier3A)
    %scan3A_51 = arith.constant 0 : i32
    %scan3A_52 = arith.constant 39 : i32
    %scan3A_53 = arith.addi %scan3A_51, %scan3A_52 : i32
    %scan3A_54 = arith.constant 1 : i32
    scf.for %scan3A_77 = %scan3A_51 to %scan3A_53 step %scan3A_54  : i32 {
      %rem3A = arith.constant 2 : i32
      %rem3A_78 = arith.remsi %scan3A_77, %rem3A : i32
      %eq3A = arith.constant 0 : i32
      %eq3A_79 = arith.cmpi eq, %rem3A_78, %eq3A : i32
      %convert_element_type3A = arith.extui %eq3A_79 : i1 to i32
      %cond3A = arith.constant 0 : i32
      %cond3A_80 = arith.cmpi ne, %convert_element_type3A, %cond3A : i32
      scf.if %cond3A_80 {
        %dma_wait3A_86 = arith.constant 0 : i32
        %dma_wait3A_87 = tpu.memref_slice %arg6[%scan3A_77, %dma_wait3A_86] : memref<39x128xi32, #tpu.memory_space<vmem>> -> memref<1x128xi32, #tpu.memory_space<vmem>>
        %dma_wait3A_88 = tpu.memref_squeeze %dma_wait3A_87 : memref<1x128xi32, #tpu.memory_space<vmem>> -> memref<128xi32, #tpu.memory_space<vmem>>
        %dma_wait3A_89 = arith.constant 0 : i32
        %dma_wait3A_90 = arith.constant 0 : i32
        %dma_wait3A_91 = tpu.memref_slice %arg2[%dma_wait3A_89, %dma_wait3A_90] : memref<10000x128xf32, #tpu.memory_space<hbm>> -> memref<10000x128xf32, #tpu.memory_space<hbm>>
        tpu.wait_indirect_dma semaphore(%arg11 : memref<!tpu.dma_semaphore, #tpu.memory_space<semaphore_mem>>) src(%dma_wait3A_91 : memref<10000x128xf32, #tpu.memory_space<hbm>>) dst(%arg8 : memref<128x128xf32, #tpu.memory_space<vmem>>)
        %add3A_92 = arith.constant 1 : i32
        %add3A_93 = arith.addi %scan3A_77, %add3A_92 : i32
        %lt3A = arith.constant 39 : i32
        %lt3A_94 = arith.cmpi slt, %add3A_93, %lt3A : i32
        %convert_element_type3A_95 = arith.extui %lt3A_94 : i1 to i32
        %cond3A_96 = arith.constant 0 : i32
        %cond3A_97 = arith.cmpi ne, %convert_element_type3A_95, %cond3A_96 : i32
        scf.if %cond3A_97 {
          %add3A_98 = arith.constant 1 : i32
          %add3A_99 = arith.addi %scan3A_77, %add3A_98 : i32
          %dma_start3A_100 = arith.constant 0 : i32
          %dma_start3A_101 = tpu.memref_slice %arg6[%add3A_99, %dma_start3A_100] : memref<39x128xi32, #tpu.memory_space<vmem>> -> memref<1x128xi32, #tpu.memory_space<vmem>>
          %dma_start3A_102 = tpu.memref_squeeze %dma_start3A_101 : memref<1x128xi32, #tpu.memory_space<vmem>> -> memref<128xi32, #tpu.memory_space<vmem>>
          %dma_start3A_103 = arith.constant 0 : i32
          %dma_start3A_104 = arith.constant 0 : i32
          %dma_start3A_105 = tpu.memref_slice %arg2[%dma_start3A_103, %dma_start3A_104] : memref<10000x128xf32, #tpu.memory_space<hbm>> -> memref<10000x128xf32, #tpu.memory_space<hbm>>
          tpu.enqueue_indirect_dma source(%dma_start3A_105 : memref<10000x128xf32, #tpu.memory_space<hbm>>) target(%arg9 : memref<128x128xf32, #tpu.memory_space<vmem>>) offsets(%dma_start3A_102 : memref<128xi32, #tpu.memory_space<vmem>>) semaphore(%arg12 : memref<!tpu.dma_semaphore, #tpu.memory_space<semaphore_mem>>)
        } else {
        }
      } else {
      }
      %eq3A_81 = arith.constant 1 : i32
      %eq3A_82 = arith.cmpi eq, %rem3A_78, %eq3A_81 : i32
      %convert_element_type3A_83 = arith.extui %eq3A_82 : i1 to i32
      %cond3A_84 = arith.constant 0 : i32
      %cond3A_85 = arith.cmpi ne, %convert_element_type3A_83, %cond3A_84 : i32
      scf.if %cond3A_85 {
        %dma_wait3A_86 = arith.constant 0 : i32
        %dma_wait3A_87 = tpu.memref_slice %arg6[%scan3A_77, %dma_wait3A_86] : memref<39x128xi32, #tpu.memory_space<vmem>> -> memref<1x128xi32, #tpu.memory_space<vmem>>
        %dma_wait3A_88 = tpu.memref_squeeze %dma_wait3A_87 : memref<1x128xi32, #tpu.memory_space<vmem>> -> memref<128xi32, #tpu.memory_space<vmem>>
        %dma_wait3A_89 = arith.constant 0 : i32
        %dma_wait3A_90 = arith.constant 0 : i32
        %dma_wait3A_91 = tpu.memref_slice %arg2[%dma_wait3A_89, %dma_wait3A_90] : memref<10000x128xf32, #tpu.memory_space<hbm>> -> memref<10000x128xf32, #tpu.memory_space<hbm>>
        tpu.wait_indirect_dma semaphore(%arg12 : memref<!tpu.dma_semaphore, #tpu.memory_space<semaphore_mem>>) src(%dma_wait3A_91 : memref<10000x128xf32, #tpu.memory_space<hbm>>) dst(%arg9 : memref<128x128xf32, #tpu.memory_space<vmem>>)
        %add3A_92 = arith.constant 1 : i32
        %add3A_93 = arith.addi %scan3A_77, %add3A_92 : i32
        %lt3A = arith.constant 39 : i32
        %lt3A_94 = arith.cmpi slt, %add3A_93, %lt3A : i32
        %convert_element_type3A_95 = arith.extui %lt3A_94 : i1 to i32
        %cond3A_96 = arith.constant 0 : i32
        %cond3A_97 = arith.cmpi ne, %convert_element_type3A_95, %cond3A_96 : i32
        scf.if %cond3A_97 {
          %add3A_98 = arith.constant 1 : i32
          %add3A_99 = arith.addi %scan3A_77, %add3A_98 : i32
          %dma_start3A_100 = arith.constant 0 : i32
          %dma_start3A_101 = tpu.memref_slice %arg6[%add3A_99, %dma_start3A_100] : memref<39x128xi32, #tpu.memory_space<vmem>> -> memref<1x128xi32, #tpu.memory_space<vmem>>
          %dma_start3A_102 = tpu.memref_squeeze %dma_start3A_101 : memref<1x128xi32, #tpu.memory_space<vmem>> -> memref<128xi32, #tpu.memory_space<vmem>>
          %dma_start3A_103 = arith.constant 0 : i32
          %dma_start3A_104 = arith.constant 0 : i32
          %dma_start3A_105 = tpu.memref_slice %arg2[%dma_start3A_103, %dma_start3A_104] : memref<10000x128xf32, #tpu.memory_space<hbm>> -> memref<10000x128xf32, #tpu.memory_space<hbm>>
          tpu.enqueue_indirect_dma source(%dma_start3A_105 : memref<10000x128xf32, #tpu.memory_space<hbm>>) target(%arg8 : memref<128x128xf32, #tpu.memory_space<vmem>>) offsets(%dma_start3A_102 : memref<128xi32, #tpu.memory_space<vmem>>) semaphore(%arg11 : memref<!tpu.dma_semaphore, #tpu.memory_space<semaphore_mem>>)
        } else {
        }
      } else {
      }
    }
    %scan3A_55 = arith.constant 39 : i32
    %mul3A_56 = arith.constant 78 : i32
    %mul3A_57 = arith.muli %add3A, %mul3A_56 : i32
    %add3A_58 = arith.constant 39 : i32
    %add3A_59 = arith.addi %mul3A_57, %add3A_58 : i32
    "tpu.region"() ({
      %run_scoped3A = tpu.sem_alloc : memref<!tpu.dma_semaphore, #tpu.memory_space<semaphore_mem>>
      %dma_start3A_77 = arith.constant 0 : i32
      %dma_start3A_78 = tpu.memref_slice %arg3[%add3A_59, %dma_start3A_77] : memref<2500x128xi32, #tpu.memory_space<hbm>> -> memref<39x128xi32, #tpu.memory_space<hbm>>
      %dma_start3A_79 = arith.constant 0 : i32
      %dma_start3A_80 = tpu.memref_slice %arg3[%add3A_59, %dma_start3A_79] : memref<2500x128xi32, #tpu.memory_space<hbm>> -> memref<39x128xi32, #tpu.memory_space<hbm>>
      tpu.enqueue_dma source(%dma_start3A_80 : memref<39x128xi32, #tpu.memory_space<hbm>>) target(%arg6 : memref<39x128xi32, #tpu.memory_space<vmem>>) target_semaphore(%run_scoped3A : memref<!tpu.dma_semaphore, #tpu.memory_space<semaphore_mem>>)
      %dma_wait3A_81 = arith.constant 0 : i32
      %dma_wait3A_82 = tpu.memref_slice %arg3[%add3A_59, %dma_wait3A_81] : memref<2500x128xi32, #tpu.memory_space<hbm>> -> memref<39x128xi32, #tpu.memory_space<hbm>>
      %dma_wait3A_83 = arith.constant 0 : i32
      %dma_wait3A_84 = tpu.memref_slice %arg3[%add3A_59, %dma_wait3A_83] : memref<2500x128xi32, #tpu.memory_space<hbm>> -> memref<39x128xi32, #tpu.memory_space<hbm>>
      tpu.wait_dma2 semaphore(%run_scoped3A : memref<!tpu.dma_semaphore, #tpu.memory_space<semaphore_mem>>) src(%dma_wait3A_84 : memref<39x128xi32, #tpu.memory_space<hbm>>) dst(%arg6 : memref<39x128xi32, #tpu.memory_space<vmem>>)
      tpu.yield
    }) : () -> ()
    %dma_start3A_60 = arith.constant 0 : i32
    %dma_start3A_61 = arith.constant 0 : i32
    %dma_start3A_62 = tpu.memref_slice %arg6[%dma_start3A_60, %dma_start3A_61] : memref<39x128xi32, #tpu.memory_space<vmem>> -> memref<1x128xi32, #tpu.memory_space<vmem>>
    %dma_start3A_63 = tpu.memref_squeeze %dma_start3A_62 : memref<1x128xi32, #tpu.memory_space<vmem>> -> memref<128xi32, #tpu.memory_space<vmem>>
    %dma_start3A_64 = arith.constant 0 : i32
    %dma_start3A_65 = arith.constant 0 : i32
    %dma_start3A_66 = tpu.memref_slice %arg2[%dma_start3A_64, %dma_start3A_65] : memref<10000x128xf32, #tpu.memory_space<hbm>> -> memref<10000x128xf32, #tpu.memory_space<hbm>>
    tpu.enqueue_indirect_dma source(%dma_start3A_66 : memref<10000x128xf32, #tpu.memory_space<hbm>>) target(%arg8 : memref<128x128xf32, #tpu.memory_space<vmem>>) offsets(%dma_start3A_63 : memref<128xi32, #tpu.memory_space<vmem>>) semaphore(%arg11 : memref<!tpu.dma_semaphore, #tpu.memory_space<semaphore_mem>>)
    %scan3A_67 = arith.constant 0 : i32
    %scan3A_68 = arith.constant 39 : i32
    %scan3A_69 = arith.addi %scan3A_67, %scan3A_68 : i32
    %scan3A_70 = arith.constant 1 : i32
    scf.for %scan3A_77 = %scan3A_67 to %scan3A_69 step %scan3A_70  : i32 {
      %rem3A = arith.constant 2 : i32
      %rem3A_78 = arith.remsi %scan3A_77, %rem3A : i32
      %eq3A = arith.constant 0 : i32
      %eq3A_79 = arith.cmpi eq, %rem3A_78, %eq3A : i32
      %convert_element_type3A = arith.extui %eq3A_79 : i1 to i32
      %cond3A = arith.constant 0 : i32
      %cond3A_80 = arith.cmpi ne, %convert_element_type3A, %cond3A : i32
      scf.if %cond3A_80 {
        %dma_wait3A_86 = arith.constant 0 : i32
        %dma_wait3A_87 = tpu.memref_slice %arg6[%scan3A_77, %dma_wait3A_86] : memref<39x128xi32, #tpu.memory_space<vmem>> -> memref<1x128xi32, #tpu.memory_space<vmem>>
        %dma_wait3A_88 = tpu.memref_squeeze %dma_wait3A_87 : memref<1x128xi32, #tpu.memory_space<vmem>> -> memref<128xi32, #tpu.memory_space<vmem>>
        %dma_wait3A_89 = arith.constant 0 : i32
        %dma_wait3A_90 = arith.constant 0 : i32
        %dma_wait3A_91 = tpu.memref_slice %arg2[%dma_wait3A_89, %dma_wait3A_90] : memref<10000x128xf32, #tpu.memory_space<hbm>> -> memref<10000x128xf32, #tpu.memory_space<hbm>>
        tpu.wait_indirect_dma semaphore(%arg11 : memref<!tpu.dma_semaphore, #tpu.memory_space<semaphore_mem>>) src(%dma_wait3A_91 : memref<10000x128xf32, #tpu.memory_space<hbm>>) dst(%arg8 : memref<128x128xf32, #tpu.memory_space<vmem>>)
        %add3A_92 = arith.constant 1 : i32
        %add3A_93 = arith.addi %scan3A_77, %add3A_92 : i32
        %lt3A = arith.constant 39 : i32
        %lt3A_94 = arith.cmpi slt, %add3A_93, %lt3A : i32
        %convert_element_type3A_95 = arith.extui %lt3A_94 : i1 to i32
        %cond3A_96 = arith.constant 0 : i32
        %cond3A_97 = arith.cmpi ne, %convert_element_type3A_95, %cond3A_96 : i32
        scf.if %cond3A_97 {
          %add3A_98 = arith.constant 1 : i32
          %add3A_99 = arith.addi %scan3A_77, %add3A_98 : i32
          %dma_start3A_100 = arith.constant 0 : i32
          %dma_start3A_101 = tpu.memref_slice %arg6[%add3A_99, %dma_start3A_100] : memref<39x128xi32, #tpu.memory_space<vmem>> -> memref<1x128xi32, #tpu.memory_space<vmem>>
          %dma_start3A_102 = tpu.memref_squeeze %dma_start3A_101 : memref<1x128xi32, #tpu.memory_space<vmem>> -> memref<128xi32, #tpu.memory_space<vmem>>
          %dma_start3A_103 = arith.constant 0 : i32
          %dma_start3A_104 = arith.constant 0 : i32
          %dma_start3A_105 = tpu.memref_slice %arg2[%dma_start3A_103, %dma_start3A_104] : memref<10000x128xf32, #tpu.memory_space<hbm>> -> memref<10000x128xf32, #tpu.memory_space<hbm>>
          tpu.enqueue_indirect_dma source(%dma_start3A_105 : memref<10000x128xf32, #tpu.memory_space<hbm>>) target(%arg9 : memref<128x128xf32, #tpu.memory_space<vmem>>) offsets(%dma_start3A_102 : memref<128xi32, #tpu.memory_space<vmem>>) semaphore(%arg12 : memref<!tpu.dma_semaphore, #tpu.memory_space<semaphore_mem>>)
        } else {
        }
      } else {
      }
      %eq3A_81 = arith.constant 1 : i32
      %eq3A_82 = arith.cmpi eq, %rem3A_78, %eq3A_81 : i32
      %convert_element_type3A_83 = arith.extui %eq3A_82 : i1 to i32
      %cond3A_84 = arith.constant 0 : i32
      %cond3A_85 = arith.cmpi ne, %convert_element_type3A_83, %cond3A_84 : i32
      scf.if %cond3A_85 {
        %dma_wait3A_86 = arith.constant 0 : i32
        %dma_wait3A_87 = tpu.memref_slice %arg6[%scan3A_77, %dma_wait3A_86] : memref<39x128xi32, #tpu.memory_space<vmem>> -> memref<1x128xi32, #tpu.memory_space<vmem>>
        %dma_wait3A_88 = tpu.memref_squeeze %dma_wait3A_87 : memref<1x128xi32, #tpu.memory_space<vmem>> -> memref<128xi32, #tpu.memory_space<vmem>>
        %dma_wait3A_89 = arith.constant 0 : i32
        %dma_wait3A_90 = arith.constant 0 : i32
        %dma_wait3A_91 = tpu.memref_slice %arg2[%dma_wait3A_89, %dma_wait3A_90] : memref<10000x128xf32, #tpu.memory_space<hbm>> -> memref<10000x128xf32, #tpu.memory_space<hbm>>
        tpu.wait_indirect_dma semaphore(%arg12 : memref<!tpu.dma_semaphore, #tpu.memory_space<semaphore_mem>>) src(%dma_wait3A_91 : memref<10000x128xf32, #tpu.memory_space<hbm>>) dst(%arg9 : memref<128x128xf32, #tpu.memory_space<vmem>>)
        %add3A_92 = arith.constant 1 : i32
        %add3A_93 = arith.addi %scan3A_77, %add3A_92 : i32
        %lt3A = arith.constant 39 : i32
        %lt3A_94 = arith.cmpi slt, %add3A_93, %lt3A : i32
        %convert_element_type3A_95 = arith.extui %lt3A_94 : i1 to i32
        %cond3A_96 = arith.constant 0 : i32
        %cond3A_97 = arith.cmpi ne, %convert_element_type3A_95, %cond3A_96 : i32
        scf.if %cond3A_97 {
          %add3A_98 = arith.constant 1 : i32
          %add3A_99 = arith.addi %scan3A_77, %add3A_98 : i32
          %dma_start3A_100 = arith.constant 0 : i32
          %dma_start3A_101 = tpu.memref_slice %arg6[%add3A_99, %dma_start3A_100] : memref<39x128xi32, #tpu.memory_space<vmem>> -> memref<1x128xi32, #tpu.memory_space<vmem>>
          %dma_start3A_102 = tpu.memref_squeeze %dma_start3A_101 : memref<1x128xi32, #tpu.memory_space<vmem>> -> memref<128xi32, #tpu.memory_space<vmem>>
          %dma_start3A_103 = arith.constant 0 : i32
          %dma_start3A_104 = arith.constant 0 : i32
          %dma_start3A_105 = tpu.memref_slice %arg2[%dma_start3A_103, %dma_start3A_104] : memref<10000x128xf32, #tpu.memory_space<hbm>> -> memref<10000x128xf32, #tpu.memory_space<hbm>>
          tpu.enqueue_indirect_dma source(%dma_start3A_105 : memref<10000x128xf32, #tpu.memory_space<hbm>>) target(%arg8 : memref<128x128xf32, #tpu.memory_space<vmem>>) offsets(%dma_start3A_102 : memref<128xi32, #tpu.memory_space<vmem>>) semaphore(%arg11 : memref<!tpu.dma_semaphore, #tpu.memory_space<semaphore_mem>>)
        } else {
        }
      } else {
      }
    }
    %scan3A_71 = arith.constant 39 : i32
    %barrier3A_72 = arith.constant 0 : index
    tpu.barrier barrier_id(%barrier3A_72)
    %mul3A_73 = arith.constant 640 : i32
    %mul3A_74 = arith.muli %arg1, %mul3A_73 : i32
    %mul3A_75 = arith.constant 640 : i32
    %mul3A_76 = arith.muli %arg1, %mul3A_75 : i32
    "tpu.region"() ({
      %run_scoped3A = tpu.sem_alloc : memref<!tpu.dma_semaphore, #tpu.memory_space<semaphore_mem>>
      %dma_start3A_77 = arith.constant 0 : i32
      %dma_start3A_78 = tpu.memref_slice %arg5[%arg0, %mul3A_76, %dma_start3A_77] : memref<2x10240x128xf32, #tpu.memory_space<hbm>> -> memref<1x640x128xf32, #tpu.memory_space<hbm>>
      %dma_start3A_79 = tpu.memref_squeeze %dma_start3A_78 : memref<1x640x128xf32, #tpu.memory_space<hbm>> -> memref<640x128xf32, #tpu.memory_space<hbm>>
      %dma_start3A_80 = arith.constant 0 : i32
      %dma_start3A_81 = tpu.memref_slice %arg10[%mul3A_74, %dma_start3A_80] : memref<10240x128xf32, #tpu.memory_space<vmem_shared>> -> memref<640x128xf32, #tpu.memory_space<vmem_shared>>
      tpu.enqueue_dma source(%dma_start3A_81 : memref<640x128xf32, #tpu.memory_space<vmem_shared>>) target(%dma_start3A_79 : memref<640x128xf32, #tpu.memory_space<hbm>>) target_semaphore(%run_scoped3A : memref<!tpu.dma_semaphore, #tpu.memory_space<semaphore_mem>>)
      %dma_wait3A_82 = arith.constant 0 : i32
      %dma_wait3A_83 = tpu.memref_slice %arg5[%arg0, %mul3A_76, %dma_wait3A_82] : memref<2x10240x128xf32, #tpu.memory_space<hbm>> -> memref<1x640x128xf32, #tpu.memory_space<hbm>>
      %dma_wait3A_84 = tpu.memref_squeeze %dma_wait3A_83 : memref<1x640x128xf32, #tpu.memory_space<hbm>> -> memref<640x128xf32, #tpu.memory_space<hbm>>
      %dma_wait3A_85 = arith.constant 0 : i32
      %dma_wait3A_86 = tpu.memref_slice %arg10[%mul3A_74, %dma_wait3A_85] : memref<10240x128xf32, #tpu.memory_space<vmem_shared>> -> memref<640x128xf32, #tpu.memory_space<vmem_shared>>
      tpu.wait_dma2 semaphore(%run_scoped3A : memref<!tpu.dma_semaphore, #tpu.memory_space<semaphore_mem>>) src(%dma_wait3A_86 : memref<640x128xf32, #tpu.memory_space<vmem_shared>>) dst(%dma_wait3A_84 : memref<640x128xf32, #tpu.memory_space<hbm>>)
      tpu.yield
    }) : () -> ()
    return
  }
}

module attributes {stable_mosaic.version = 14 : i64} {
  func.func @_tc_scale1_body(%arg0: i32, %arg1: memref<1000x128xf32, #tpu.memory_space<vmem>>, %arg2: memref<1000x1xf32, #tpu.memory_space<vmem>>, %arg3: memref<1000x1xf32, #tpu.memory_space<vmem>>, %arg4: memref<1000x128xf32, #tpu.memory_space<vmem>>) attributes {dimension_semantics = [#tpu.dimension_semantics<arbitrary>], iteration_bounds = array<i64: 10>, scalar_prefetch = 0 : i64, scratch_operands = 0 : i64, tpu.core_type = #tpu.core_type<tc>, window_params = [{transform_indices = @transform_0, window_bounds = array<i64: 1000, 128>}, {transform_indices = @transform_1, window_bounds = array<i64: 1000, 1>}, {transform_indices = @transform_2, window_bounds = array<i64: 1000, 1>}, {transform_indices = @transform_3, window_bounds = array<i64: 1000, 128>}]} {
    %get3A = arith.constant 0 : index
    %get3A_0 = arith.constant 0 : index
    %get3A_1 = vector.load %arg1[%get3A, %get3A_0] : memref<1000x128xf32, #tpu.memory_space<vmem>>, vector<1000x128xf32>
    %get3A_2 = arith.constant 0 : index
    %get3A_3 = arith.constant 0 : index
    %get3A_4 = vector.load %arg2[%get3A_2, %get3A_3] : memref<1000x1xf32, #tpu.memory_space<vmem>>, vector<1000x1xf32>
    %get3A_5 = arith.constant 0 : index
    %get3A_6 = arith.constant 0 : index
    %get3A_7 = vector.load %arg3[%get3A_5, %get3A_6] : memref<1000x1xf32, #tpu.memory_space<vmem>>, vector<1000x1xf32>
    %add3A = arith.addf %get3A_4, %get3A_7 : vector<1000x1xf32>
    %add3A_8 = arith.constant 1.000000e+00 : f32
    %add3A_9 = vector.broadcast %add3A_8 : f32 to vector<1000x1xf32>
    %add3A_10 = arith.addf %add3A, %add3A_9 : vector<1000x1xf32>
    %rsqrt3A = math.rsqrt %add3A_10 : vector<1000x1xf32>
    %mul3A = vector.broadcast %rsqrt3A : vector<1000x1xf32> to vector<1000x128xf32>
    %mul3A_11 = arith.mulf %get3A_1, %mul3A : vector<1000x128xf32>
    %swap3A = arith.constant 0 : index
    %swap3A_12 = arith.constant 0 : index
    %swap3A_13 = vector.load %arg4[%swap3A, %swap3A_12] : memref<1000x128xf32, #tpu.memory_space<vmem>>, vector<1000x128xf32>
    tpu.vector_store %arg4[%swap3A, %swap3A_12], %mul3A_11 {strides = array<i32>} : memref<1000x128xf32, #tpu.memory_space<vmem>>, vector<1000x128xf32>,
    return
  }
  func.func @transform_0(%arg0: i32) -> (i32, i32) {
    %c0_i32 = arith.constant 0 : i32
    %c0_i32_0 = arith.constant 0 : i32
    return %arg0, %c0_i32 : i32, i32
  }
  func.func @transform_1(%arg0: i32) -> (i32, i32) {
    %c0_i32 = arith.constant 0 : i32
    %c0_i32_0 = arith.constant 0 : i32
    return %arg0, %c0_i32 : i32, i32
  }
  func.func @transform_2(%arg0: i32) -> (i32, i32) {
    %c0_i32 = arith.constant 0 : i32
    %c0_i32_0 = arith.constant 0 : i32
    return %arg0, %c0_i32 : i32, i32
  }
  func.func @transform_3(%arg0: i32) -> (i32, i32) {
    %c0_i32 = arith.constant 0 : i32
    %c0_i32_0 = arith.constant 0 : i32
    return %arg0, %c0_i32 : i32, i32
  }
}

module attributes {stable_mosaic.version = 14 : i64} {
  func.func @_tc_matmul_body(%arg0: i32, %arg1: memref<1000x128xf32, #tpu.memory_space<vmem>>, %arg2: memref<128x128xf32, #tpu.memory_space<vmem>>, %arg3: memref<1000x128xf32, #tpu.memory_space<vmem>>) attributes {dimension_semantics = [#tpu.dimension_semantics<arbitrary>], iteration_bounds = array<i64: 10>, scalar_prefetch = 0 : i64, scratch_operands = 0 : i64, tpu.core_type = #tpu.core_type<tc>, window_params = [{transform_indices = @transform_0, window_bounds = array<i64: 1000, 128>}, {pipeline_mode = #tpu.pipeline_mode<synchronous>, transform_indices = @transform_1, window_bounds = array<i64: 128, 128>}, {transform_indices = @transform_2, window_bounds = array<i64: 1000, 128>}]} {
    %get3A = arith.constant 0 : index
    %get3A_0 = arith.constant 0 : index
    %get3A_1 = vector.load %arg1[%get3A, %get3A_0] : memref<1000x128xf32, #tpu.memory_space<vmem>>, vector<1000x128xf32>
    %get3A_2 = arith.constant 0 : index
    %get3A_3 = arith.constant 0 : index
    %get3A_4 = vector.load %arg2[%get3A_2, %get3A_3] : memref<128x128xf32, #tpu.memory_space<vmem>>, vector<128x128xf32>
    %dot_general3A = arith.constant dense<0.000000e+00> : vector<1000x128xf32>
    %dot_general3A_5 = tpu.matmul %get3A_1, %get3A_4, %dot_general3A {dimension_numbers = #tpu.dot_dimension_numbers<[1], [0], [0], [1], [0, 0, 1, 1], [], []>, transpose_lhs_hint = false} : vector<1000x128xf32>, vector<128x128xf32>, vector<1000x128xf32> -> vector<1000x128xf32>
    %swap3A = arith.constant 0 : index
    %swap3A_6 = arith.constant 0 : index
    %swap3A_7 = vector.load %arg3[%swap3A, %swap3A_6] : memref<1000x128xf32, #tpu.memory_space<vmem>>, vector<1000x128xf32>
    tpu.vector_store %arg3[%swap3A, %swap3A_6], %dot_general3A_5 {strides = array<i32>} : memref<1000x128xf32, #tpu.memory_space<vmem>>, vector<1000x128xf32>,
    return
  }
  func.func @transform_0(%arg0: i32) -> (i32, i32) {
    %c0_i32 = arith.constant 0 : i32
    %c0_i32_0 = arith.constant 0 : i32
    return %arg0, %c0_i32 : i32, i32
  }
  func.func @transform_1(%arg0: i32) -> (i32, i32) {
    %c0_i32 = arith.constant 0 : i32
    %c0_i32_0 = arith.constant 0 : i32
    %c0_i32_1 = arith.constant 0 : i32
    return %c0_i32, %c0_i32_0 : i32, i32
  }
  func.func @transform_2(%arg0: i32) -> (i32, i32) {
    %c0_i32 = arith.constant 0 : i32
    %c0_i32_0 = arith.constant 0 : i32
    return %arg0, %c0_i32 : i32, i32
  }
}

module attributes {stable_mosaic.version = 14 : i64} {
  func.func @_tc_mid_body(%arg0: i32, %arg1: memref<1000x128xf32, #tpu.memory_space<vmem>>, %arg2: memref<1000x128xf32, #tpu.memory_space<vmem>>, %arg3: memref<1000x128xf32, #tpu.memory_space<vmem>>, %arg4: memref<1000x1xf32, #tpu.memory_space<vmem>>, %arg5: memref<1000x1xf32, #tpu.memory_space<vmem>>, %arg6: memref<128x128xf32, #tpu.memory_space<vmem>>, %arg7: memref<1x128xf32, #tpu.memory_space<vmem>>, %arg8: memref<1000x128xf32, #tpu.memory_space<vmem>>) attributes {dimension_semantics = [#tpu.dimension_semantics<arbitrary>], iteration_bounds = array<i64: 10>, scalar_prefetch = 0 : i64, scratch_operands = 0 : i64, tpu.core_type = #tpu.core_type<tc>, window_params = [{transform_indices = @transform_0, window_bounds = array<i64: 1000, 128>}, {transform_indices = @transform_1, window_bounds = array<i64: 1000, 128>}, {transform_indices = @transform_2, window_bounds = array<i64: 1000, 128>}, {transform_indices = @transform_3, window_bounds = array<i64: 1000, 1>}, {transform_indices = @transform_4, window_bounds = array<i64: 1000, 1>}, {pipeline_mode = #tpu.pipeline_mode<synchronous>, transform_indices = @transform_5, window_bounds = array<i64: 128, 128>}, {pipeline_mode = #tpu.pipeline_mode<synchronous>, transform_indices = @transform_6, window_bounds = array<i64: 1, 128>}, {transform_indices = @transform_7, window_bounds = array<i64: 1000, 128>}]} {
    %get3A = arith.constant 0 : index
    %get3A_0 = arith.constant 0 : index
    %get3A_1 = vector.load %arg4[%get3A, %get3A_0] : memref<1000x1xf32, #tpu.memory_space<vmem>>, vector<1000x1xf32>
    %get3A_2 = arith.constant 0 : index
    %get3A_3 = arith.constant 0 : index
    %get3A_4 = vector.load %arg5[%get3A_2, %get3A_3] : memref<1000x1xf32, #tpu.memory_space<vmem>>, vector<1000x1xf32>
    %add3A = arith.addf %get3A_1, %get3A_4 : vector<1000x1xf32>
    %add3A_5 = arith.constant 1.000000e+00 : f32
    %add3A_6 = vector.broadcast %add3A_5 : f32 to vector<1000x1xf32>
    %add3A_7 = arith.addf %add3A, %add3A_6 : vector<1000x1xf32>
    %rsqrt3A = math.rsqrt %add3A_7 : vector<1000x1xf32>
    %get3A_8 = arith.constant 0 : index
    %get3A_9 = arith.constant 0 : index
    %get3A_10 = vector.load %arg1[%get3A_8, %get3A_9] : memref<1000x128xf32, #tpu.memory_space<vmem>>, vector<1000x128xf32>
    %get3A_11 = arith.constant 0 : index
    %get3A_12 = arith.constant 0 : index
    %get3A_13 = vector.load %arg2[%get3A_11, %get3A_12] : memref<1000x128xf32, #tpu.memory_space<vmem>>, vector<1000x128xf32>
    %add3A_14 = arith.addf %get3A_10, %get3A_13 : vector<1000x128xf32>
    %get3A_15 = arith.constant 0 : index
    %get3A_16 = arith.constant 0 : index
    %get3A_17 = vector.load %arg3[%get3A_15, %get3A_16] : memref<1000x128xf32, #tpu.memory_space<vmem>>, vector<1000x128xf32>
    %add3A_18 = arith.addf %add3A_14, %get3A_17 : vector<1000x128xf32>
    %mul3A = vector.broadcast %rsqrt3A : vector<1000x1xf32> to vector<1000x128xf32>
    %mul3A_19 = arith.mulf %mul3A, %add3A_18 : vector<1000x128xf32>
    %get3A_20 = arith.constant 0 : index
    %get3A_21 = arith.constant 0 : index
    %get3A_22 = vector.load %arg7[%get3A_20, %get3A_21] : memref<1x128xf32, #tpu.memory_space<vmem>>, vector<1x128xf32>
    %add3A_23 = vector.broadcast %get3A_22 : vector<1x128xf32> to vector<1000x128xf32>
    %add3A_24 = arith.addf %mul3A_19, %add3A_23 : vector<1000x128xf32>
    %max3A = arith.constant 0.000000e+00 : f32
    %max3A_25 = vector.broadcast %max3A : f32 to vector<1000x128xf32>
    %max3A_26 = arith.maximumf %add3A_24, %max3A_25 : vector<1000x128xf32>
    %get3A_27 = arith.constant 0 : index
    %get3A_28 = arith.constant 0 : index
    %get3A_29 = vector.load %arg6[%get3A_27, %get3A_28] : memref<128x128xf32, #tpu.memory_space<vmem>>, vector<128x128xf32>
    %dot_general3A = arith.constant dense<0.000000e+00> : vector<1000x128xf32>
    %dot_general3A_30 = tpu.matmul %max3A_26, %get3A_29, %dot_general3A {dimension_numbers = #tpu.dot_dimension_numbers<[1], [0], [0], [1], [0, 0, 1, 1], [], []>, transpose_lhs_hint = false} : vector<1000x128xf32>, vector<128x128xf32>, vector<1000x128xf32> -> vector<1000x128xf32>
    %mul3A_31 = vector.broadcast %rsqrt3A : vector<1000x1xf32> to vector<1000x128xf32>
    %mul3A_32 = arith.mulf %mul3A_31, %dot_general3A_30 : vector<1000x128xf32>
    %swap3A = arith.constant 0 : index
    %swap3A_33 = arith.constant 0 : index
    %swap3A_34 = vector.load %arg8[%swap3A, %swap3A_33] : memref<1000x128xf32, #tpu.memory_space<vmem>>, vector<1000x128xf32>
    tpu.vector_store %arg8[%swap3A, %swap3A_33], %mul3A_32 {strides = array<i32>} : memref<1000x128xf32, #tpu.memory_space<vmem>>, vector<1000x128xf32>,
    return
  }
  func.func @transform_0(%arg0: i32) -> (i32, i32) {
    %c0_i32 = arith.constant 0 : i32
    %c0_i32_0 = arith.constant 0 : i32
    return %arg0, %c0_i32 : i32, i32
  }
  func.func @transform_1(%arg0: i32) -> (i32, i32) {
    %c0_i32 = arith.constant 0 : i32
    %c0_i32_0 = arith.constant 0 : i32
    return %arg0, %c0_i32 : i32, i32
  }
  func.func @transform_2(%arg0: i32) -> (i32, i32) {
    %c0_i32 = arith.constant 0 : i32
    %c0_i32_0 = arith.constant 0 : i32
    return %arg0, %c0_i32 : i32, i32
  }
  func.func @transform_3(%arg0: i32) -> (i32, i32) {
    %c0_i32 = arith.constant 0 : i32
    %c0_i32_0 = arith.constant 0 : i32
    return %arg0, %c0_i32 : i32, i32
  }
  func.func @transform_4(%arg0: i32) -> (i32, i32) {
    %c0_i32 = arith.constant 0 : i32
    %c0_i32_0 = arith.constant 0 : i32
    return %arg0, %c0_i32 : i32, i32
  }
  func.func @transform_5(%arg0: i32) -> (i32, i32) {
    %c0_i32 = arith.constant 0 : i32
    %c0_i32_0 = arith.constant 0 : i32
    %c0_i32_1 = arith.constant 0 : i32
    return %c0_i32, %c0_i32_0 : i32, i32
  }
  func.func @transform_6(%arg0: i32) -> (i32, i32) {
    %c0_i32 = arith.constant 0 : i32
    %c0_i32_0 = arith.constant 0 : i32
    %c0_i32_1 = arith.constant 0 : i32
    return %c0_i32, %c0_i32_0 : i32, i32
  }
  func.func @transform_7(%arg0: i32) -> (i32, i32) {
    %c0_i32 = arith.constant 0 : i32
    %c0_i32_0 = arith.constant 0 : i32
    return %arg0, %c0_i32 : i32, i32
  }
}

module attributes {stable_mosaic.version = 14 : i64} {
  func.func @_tc_head_body(%arg0: i32, %arg1: memref<1000x128xf32, #tpu.memory_space<vmem>>, %arg2: memref<1000x128xf32, #tpu.memory_space<vmem>>, %arg3: memref<1000x128xf32, #tpu.memory_space<vmem>>, %arg4: memref<1000x1xf32, #tpu.memory_space<vmem>>, %arg5: memref<1000x1xf32, #tpu.memory_space<vmem>>, %arg6: memref<1x128xf32, #tpu.memory_space<vmem>>, %arg7: memref<128x2xf32, #tpu.memory_space<vmem>>, %arg8: memref<1x2xf32, #tpu.memory_space<vmem>>, %arg9: memref<128x2xf32, #tpu.memory_space<vmem>>, %arg10: memref<128x2xf32, #tpu.memory_space<vmem>>, %arg11: memref<1x2xf32, #tpu.memory_space<vmem>>, %arg12: memref<1000x2xf32, #tpu.memory_space<vmem>>, %arg13: memref<1000x2xf32, #tpu.memory_space<vmem>>, %arg14: memref<1000x2xf32, #tpu.memory_space<vmem>>) attributes {dimension_semantics = [#tpu.dimension_semantics<arbitrary>], iteration_bounds = array<i64: 10>, scalar_prefetch = 0 : i64, scratch_operands = 0 : i64, tpu.core_type = #tpu.core_type<tc>, window_params = [{transform_indices = @transform_0, window_bounds = array<i64: 1000, 128>}, {transform_indices = @transform_1, window_bounds = array<i64: 1000, 128>}, {transform_indices = @transform_2, window_bounds = array<i64: 1000, 128>}, {transform_indices = @transform_3, window_bounds = array<i64: 1000, 1>}, {transform_indices = @transform_4, window_bounds = array<i64: 1000, 1>}, {pipeline_mode = #tpu.pipeline_mode<synchronous>, transform_indices = @transform_5, window_bounds = array<i64: 1, 128>}, {pipeline_mode = #tpu.pipeline_mode<synchronous>, transform_indices = @transform_6, window_bounds = array<i64: 128, 2>}, {pipeline_mode = #tpu.pipeline_mode<synchronous>, transform_indices = @transform_7, window_bounds = array<i64: 1, 2>}, {pipeline_mode = #tpu.pipeline_mode<synchronous>, transform_indices = @transform_8, window_bounds = array<i64: 128, 2>}, {pipeline_mode = #tpu.pipeline_mode<synchronous>, transform_indices = @transform_9, window_bounds = array<i64: 128, 2>}, {pipeline_mode = #tpu.pipeline_mode<synchronous>, transform_indices = @transform_10, window_bounds = array<i64: 1, 2>}, {transform_indices = @transform_11, window_bounds = array<i64: 1000, 2>}, {transform_indices = @transform_12, window_bounds = array<i64: 1000, 2>}, {transform_indices = @transform_13, window_bounds = array<i64: 1000, 2>}]} {
    %get3A = arith.constant 0 : index
    %get3A_0 = arith.constant 0 : index
    %get3A_1 = vector.load %arg4[%get3A, %get3A_0] : memref<1000x1xf32, #tpu.memory_space<vmem>>, vector<1000x1xf32>
    %get3A_2 = arith.constant 0 : index
    %get3A_3 = arith.constant 0 : index
    %get3A_4 = vector.load %arg5[%get3A_2, %get3A_3] : memref<1000x1xf32, #tpu.memory_space<vmem>>, vector<1000x1xf32>
    %add3A = arith.addf %get3A_1, %get3A_4 : vector<1000x1xf32>
    %add3A_5 = arith.constant 1.000000e+00 : f32
    %add3A_6 = vector.broadcast %add3A_5 : f32 to vector<1000x1xf32>
    %add3A_7 = arith.addf %add3A, %add3A_6 : vector<1000x1xf32>
    %rsqrt3A = math.rsqrt %add3A_7 : vector<1000x1xf32>
    %get3A_8 = arith.constant 0 : index
    %get3A_9 = arith.constant 0 : index
    %get3A_10 = vector.load %arg1[%get3A_8, %get3A_9] : memref<1000x128xf32, #tpu.memory_space<vmem>>, vector<1000x128xf32>
    %get3A_11 = arith.constant 0 : index
    %get3A_12 = arith.constant 0 : index
    %get3A_13 = vector.load %arg2[%get3A_11, %get3A_12] : memref<1000x128xf32, #tpu.memory_space<vmem>>, vector<1000x128xf32>
    %add3A_14 = arith.addf %get3A_10, %get3A_13 : vector<1000x128xf32>
    %get3A_15 = arith.constant 0 : index
    %get3A_16 = arith.constant 0 : index
    %get3A_17 = vector.load %arg3[%get3A_15, %get3A_16] : memref<1000x128xf32, #tpu.memory_space<vmem>>, vector<1000x128xf32>
    %add3A_18 = arith.addf %add3A_14, %get3A_17 : vector<1000x128xf32>
    %mul3A = vector.broadcast %rsqrt3A : vector<1000x1xf32> to vector<1000x128xf32>
    %mul3A_19 = arith.mulf %mul3A, %add3A_18 : vector<1000x128xf32>
    %get3A_20 = arith.constant 0 : index
    %get3A_21 = arith.constant 0 : index
    %get3A_22 = vector.load %arg6[%get3A_20, %get3A_21] : memref<1x128xf32, #tpu.memory_space<vmem>>, vector<1x128xf32>
    %add3A_23 = vector.broadcast %get3A_22 : vector<1x128xf32> to vector<1000x128xf32>
    %add3A_24 = arith.addf %mul3A_19, %add3A_23 : vector<1000x128xf32>
    %get3A_25 = arith.constant 0 : index
    %get3A_26 = arith.constant 0 : index
    %get3A_27 = vector.load %arg7[%get3A_25, %get3A_26] : memref<128x2xf32, #tpu.memory_space<vmem>>, vector<128x2xf32>
    %dot_general3A = arith.constant dense<0.000000e+00> : vector<1000x2xf32>
    %dot_general3A_28 = tpu.matmul %add3A_24, %get3A_27, %dot_general3A {dimension_numbers = #tpu.dot_dimension_numbers<[1], [0], [0], [1], [0, 0, 1, 1], [], []>, transpose_lhs_hint = false} : vector<1000x128xf32>, vector<128x2xf32>, vector<1000x2xf32> -> vector<1000x2xf32>
    %get3A_29 = arith.constant 0 : index
    %get3A_30 = arith.constant 0 : index
    %get3A_31 = vector.load %arg8[%get3A_29, %get3A_30] : memref<1x2xf32, #tpu.memory_space<vmem>>, vector<1x2xf32>
    %add3A_32 = vector.broadcast %get3A_31 : vector<1x2xf32> to vector<1000x2xf32>
    %add3A_33 = arith.addf %dot_general3A_28, %add3A_32 : vector<1000x2xf32>
    %swap3A = arith.constant 0 : index
    %swap3A_34 = arith.constant 0 : index
    %swap3A_35 = vector.load %arg12[%swap3A, %swap3A_34] : memref<1000x2xf32, #tpu.memory_space<vmem>>, vector<1000x2xf32>
    tpu.vector_store %arg12[%swap3A, %swap3A_34], %add3A_33 {strides = array<i32>} : memref<1000x2xf32, #tpu.memory_space<vmem>>, vector<1000x2xf32>,
    %get3A_36 = arith.constant 0 : index
    %get3A_37 = arith.constant 0 : index
    %get3A_38 = vector.load %arg9[%get3A_36, %get3A_37] : memref<128x2xf32, #tpu.memory_space<vmem>>, vector<128x2xf32>
    %dot_general3A_39 = arith.constant dense<0.000000e+00> : vector<1000x2xf32>
    %dot_general3A_40 = tpu.matmul %add3A_24, %get3A_38, %dot_general3A_39 {dimension_numbers = #tpu.dot_dimension_numbers<[1], [0], [0], [1], [0, 0, 1, 1], [], []>, transpose_lhs_hint = false} : vector<1000x128xf32>, vector<128x2xf32>, vector<1000x2xf32> -> vector<1000x2xf32>
    %get3A_41 = arith.constant 0 : index
    %get3A_42 = arith.constant 0 : index
    %get3A_43 = vector.load %arg11[%get3A_41, %get3A_42] : memref<1x2xf32, #tpu.memory_space<vmem>>, vector<1x2xf32>
    %add3A_44 = vector.broadcast %get3A_43 : vector<1x2xf32> to vector<1000x2xf32>
    %add3A_45 = arith.addf %dot_general3A_40, %add3A_44 : vector<1000x2xf32>
    %swap3A_46 = arith.constant 0 : index
    %swap3A_47 = arith.constant 0 : index
    %swap3A_48 = vector.load %arg13[%swap3A_46, %swap3A_47] : memref<1000x2xf32, #tpu.memory_space<vmem>>, vector<1000x2xf32>
    tpu.vector_store %arg13[%swap3A_46, %swap3A_47], %add3A_45 {strides = array<i32>} : memref<1000x2xf32, #tpu.memory_space<vmem>>, vector<1000x2xf32>,
    %get3A_49 = arith.constant 0 : index
    %get3A_50 = arith.constant 0 : index
    %get3A_51 = vector.load %arg10[%get3A_49, %get3A_50] : memref<128x2xf32, #tpu.memory_space<vmem>>, vector<128x2xf32>
    %dot_general3A_52 = arith.constant dense<0.000000e+00> : vector<1000x2xf32>
    %dot_general3A_53 = tpu.matmul %add3A_24, %get3A_51, %dot_general3A_52 {dimension_numbers = #tpu.dot_dimension_numbers<[1], [0], [0], [1], [0, 0, 1, 1], [], []>, transpose_lhs_hint = false} : vector<1000x128xf32>, vector<128x2xf32>, vector<1000x2xf32> -> vector<1000x2xf32>
    %swap3A_54 = arith.constant 0 : index
    %swap3A_55 = arith.constant 0 : index
    %swap3A_56 = vector.load %arg14[%swap3A_54, %swap3A_55] : memref<1000x2xf32, #tpu.memory_space<vmem>>, vector<1000x2xf32>
    tpu.vector_store %arg14[%swap3A_54, %swap3A_55], %dot_general3A_53 {strides = array<i32>} : memref<1000x2xf32, #tpu.memory_space<vmem>>, vector<1000x2xf32>,
    return
  }
  func.func @transform_0(%arg0: i32) -> (i32, i32) {
    %c0_i32 = arith.constant 0 : i32
    %c0_i32_0 = arith.constant 0 : i32
    return %arg0, %c0_i32 : i32, i32
  }
  func.func @transform_1(%arg0: i32) -> (i32, i32) {
    %c0_i32 = arith.constant 0 : i32
    %c0_i32_0 = arith.constant 0 : i32
    return %arg0, %c0_i32 : i32, i32
  }
  func.func @transform_2(%arg0: i32) -> (i32, i32) {
    %c0_i32 = arith.constant 0 : i32
    %c0_i32_0 = arith.constant 0 : i32
    return %arg0, %c0_i32 : i32, i32
  }
  func.func @transform_3(%arg0: i32) -> (i32, i32) {
    %c0_i32 = arith.constant 0 : i32
    %c0_i32_0 = arith.constant 0 : i32
    return %arg0, %c0_i32 : i32, i32
  }
  func.func @transform_4(%arg0: i32) -> (i32, i32) {
    %c0_i32 = arith.constant 0 : i32
    %c0_i32_0 = arith.constant 0 : i32
    return %arg0, %c0_i32 : i32, i32
  }
  func.func @transform_5(%arg0: i32) -> (i32, i32) {
    %c0_i32 = arith.constant 0 : i32
    %c0_i32_0 = arith.constant 0 : i32
    %c0_i32_1 = arith.constant 0 : i32
    return %c0_i32, %c0_i32_0 : i32, i32
  }
  func.func @transform_6(%arg0: i32) -> (i32, i32) {
    %c0_i32 = arith.constant 0 : i32
    %c0_i32_0 = arith.constant 0 : i32
    %c0_i32_1 = arith.constant 0 : i32
    return %c0_i32, %c0_i32_0 : i32, i32
  }
  func.func @transform_7(%arg0: i32) -> (i32, i32) {
    %c0_i32 = arith.constant 0 : i32
    %c0_i32_0 = arith.constant 0 : i32
    %c0_i32_1 = arith.constant 0 : i32
    return %c0_i32, %c0_i32_0 : i32, i32
  }
  func.func @transform_8(%arg0: i32) -> (i32, i32) {
    %c0_i32 = arith.constant 0 : i32
    %c0_i32_0 = arith.constant 0 : i32
    %c0_i32_1 = arith.constant 0 : i32
    return %c0_i32, %c0_i32_0 : i32, i32
  }
  func.func @transform_9(%arg0: i32) -> (i32, i32) {
    %c0_i32 = arith.constant 0 : i32
    %c0_i32_0 = arith.constant 0 : i32
    %c0_i32_1 = arith.constant 0 : i32
    return %c0_i32, %c0_i32_0 : i32, i32
  }
  func.func @transform_10(%arg0: i32) -> (i32, i32) {
    %c0_i32 = arith.constant 0 : i32
    %c0_i32_0 = arith.constant 0 : i32
    %c0_i32_1 = arith.constant 0 : i32
    return %c0_i32, %c0_i32_0 : i32, i32
  }
  func.func @transform_11(%arg0: i32) -> (i32, i32) {
    %c0_i32 = arith.constant 0 : i32
    %c0_i32_0 = arith.constant 0 : i32
    return %arg0, %c0_i32 : i32, i32
  }
  func.func @transform_12(%arg0: i32) -> (i32, i32) {
    %c0_i32 = arith.constant 0 : i32
    %c0_i32_0 = arith.constant 0 : i32
    return %arg0, %c0_i32 : i32, i32
  }
  func.func @transform_13(%arg0: i32) -> (i32, i32) {
    %c0_i32 = arith.constant 0 : i32
    %c0_i32_0 = arith.constant 0 : i32
    return %arg0, %c0_i32 : i32, i32
  }
}

</mosaic_0001>

<sc_bundles>
// kernel: kernel.10.cloned.1.call-start
scs
__scs_entry_jumppad:
0x0: {  	(pc) =	sbr.rel $0x88, $3  }
0x1: {  	(tag) =	ssettag $0x0;
	lr =	simm.s32 $0x1  }
0x2: {  	[smem:$0x3F97] =	sst lr;
	_ =	strace $0xD0000000  }
0x3: {  	_ = 	snop  }
0x4: {  	_ = 	snop  }
0x5: {  	_ = 	snop  }
0x6: {  	_ = 	snop  }
0x7: {  	_ = 	snop  }
__scs_overlays_trampoline_lowered:
0x8: {  	[smem:$0x3FA6] =	sst s0  }
0x9: {  	[smem:$0x3FA7] =	sst s1  }
0xa: {  	[smem:$0x3FA8] =	sst s2  }
0xb: {  	[smem:$0x3FA9] =	sst s3  }
0xc: {  	[smem:$0x3FAA] =	sst s4  }
0xd: {  	[smem:$0x3FAB] =	sst s5  }
0xe: {  	[smem:$0x3FAC] =	sst s6  }
0xf: {  	[smem:$0x3FAD] =	sst s7  }
0x10: {  	[smem:$0x3FAE] =	sst s8  }
0x11: {  	[smem:$0x3FAF] =	sst s9;
	s0 =	simm.s32 @!p0 $0x0  }
0x12: {  	s1 =	sld [smem:$0x3F95];
	s0 =	simm.s32 @p0 $0x1  }
0x13: {  	[smem:$0x3FB0] =	sst s0;
	s0 =	simm.s32 @!p1 $0x0  }
0x14: {  	s2 =	sld [smem:$0x3F94];
	s0 =	simm.s32 @p1 $0x1  }
0x15: {  	[smem:$0x3FB1] =	sst s0;
	s0 =	simm.s32 @!p2 $0x0  }
0x16: {  	s3 =	sld [smem:$0x3FDB];
	s0 =	simm.s32 @p2 $0x1  }
0x17: {  	s4 =	simm.s32 $0x1BF5;
	[smem:$0x3FB3] =	sst s0  }
0x18: {  	s0 =	sld [smem:$0x3F96];
	_ =	swait.ge [sflag:s4], $0x0  }
0x19: {  	s7 =	sld [smem:$0x3F97]  }
0x1a: {  	s8 =	sadd.s32 $0xFFFFE003, lr  }
0x1b: {  	s9 =	sadd.s32 $0xFFFFFEF7, lr;
	s5 =	simm.s32 $0xFFFFFFFF;
	p2 =	slt.u32 s8, $0xFFFFF086  }
0x1c: {  	p1 =	slt.u32 s9, $0xF7A;
	s5 =	simm.s32 @!p2 $0x0  }
0x1d: {  	s5 =	simm.s32 @p1 $0x1;
	p0 =	seq.s32 s7, s2  }
0x1e: {  	s7 =	smul.u32 @!p0 $0xF7A, s2;
	p2 =	seq.s32 @!p0 s5, $0x0  }
0x1f: {  	s9 =	smul.u32 $0xF7A, s1;
	s8 =	simm.s32 @!p0 $0x1BF5;
	p2 =	por !p2, p0  }
0x20: {  	[sflag:s8] =	ssyncset.s32 @!p0 $0xFFFFF086;
	s6 =	sadd.s32 @!p0 s3, s7;
	s7 =	simm.s32 @!p0 $0x108  }
0x21: {  	s3 =	sadd.s32 s3, s9;
	s6 =	sadd.s32 @!p0 $0x88, s6;
	s7 =	simm.s32 @p2 $0x1082  }
0x22: {  	[simem:s7], [sflag:s8] =	dma.local @!p0 [hbm:s6], $0xF7A  }
0x23: {  	s9 =	sor.u32 $0xD0000000, s2;
	s6 =	simm.s32 $0x108;
	_ =	swait.ge @!p0 [sflag:s8], $0x0  }
0x24: {  	s3 =	sadd.s32 $0x88, s3;
	s6 =	simm.s32 @!p1 $0x1082;
	[sflag:s4] =	ssyncset.s32 $0xFFFFF086  }
0x25: {  	[simem:s6], [sflag:s4] =	dma.local [hbm:s3], $0xF7A  }
0x26: {  	[smem:$0x3F97] =	sst s1;
	(tag) =	ssettag s2;
	_ =	strace s9  }
0x27: {  	s1 =	sld [smem:$0x3FA7]  }
0x28: {  	s2 =	sld [smem:$0x3FA8]  }
0x29: {  	s4 =	sld [smem:$0x3FAA]  }
0x2a: {  	p0 =	seq.s32 s5, $0x0;
	s5 =	sld [smem:$0x3FAB]  }
0x2b: {  	s6 =	sld [smem:$0x3FAC]  }
0x2c: {  	s7 =	sld [smem:$0x3FAD]  }
0x2d: {  	s3 =	simm.s32 $0x108;
	s8 =	sld [smem:$0x3FAE]  }
0x2e: {  	s3 =	simm.s32 @!p0 $0x1082;
	s9 =	sld [smem:$0x3FAF]  }
0x2f: {  	lr =	sadd.s32 s0, s3;
	s0 =	sld [smem:$0x3FA6]  }
0x30: {  	s3 =	sld [smem:$0x3FA9]  }
0x31: {  	[smem:$0x3FB2] =	sst s10  }
0x32: {  	s10 =	sld [smem:$0x3FB0];
	_ =	sdelay $0x3  }
0x33: {  	p0 =	seq.s32 s10, $0x1;
	s10 =	sld [smem:$0x3FB2];
	_ =	sdelay $0x3  }
0x34: {  	[smem:$0x3FB2] =	sst s10  }
0x35: {  	s10 =	sld [smem:$0x3FB1];
	_ =	sdelay $0x3  }
0x36: {  	p1 =	seq.s32 s10, $0x1;
	s10 =	sld [smem:$0x3FB2];
	_ =	sdelay $0x3  }
0x37: {  	[smem:$0x3FB2] =	sst s10  }
0x38: {  	s10 =	sld [smem:$0x3FB3]  }
0x39: {  	_ = 	snop;
	(pc) =	sbr.ind lr, $3  }
0x3a: {  	_ = 	snop  }
0x3b: {  	_ = 	snop  }
0x3c: {  	p2 =	seq.s32 s10, $0x1;
	s10 =	sld [smem:$0x3FB2]  }
0x3d: {  	_ =	shalt  }
0x3e: {  	_ =	shalt  }
0x3f: {  	_ =	shalt  }
0x40: {  	_ =	shalt  }
0x41: {  	_ =	shalt  }
0x42: {  	_ =	shalt  }
0x43: {  	_ =	shalt  }
0x44: {  	_ =	shalt  }
0x45: {  	_ =	shalt  }
0x46: {  	_ =	shalt  }
0x47: {  	_ =	shalt  }
0x48: {  	_ =	shalt  }
0x49: {  	_ =	shalt  }
0x4a: {  	_ =	shalt  }
0x4b: {  	_ =	shalt  }
0x4c: {  	_ =	shalt  }
0x4d: {  	_ =	shalt  }
0x4e: {  	_ =	shalt  }
0x4f: {  	_ =	shalt  }
0x50: {  	_ =	shalt  }
0x51: {  	_ =	shalt  }
0x52: {  	_ =	shalt  }
0x53: {  	_ =	shalt  }
0x54: {  	_ =	shalt  }
0x55: {  	_ =	shalt  }
0x56: {  	_ =	shalt  }
0x57: {  	_ =	shalt  }
0x58: {  	_ =	shalt  }
0x59: {  	_ =	shalt  }
0x5a: {  	_ =	shalt  }
0x5b: {  	_ =	shalt  }
0x5c: {  	_ =	shalt  }
0x5d: {  	_ =	shalt  }
0x5e: {  	_ =	shalt  }
0x5f: {  	_ =	shalt  }
0x60: {  	_ =	shalt  }
0x61: {  	_ =	shalt  }
0x62: {  	_ =	shalt  }
0x63: {  	_ =	shalt  }
0x64: {  	_ =	shalt  }
0x65: {  	_ =	shalt  }
0x66: {  	_ =	shalt  }
0x67: {  	_ =	shalt  }
0x68: {  	_ =	shalt  }
0x69: {  	_ =	shalt  }
0x6a: {  	_ =	shalt  }
0x6b: {  	_ =	shalt  }
0x6c: {  	_ =	shalt  }
0x6d: {  	_ =	shalt  }
0x6e: {  	_ =	shalt  }
0x6f: {  	_ =	shalt  }
0x70: {  	_ =	shalt  }
0x71: {  	_ =	shalt  }
0x72: {  	_ =	shalt  }
0x73: {  	_ =	shalt  }
0x74: {  	_ =	shalt  }
0x75: {  	_ =	shalt  }
0x76: {  	_ =	shalt  }
0x77: {  	_ =	shalt  }
0x78: {  	_ =	shalt  }
0x79: {  	_ =	shalt  }
0x7a: {  	_ =	shalt  }
0x7b: {  	_ =	shalt  }
0x7c: {  	_ =	shalt  }
0x7d: {  	_ =	shalt  }
0x7e: {  	_ =	shalt  }
0x7f: {  	_ =	shalt  }
0x80: {  	_ =	shalt  }
0x81: {  	_ =	shalt  }
0x82: {  	_ =	shalt  }
0x83: {  	_ =	shalt  }
0x84: {  	_ =	shalt  }
0x85: {  	_ =	shalt  }
0x86: {  	_ =	shalt  }
0x87: {  	_ =	shalt  }
.Lfunc_end0:
.L_simem_size_0:
called_computation_lowered:
.L_overlay_start_0:
0x88: {  	s2 =	sld [smem:$0x3FD9]  }
0x89: {  	s3 =	sld [smem:$0x3FFE];
	_ =	sdelay $0x1  }
0x8a: {  	s1 =	srdreg.scid  }
0x8b: {  	s0 =	sand.u32 $0x1, s1  }
0x8c: {  	s14 =	sshll.u32 s0, $0xA;
	s2 =	sadd.s32 s3, s2  }
0x8d: {  	s2 =	sadd.s32 s2, s14  }
0x8e: {  	[smem:$0x3FBE] =	sst s2  }
0x8f: {  	_ = 	snop  }
0x90: {  	s2 =	sld [smem:$0x3FD0];
	_ =	sdelay $0x2  }
0x91: {  	s15 =	simm.s32 $0xA;
	s4 =	simm.s32 $0x10  }
0x92: {  	[smem:s4], [sflag:s15] =	dma.local [hbm:s2], $0x1  }
0x93: {  	_ =	swait.eq [sflag:s15], $0x1  }
0x94: {  	[sflag:s15] =	ssyncset.done $0x0  }
0x95: {  	[sflag:s15] =	ssyncadd.s32 $0xFFFFFFFF  }
0x96: {  	s16 =	sld [smem:$0x11];
	(tm) =	ssettm $0x1  }
0x97: {  	s17 =	sld [smem:$0x3FFB];
	_ =	sdelay $0x3  }
0x98: {  	_ =	strace s17  }
0x99: {  	s3 =	sld [smem:$0x3FFC];
	_ =	sdelay $0x3  }
0x9a: {  	_ =	strace s3  }
0x9b: {  	s3 =	sld [smem:$0x3FFD];
	_ =	sdelay $0x3  }
0x9c: {  	_ =	strace s3  }
0x9d: {  	_ =	strace $0x8FFFFFFF  }
0x9e: {  	s18 =	sld [smem:$0x3FDB];
	_ =	sdelay $0x1  }
0x9f: {  	s19 =	simm.s32 $_scs_section_size  }
0xa0: {  	s5 =	simm.s32 $_size__tile_overlayer_lowered;
	s6 =	simm.s32 $_tile_overlayer_lowered  }
0xa1: {  	s22 =	simm.s32 $0x1BFF;
	s21 =	sshll.u32 s6, $0x1;
	s3 =	sadd.s32 s19, s18  }
0xa2: {  	s7 =	simm.s32 $0x0;
	s20 =	sshll.u32 s5, $0x1;
	s5 =	sadd.s32 s21, s3  }
0xa3: {  	[timem:s7], [sflag:s22] =	dma.local [hbm:s5], s20  }
0xa4: {  	_ =	swait.ge [sflag:s22], s20  }
0xa5: {  	s4 =	ssub.s32 $0x0, s20;
	[sflag:s22] =	ssyncset.done $0x0  }
0xa6: {  	[sflag:s22] =	ssyncadd.s32 s4;
	_ =	sdelay $0x1  }
0xa7: {  	s23 =	simm.s32 $0x1B8B  }
0xa8: {  	_ =	swait.ge [sflag:s23], $0x1  }
0xa9: {  	[sflag:s23] =	ssyncset.done $0x0  }
0xaa: {  	s25 =	simm.s32 $0x1B8E;
	s24 =	sld [smem:$0x3FFE];
	[sflag:s23] =	ssyncadd.s32 $0xFFFFFFFF  }
0xab: {  	s26 =	simm.s32 $execute0_lowered;
	[smem:$0x3FD2] =	sst s25  }
0xac: {  	s5 =	sshll.u32 s26, $0x1;
	_ =	strace $0x80000046;
	[dreg:$0x1] =	wrdreg $0xFFFFFFFF  }
0xad: {  	s28 =	simm.s32 $_size_execute0_lowered;
	s3 =	sadd.s32 s3, s5;
	[dreg:$0x0] =	wrdreg $0x0  }
0xae: {  	s5 =	sshll.u32 s28, $0x1;
	[dreg:$0x2] =	wrdreg s3  }
0xaf: {  	[dreg:$0x3] =	wrdreg s5  }
0xb0: {  	[dreg:$0x4] =	wrdreg $0xC0  }
0xb1: {  	_ =	task [dreg:s7], $0x5FFFF  }
0xb2: {  	[dreg:$0x1] =	wrdreg $0xFFFFFFFF  }
0xb3: {  	[dreg:$0x0] =	wrdreg $0x60  }
0xb4: {  	[dreg:$0x2] =	wrdreg s24  }
0xb5: {  	[dreg:$0x3] =	wrdreg s16  }
0xb6: {  	[dreg:$0x4] =	wrdreg $0x2A800  }
0xb7: {  	[dreg:$0x5] =	wrdreg $0x9  }
0xb8: {  	_ =	task.clear_ibuf [dreg:s7], $0x6FFFF;
	_ =	strace $0x90000046  }
0xb9: {  	s29 =	simm.s32 $0x9;
	_ =	strace $0x80000048  }
0xba: {  	_ =	swait.ge [sflag:s29], $0x1  }
0xbb: {  	[sflag:s29] =	ssyncadd.s32 $0xFFFFFFFF  }
0xbc: {  	_ =	strace $0x90000048  }
0xbd: {  	_ =	sfence  }
0xbe: {  	s30 =	sld [smem:$0x0];
	_ =	sdelay $0x2  }
0xbf: {  	s31 =	sshll.u32 s1, $0xD;
	s1 =	sshrl.u32 s1, $0x2  }
0xc0: {  	s3 =	sand.u32 $0x4000, s31;
	s1 =	sadd.s32 s1, s30  }
0xc1: {  	s0 =	sor.u32 s3, s0;
	s1 =	sshll.u32 s1, $0x11  }
0xc2: {  	s0 =	sor.u32 s1, s0  }
0xc3: {  	s0 =	sadd.s32 $0x8F2B, s0  }
0xc4: {  	[sflag:s0] =	ssyncadd.remote.s32 $0x1  }
0xc5: {  	_ =	sfence.sel $0xFFFF  }
0xc6: {  	[dreg:$0x0] =	wrdreg $0xFFFFFFFF;
	(pc) =	sbr.abs _section_cstart, $3  }
0xc7: {  	[dreg:$0x1] =	wrdreg $0xFFFFFFFF  }
0xc8: {  	_ =	task.clear_ibuf [dreg:s7], $0x2FFFF;
	_ =	strace $0x9FFFFFFF  }
0xc9: {  	(tm) =	ssettm $0x7FFFFFFF  }
tec
execute0_lowered:
.L_overlay_start_1:
0x0: {  	(tag) =	ssettag $0x1  }
0x1: {  	s4 =	rddreg [dreg:$0x0]  }
0x2: {  	s7 =	rddreg [dreg:$0x1]  }
0x3: {  	s0 =	srdreg.scid;
	s2 =	rddreg [dreg:$0x2]  }
0x4: {  	s3 =	simm.s32 $0x0;
	s12 =	simm.s32 $0x2780;
	s15 =	simm.s32 $0x0  }
0x5: {  	s5 =	sand.u32 $0x1, s0;
	s0 =	stileid.u32;
	[smem:$0x7FF] =	sst s3  }
0x6: {  	s11 =	sadd.s32 $0xD400, s4;
	s1 =	sshll.u32 s5, $0x4;
	s9 =	smul.u32 $0x280, s0  }
0x7: {  	s8 =	ssub.s32 $0x2, s5;
	s5 =	smul.u32 $0x2800, s5;
	s28 =	sshll.u32 s0, $0x4  }
0x8: {  	s31 =	sshll.u32 s0, $0x6;
	s13 =	sor.u32 s0, s1;
	s1 =	rddreg [dreg:$0x3]  }
0x9: {  	s10 =	sshrl.u32 s8, $0x1;
	_ =	strace $0x80000047;
	s6 =	smul.u32 $0x4E0, s13  }
0xa: {  	s8 =	ssub.s32 s8, s10;
	s29 =	sadd.s32 s9, s5;
	s5 =	sadd.s32 s9, s2  }
0xb: {  	s9 =	simm.s32 $0x1;
	s10 =	simm.s32 $0x2800;
	p0 =	sgt.u32 s13, $0x3  }
0xc: {  	s13 =	sor.u32 $0x1C01, s31;
	s30 =	sshrl.u32 s29, $0x3;
	s8 =	smax.u32 s8, $0x1  }
0xd: {  	s14 =	sshrl.u32 s5, $0x3;
	s4 =	sadd.s32 s11, s6;
	s6 =	sadd.s32 s28, s11  }
0xe: {  	v0 =	vimm.f32 $0.0e+00;
	v1 =	vimm.f32 $1.000000000e+00;
	s7 =	sadd.s32 s7, s30;
	s11 =	simm.s32 $0x80;
	s6 =	sadd.s32 $0x9C00, s6  }
.LBB2_1:
0xf: {  	[tilespmem:$0x2800] =	vst v0  }
0x10: {  	[tilespmem:$0x2810] =	vst v0  }
0x11: {  	[tilespmem:$0x2820] =	vst v0  }
0x12: {  	[tilespmem:$0x2830] =	vst v0  }
0x13: {  	[tilespmem:$0x2840] =	vst v0  }
0x14: {  	[tilespmem:$0x2850] =	vst v0  }
0x15: {  	[tilespmem:$0x2860] =	vst v0  }
0x16: {  	[tilespmem:$0x2870] =	vst v0  }
0x17: {  	[tilespmem:$0x2880] =	vst v0  }
0x18: {  	[tilespmem:$0x2890] =	vst v0  }
0x19: {  	[tilespmem:$0x28A0] =	vst v0  }
0x1a: {  	[tilespmem:$0x28B0] =	vst v0  }
0x1b: {  	[tilespmem:$0x28C0] =	vst v0  }
0x1c: {  	[tilespmem:$0x28D0] =	vst v0  }
0x1d: {  	[tilespmem:$0x28E0] =	vst v0  }
0x1e: {  	[tilespmem:$0x28F0] =	vst v0  }
0x1f: {  	[tilespmem:$0x2900] =	vst v0  }
0x20: {  	[tilespmem:$0x2910] =	vst v0  }
0x21: {  	[tilespmem:$0x2920] =	vst v0  }
0x22: {  	[tilespmem:$0x2930] =	vst v0  }
0x23: {  	[tilespmem:$0x2940] =	vst v0  }
0x24: {  	[tilespmem:$0x2950] =	vst v0  }
0x25: {  	[tilespmem:$0x2960] =	vst v0  }
0x26: {  	[tilespmem:$0x2970] =	vst v0  }
0x27: {  	[tilespmem:$0x2980] =	vst v0  }
0x28: {  	[tilespmem:$0x2990] =	vst v0  }
0x29: {  	[tilespmem:$0x29A0] =	vst v0  }
0x2a: {  	[tilespmem:$0x29B0] =	vst v0  }
0x2b: {  	[tilespmem:$0x29C0] =	vst v0  }
0x2c: {  	[tilespmem:$0x29D0] =	vst v0  }
0x2d: {  	[tilespmem:$0x29E0] =	vst v0  }
0x2e: {  	[tilespmem:$0x29F0] =	vst v0  }
0x2f: {  	[tilespmem:$0x2A00] =	vst v0  }
0x30: {  	[tilespmem:$0x2A10] =	vst v0  }
0x31: {  	[tilespmem:$0x2A20] =	vst v0  }
0x32: {  	[tilespmem:$0x2A30] =	vst v0  }
0x33: {  	[tilespmem:$0x2A40] =	vst v0  }
0x34: {  	[tilespmem:$0x2A50] =	vst v0  }
0x35: {  	[tilespmem:$0x2A60] =	vst v0  }
0x36: {  	[tilespmem:$0x2A70] =	vst v0  }
0x37: {  	[tilespmem:$0x2780] =	vst v1  }
0x38: {  	[tilespmem:$0x2790] =	vst v1  }
0x39: {  	[tilespmem:$0x27A0] =	vst v1  }
0x3a: {  	[tilespmem:$0x27B0] =	vst v1  }
0x3b: {  	[tilespmem:$0x27C0] =	vst v1  }
0x3c: {  	[tilespmem:$0x27D0] =	vst v1  }
0x3d: {  	[tilespmem:$0x27E0] =	vst v1  }
0x3e: {  	[tilespmem:$0x27F0] =	vst v1  }
0x3f: {  	[tilespmem:s3], [sflag:$0x1] =	stream.linear.gather [hbm4b:s4+s3], $0x2700, $0x38;
	[tilespmem:$0x2D00] =	vst v63  }
0x40: {  	_ =	swait.ge [sflag:s9], $0x2700  }
0x41: {  	[sflag:s9] =	ssyncset.done $0x0  }
0x42: {  	[sflag:s9] =	ssyncadd.s32 $0xFFFFD900  }
0x43: {  	[spmem:s5] =	stream.linear.scatter [tilespmem:s10], [sflag:$0x1], $0x280, $0x38;
	[tilespmem:$0x2D00] =	vst v63  }
0x44: {  	_ =	swait.ge [sflag:s9], $0x280  }
0x45: {  	[sflag:s9] =	ssyncset.done $0x0  }
0x46: {  	[sflag:s9] =	ssyncadd.s32 $0xFFFFFD80  }
0x47: {  	s16 =	simm.s32 $0x0;
	[bflag:$0x0] =	sbarrier.arrive $0xFFFF  }
0x48: {  	[spmem:s2] =	stream.indirect.scatter.add.f32 [tilespmem:s12], [sflag:$0x1], $0x1, s16, s11, $0xb8;
	[tilespmem:$0x2D00] =	vst v63  }
0x49: {  	_ =	swait.ge [sflag:s9], $0x80  }
0x4a: {  	s16 =	simm.s32 $0x200;
	[sflag:s9] =	ssyncset.done $0x0  }
.LBB2_2:
0x4b: {  	s17 =	sshra.s32 s16, $0x2;
	[sflag:s9] =	ssyncadd.s32 $0xFFFFFF80;
	p1 =	sne.s32 s16, $0x9A00  }
0x4c: {  	[spmem:s2] =	stream.indirect.scatter.add.f32 [tilespmem:s12], [sflag:$0x1], $0x1, s17, s11, $0xb8;
	[tilespmem:$0x2D00] =	vst v63  }
.Ltmp0:
0x4d: {  	_ = 	snop;
	(pc) =	sbr.rel @p1 .LBB2_2-.Ltmp0, $4  }
0x4e: {  	_ = 	snop  }
0x4f: {  	s16 =	sadd.s32 $0x200, s16  }
0x50: {  	_ =	swait.ge [sflag:s9], $0x80  }
0x51: {  	[sflag:s9] =	ssyncset.done $0x0  }
0x52: {  	[sflag:s9] =	ssyncadd.s32 $0xFFFFFF80;
	s16 =	simm.s32 @!p0 $0x0;
	s17 =	simm.s32 @!p0 $0x2700  }
0x53: {  	[tilespmem:s17], [sflag:$0x1] =	stream.linear.gather @!p0 [hbm4b:s6+s16], $0x80, $0x38;
	[tilespmem:$0x2D00] =	vst v63  }
0x54: {  	s16 =	simm.s32 @!p0 $0x1  }
0x55: {  	_ =	swait.ge @!p0 [sflag:s16], $0x80  }
0x56: {  	[sflag:s16] =	ssyncset.done @!p0 $0x0  }
0x57: {  	s18 =	simm.s32 @!p0 $0x80;
	s19 =	simm.s32 @!p0 $0x2780;
	[sflag:s16] =	ssyncadd.s32 @!p0 $0xFFFFFF80  }
0x58: {  	[spmem:s2] =	stream.indirect.scatter.add.f32 @!p0 [tilespmem:s19], [sflag:$0x1], $0x1, s17, s18, $0xb8;
	[tilespmem:$0x2D00] =	vst v63  }
0x59: {  	_ =	swait.ge @!p0 [sflag:s16], $0x80  }
0x5a: {  	s15 =	sadd.s32 $0x1, s15;
	[sflag:s16] =	ssyncset.done @!p0 $0x0  }
0x5b: {  	p1 =	sne.s32 s15, s8;
	[sflag:s16] =	ssyncadd.s32 @!p0 $0xFFFFFF80  }
.Ltmp1:
0x5c: {  	[bflag:$0x0] =	sbarrier.arrive $0xFFFF;
	(pc) =	sbr.rel @p1 .LBB2_1-.Ltmp1, $4  }
0x5d: {  	[hbm:s7], [sflag:s13] =	dma.local [spmem:s14], $0x50  }
0x5e: {  	_ =	swait.ge [sflag:s9], $0x50  }
0x5f: {  	[sflag:s9] =	ssyncset.done $0x0  }
0x60: {  	[sflag:s9] =	ssyncadd.s32 $0xFFFFFFB0  }
0x61: {  	_ =	sfence.sel $0x180000  }
0x62: {  	[bflag:$0x0] =	sbarrier.arrive $0xFFFF  }
0x63: {  	p0 =	sne.s32 s0, $0x0;
	_ =	strace $0x90000047  }
0x64: {  	s0 =	sadd.s32 @!p0 $0x100000, s1;
	[bflag:$0x2] =	sbarrier.arrive $0xFFFF  }
0x65: {  	[sflag:s0] =	ssyncadd.tile.s32 @!p0 $0x1;
	_ =	shalt  }
.Lfunc_end2:
_tile_overlayer_lowered:
.L_overlay_start_2:
0x66: {  	(tag) =	ssettag $0x2  }
0x67: {  	s0 =	rddreg [dreg:$0x0];
	s2 =	stileid.u32  }
0x68: {  	s1 =	rddreg [dreg:$0x1];
	p0 =	sne.s32 s2, $0x0  }
0x69: {  	s3 =	rddreg [dreg:$0x2];
	[bflag:$0x3] =	sbarrier.arrive $0xFFFF;
	s2 =	simm.s32 @!p0 $0x1C01  }
0x6a: {  	[timem:s3], [sflag:s2] =	dma.local @!p0 [hbm:s0], s1  }
0x6b: {  	s0 =	simm.s32 @!p0 $0x1  }
0x6c: {  	_ =	swait.ge @!p0 [sflag:s0], s1  }
0x6d: {  	s1 =	ssub.s32 @!p0 $0x0, s1;
	[sflag:s0] =	ssyncset.done @!p0 $0x0  }
0x6e: {  	[sflag:s0] =	ssyncadd.s32 @!p0 s1  }
0x6f: {  	[bflag:$0x3] =	sbarrier.arrive $0xFFFF  }
0x70: {  	_ =	shalt  }

// kernel: kernel.13.cloned.1.call-start
scs
__scs_entry_jumppad:
0x0: {  	(pc) =	sbr.rel $0x88, $3  }
0x1: {  	(tag) =	ssettag $0x0;
	lr =	simm.s32 $0x1  }
0x2: {  	[smem:$0x3F97] =	sst lr;
	_ =	strace $0xD0000000  }
0x3: {  	_ = 	snop  }
0x4: {  	_ = 	snop  }
0x5: {  	_ = 	snop  }
0x6: {  	_ = 	snop  }
0x7: {  	_ = 	snop  }
__scs_overlays_trampoline_lowered:
0x8: {  	[smem:$0x3FA6] =	sst s0  }
0x9: {  	[smem:$0x3FA7] =	sst s1  }
0xa: {  	[smem:$0x3FA8] =	sst s2  }
0xb: {  	[smem:$0x3FA9] =	sst s3  }
0xc: {  	[smem:$0x3FAA] =	sst s4  }
0xd: {  	[smem:$0x3FAB] =	sst s5  }
0xe: {  	[smem:$0x3FAC] =	sst s6  }
0xf: {  	[smem:$0x3FAD] =	sst s7  }
0x10: {  	[smem:$0x3FAE] =	sst s8  }
0x11: {  	[smem:$0x3FAF] =	sst s9;
	s0 =	simm.s32 @!p0 $0x0  }
0x12: {  	s1 =	sld [smem:$0x3F95];
	s0 =	simm.s32 @p0 $0x1  }
0x13: {  	[smem:$0x3FB0] =	sst s0;
	s0 =	simm.s32 @!p1 $0x0  }
0x14: {  	s2 =	sld [smem:$0x3F94];
	s0 =	simm.s32 @p1 $0x1  }
0x15: {  	[smem:$0x3FB1] =	sst s0;
	s0 =	simm.s32 @!p2 $0x0  }
0x16: {  	s3 =	sld [smem:$0x3FDB];
	s0 =	simm.s32 @p2 $0x1  }
0x17: {  	s4 =	simm.s32 $0x1BF5;
	[smem:$0x3FB3] =	sst s0  }
0x18: {  	s0 =	sld [smem:$0x3F96];
	_ =	swait.ge [sflag:s4], $0x0  }
0x19: {  	s7 =	sld [smem:$0x3F97]  }
0x1a: {  	s8 =	sadd.s32 $0xFFFFE003, lr  }
0x1b: {  	s9 =	sadd.s32 $0xFFFFFEF7, lr;
	s5 =	simm.s32 $0xFFFFFFFF;
	p2 =	slt.u32 s8, $0xFFFFF086  }
0x1c: {  	p1 =	slt.u32 s9, $0xF7A;
	s5 =	simm.s32 @!p2 $0x0  }
0x1d: {  	s5 =	simm.s32 @p1 $0x1;
	p0 =	seq.s32 s7, s2  }
0x1e: {  	s7 =	smul.u32 @!p0 $0xF7A, s2;
	p2 =	seq.s32 @!p0 s5, $0x0  }
0x1f: {  	s9 =	smul.u32 $0xF7A, s1;
	s8 =	simm.s32 @!p0 $0x1BF5;
	p2 =	por !p2, p0  }
0x20: {  	[sflag:s8] =	ssyncset.s32 @!p0 $0xFFFFF086;
	s6 =	sadd.s32 @!p0 s3, s7;
	s7 =	simm.s32 @!p0 $0x108  }
0x21: {  	s3 =	sadd.s32 s3, s9;
	s6 =	sadd.s32 @!p0 $0x88, s6;
	s7 =	simm.s32 @p2 $0x1082  }
0x22: {  	[simem:s7], [sflag:s8] =	dma.local @!p0 [hbm:s6], $0xF7A  }
0x23: {  	s9 =	sor.u32 $0xD0000000, s2;
	s6 =	simm.s32 $0x108;
	_ =	swait.ge @!p0 [sflag:s8], $0x0  }
0x24: {  	s3 =	sadd.s32 $0x88, s3;
	s6 =	simm.s32 @!p1 $0x1082;
	[sflag:s4] =	ssyncset.s32 $0xFFFFF086  }
0x25: {  	[simem:s6], [sflag:s4] =	dma.local [hbm:s3], $0xF7A  }
0x26: {  	[smem:$0x3F97] =	sst s1;
	(tag) =	ssettag s2;
	_ =	strace s9  }
0x27: {  	s1 =	sld [smem:$0x3FA7]  }
0x28: {  	s2 =	sld [smem:$0x3FA8]  }
0x29: {  	s4 =	sld [smem:$0x3FAA]  }
0x2a: {  	p0 =	seq.s32 s5, $0x0;
	s5 =	sld [smem:$0x3FAB]  }
0x2b: {  	s6 =	sld [smem:$0x3FAC]  }
0x2c: {  	s7 =	sld [smem:$0x3FAD]  }
0x2d: {  	s3 =	simm.s32 $0x108;
	s8 =	sld [smem:$0x3FAE]  }
0x2e: {  	s3 =	simm.s32 @!p0 $0x1082;
	s9 =	sld [smem:$0x3FAF]  }
0x2f: {  	lr =	sadd.s32 s0, s3;
	s0 =	sld [smem:$0x3FA6]  }
0x30: {  	s3 =	sld [smem:$0x3FA9]  }
0x31: {  	[smem:$0x3FB2] =	sst s10  }
0x32: {  	s10 =	sld [smem:$0x3FB0];
	_ =	sdelay $0x3  }
0x33: {  	p0 =	seq.s32 s10, $0x1;
	s10 =	sld [smem:$0x3FB2];
	_ =	sdelay $0x3  }
0x34: {  	[smem:$0x3FB2] =	sst s10  }
0x35: {  	s10 =	sld [smem:$0x3FB1];
	_ =	sdelay $0x3  }
0x36: {  	p1 =	seq.s32 s10, $0x1;
	s10 =	sld [smem:$0x3FB2];
	_ =	sdelay $0x3  }
0x37: {  	[smem:$0x3FB2] =	sst s10  }
0x38: {  	s10 =	sld [smem:$0x3FB3]  }
0x39: {  	_ = 	snop;
	(pc) =	sbr.ind lr, $3  }
0x3a: {  	_ = 	snop  }
0x3b: {  	_ = 	snop  }
0x3c: {  	p2 =	seq.s32 s10, $0x1;
	s10 =	sld [smem:$0x3FB2]  }
0x3d: {  	_ =	shalt  }
0x3e: {  	_ =	shalt  }
0x3f: {  	_ =	shalt  }
0x40: {  	_ =	shalt  }
0x41: {  	_ =	shalt  }
0x42: {  	_ =	shalt  }
0x43: {  	_ =	shalt  }
0x44: {  	_ =	shalt  }
0x45: {  	_ =	shalt  }
0x46: {  	_ =	shalt  }
0x47: {  	_ =	shalt  }
0x48: {  	_ =	shalt  }
0x49: {  	_ =	shalt  }
0x4a: {  	_ =	shalt  }
0x4b: {  	_ =	shalt  }
0x4c: {  	_ =	shalt  }
0x4d: {  	_ =	shalt  }
0x4e: {  	_ =	shalt  }
0x4f: {  	_ =	shalt  }
0x50: {  	_ =	shalt  }
0x51: {  	_ =	shalt  }
0x52: {  	_ =	shalt  }
0x53: {  	_ =	shalt  }
0x54: {  	_ =	shalt  }
0x55: {  	_ =	shalt  }
0x56: {  	_ =	shalt  }
0x57: {  	_ =	shalt  }
0x58: {  	_ =	shalt  }
0x59: {  	_ =	shalt  }
0x5a: {  	_ =	shalt  }
0x5b: {  	_ =	shalt  }
0x5c: {  	_ =	shalt  }
0x5d: {  	_ =	shalt  }
0x5e: {  	_ =	shalt  }
0x5f: {  	_ =	shalt  }
0x60: {  	_ =	shalt  }
0x61: {  	_ =	shalt  }
0x62: {  	_ =	shalt  }
0x63: {  	_ =	shalt  }
0x64: {  	_ =	shalt  }
0x65: {  	_ =	shalt  }
0x66: {  	_ =	shalt  }
0x67: {  	_ =	shalt  }
0x68: {  	_ =	shalt  }
0x69: {  	_ =	shalt  }
0x6a: {  	_ =	shalt  }
0x6b: {  	_ =	shalt  }
0x6c: {  	_ =	shalt  }
0x6d: {  	_ =	shalt  }
0x6e: {  	_ =	shalt  }
0x6f: {  	_ =	shalt  }
0x70: {  	_ =	shalt  }
0x71: {  	_ =	shalt  }
0x72: {  	_ =	shalt  }
0x73: {  	_ =	shalt  }
0x74: {  	_ =	shalt  }
0x75: {  	_ =	shalt  }
0x76: {  	_ =	shalt  }
0x77: {  	_ =	shalt  }
0x78: {  	_ =	shalt  }
0x79: {  	_ =	shalt  }
0x7a: {  	_ =	shalt  }
0x7b: {  	_ =	shalt  }
0x7c: {  	_ =	shalt  }
0x7d: {  	_ =	shalt  }
0x7e: {  	_ =	shalt  }
0x7f: {  	_ =	shalt  }
0x80: {  	_ =	shalt  }
0x81: {  	_ =	shalt  }
0x82: {  	_ =	shalt  }
0x83: {  	_ =	shalt  }
0x84: {  	_ =	shalt  }
0x85: {  	_ =	shalt  }
0x86: {  	_ =	shalt  }
0x87: {  	_ =	shalt  }
.Lfunc_end0:
.L_simem_size_0:
called_computation.1_lowered:
.L_overlay_start_0:
0x88: {  	s2 =	sld [smem:$0x3FD9]  }
0x89: {  	s3 =	sld [smem:$0x3FFE];
	_ =	sdelay $0x1  }
0x8a: {  	s1 =	srdreg.scid  }
0x8b: {  	s0 =	sand.u32 $0x1, s1  }
0x8c: {  	s16 =	sshll.u32 s0, $0xA;
	s2 =	sadd.s32 s3, s2  }
0x8d: {  	s2 =	sadd.s32 s2, s16  }
0x8e: {  	[smem:$0x3FBE] =	sst s2  }
0x8f: {  	_ = 	snop  }
0x90: {  	(tm) =	ssettm $0x1  }
0x91: {  	s17 =	sld [smem:$0x3FFB];
	_ =	sdelay $0x3  }
0x92: {  	_ =	strace s17  }
0x93: {  	s2 =	sld [smem:$0x3FFC];
	_ =	sdelay $0x3  }
0x94: {  	_ =	strace s2  }
0x95: {  	s2 =	sld [smem:$0x3FFD];
	_ =	sdelay $0x3  }
0x96: {  	_ =	strace s2  }
0x97: {  	_ =	strace $0x8FFFFFFF  }
0x98: {  	s18 =	sld [smem:$0x3FDB];
	_ =	sdelay $0x1  }
0x99: {  	s19 =	simm.s32 $_scs_section_size  }
0x9a: {  	s4 =	simm.s32 $_size__tile_overlayer_lowered;
	s5 =	simm.s32 $_tile_overlayer_lowered  }
0x9b: {  	s22 =	simm.s32 $0x1BFF;
	s21 =	sshll.u32 s5, $0x1;
	s2 =	sadd.s32 s19, s18  }
0x9c: {  	s6 =	simm.s32 $0x0;
	s20 =	sshll.u32 s4, $0x1;
	s4 =	sadd.s32 s21, s2  }
0x9d: {  	[timem:s6], [sflag:s22] =	dma.local [hbm:s4], s20  }
0x9e: {  	_ =	swait.ge [sflag:s22], s20  }
0x9f: {  	s3 =	ssub.s32 $0x0, s20;
	[sflag:s22] =	ssyncset.done $0x0  }
0xa0: {  	[sflag:s22] =	ssyncadd.s32 s3;
	_ =	sdelay $0x1  }
0xa1: {  	s23 =	simm.s32 $0x1B8B  }
0xa2: {  	_ =	swait.ge [sflag:s23], $0x1  }
0xa3: {  	[sflag:s23] =	ssyncset.done $0x0  }
0xa4: {  	s25 =	simm.s32 $0x1B8E;
	s24 =	sld [smem:$0x3FFE];
	[sflag:s23] =	ssyncadd.s32 $0xFFFFFFFF  }
0xa5: {  	s26 =	simm.s32 $execute0_lowered;
	[smem:$0x3FD2] =	sst s25  }
0xa6: {  	s4 =	sshll.u32 s26, $0x1;
	_ =	strace $0x80000049;
	[dreg:$0x1] =	wrdreg $0xFFFFFFFF  }
0xa7: {  	s28 =	simm.s32 $_size_execute0_lowered;
	s2 =	sadd.s32 s2, s4;
	[dreg:$0x0] =	wrdreg $0x0  }
0xa8: {  	s4 =	sshll.u32 s28, $0x1;
	[dreg:$0x2] =	wrdreg s2  }
0xa9: {  	[dreg:$0x3] =	wrdreg s4  }
0xaa: {  	[dreg:$0x4] =	wrdreg $0xC0  }
0xab: {  	_ =	task [dreg:s6], $0x5FFFF  }
0xac: {  	[dreg:$0x1] =	wrdreg $0xFFFFFFFF  }
0xad: {  	[dreg:$0x0] =	wrdreg $0x60  }
0xae: {  	[dreg:$0x2] =	wrdreg s24  }
0xaf: {  	[dreg:$0x3] =	wrdreg $0xBA800  }
0xb0: {  	[dreg:$0x4] =	wrdreg $0x9  }
0xb1: {  	_ =	task.clear_ibuf [dreg:s6], $0x5FFFF;
	_ =	strace $0x90000049  }
0xb2: {  	s29 =	simm.s32 $0x9;
	_ =	strace $0x8000004B  }
0xb3: {  	_ =	swait.ge [sflag:s29], $0x1  }
0xb4: {  	[sflag:s29] =	ssyncadd.s32 $0xFFFFFFFF  }
0xb5: {  	_ =	strace $0x9000004B  }
0xb6: {  	_ =	sfence  }
0xb7: {  	s30 =	sld [smem:$0x0];
	_ =	sdelay $0x2  }
0xb8: {  	s31 =	sshll.u32 s1, $0xD;
	s1 =	sshrl.u32 s1, $0x2  }
0xb9: {  	s3 =	sand.u32 $0x4000, s31;
	s1 =	sadd.s32 s1, s30  }
0xba: {  	s0 =	sor.u32 s3, s0;
	s1 =	sshll.u32 s1, $0x11  }
0xbb: {  	s0 =	sor.u32 s1, s0  }
0xbc: {  	s0 =	sadd.s32 $0x8F2B, s0  }
0xbd: {  	[sflag:s0] =	ssyncadd.remote.s32 $0x1  }
0xbe: {  	_ =	sfence.sel $0xFFFF  }
0xbf: {  	[dreg:$0x0] =	wrdreg $0xFFFFFFFF;
	(pc) =	sbr.abs _section_cstart, $3  }
0xc0: {  	[dreg:$0x1] =	wrdreg $0xFFFFFFFF  }
0xc1: {  	_ =	task.clear_ibuf [dreg:s6], $0x2FFFF;
	_ =	strace $0x9FFFFFFF  }
0xc2: {  	(tm) =	ssettm $0x7FFFFFFF  }
0xc3: {  	_ =	shalt  }
tec
execute0_lowered:
.L_overlay_start_1:
0x0: {  	(tag) =	ssettag $0x1  }
0x1: {  	s5 =	rddreg [dreg:$0x0]  }
0x2: {  	s0 =	srdreg.scid;
	s7 =	rddreg [dreg:$0x1];
	s2 =	simm.s32 $0x0  }
0x3: {  	s16 =	simm.s32 $0x4;
	s17 =	simm.s32 $0x3;
	s18 =	simm.s32 $0x2  }
0x4: {  	s19 =	simm.s32 $0x1;
	s4 =	sand.u32 $0x1, s0;
	s0 =	stileid.u32  }
0x5: {  	s20 =	simm.s32 $0x0;
	[smem:$0x7FF] =	sst s2;
	s9 =	smul.u32 $0x14000, s0  }
0x6: {  	s3 =	sadd.s32 $0x65600, s5;
	s11 =	sadd.s32 $0x3600, s5;
	s10 =	smul.u32 $0x140000, s4  }
0x7: {  	s1 =	sshll.u32 s4, $0x4;
	s4 =	ssub.s32 $0x2, s4;
	s14 =	smul.u32 $0x50000, s0  }
0x8: {  	s6 =	sor.u32 s0, s1;
	s1 =	rddreg [dreg:$0x2];
	_ =	strace $0x8000004A  }
0x9: {  	s13 =	sshrl.u32 s4, $0x1;
	s8 =	smul.u32 $0x4E0, s6;
	s10 =	sadd.s32 s9, s10  }
0xa: {  	s13 =	ssub.s32 s4, s13;
	s28 =	smul.u32 $0x2700, s6;
	s29 =	sshrl.u32 s14, $0x2  }
0xb: {  	s6 =	sadd.s32 s9, s7;
	s14 =	simm.s32 $0x1380;
	s10 =	sshrl.u32 s10, $0x3  }
0xc: {  	s30 =	sadd.s32 s29, s7;
	s13 =	smax.u32 s13, $0x1;
	s12 =	sadd.s32 s8, s5  }
0xd: {  	s15 =	sadd.s32 s10, s5;
	s4 =	sadd.s32 s11, s8;
	s31 =	sshrl.u32 s28, $0x3  }
0xe: {  	s7 =	sadd.s32 $0x4000, s30;
	s8 =	sadd.s32 $0x8000, s30;
	s9 =	sadd.s32 $0xC000, s30  }
0xf: {  	s10 =	sadd.s32 $0x10000, s30;
	s5 =	sadd.s32 $0xD400, s12;
	s11 =	sadd.s32 s11, s31  }
0x10: {  	v0 =	vimm.f32 $0.0e+00;
	s12 =	sadd.s32 $0x8C800, s15;
	s15 =	simm.s32 $0x3A80;
	s11 =	sadd.s32 $0x270, s11  }
.LBB2_1:
0x11: {  	[tilespmem:s2], [sflag:$0x3] =	stream.linear.gather [hbm4b:s4+s2], $0x1380, $0x38;
	[tilespmem:$0x1FA80] =	vst v63  }
0x12: {  	s21 =	simm.s32 $0x0;
	s22 =	simm.s32 $0x200  }
0x13: {  	[tilespmem:s14], [sflag:$0x2] =	stream.linear.gather [hbm4b:s5+s2], $0x2700, $0x38;
	[tilespmem:$0x1FA80] =	vst v63  }
.LBB2_2:
0x14: {  	p0 =	sne.s32 s22, $0xFE00;
	[tilespmem:s21+$0x3AF0] =	vst v0  }
0x15: {  	[tilespmem:s21+$0x3A80] =	vst v0  }
0x16: {  	[tilespmem:s21+$0x3A90] =	vst v0  }
.Ltmp0:
0x17: {  	[tilespmem:s21+$0x3AA0] =	vst v0;
	(pc) =	sbr.rel @p0 .LBB2_2-.Ltmp0, $4  }
0x18: {  	[tilespmem:s21+$0x3AB0] =	vst v0  }
0x19: {  	[tilespmem:s21+$0x3AC0] =	vst v0  }
0x1a: {  	[tilespmem:s21+$0x3AD0] =	vst v0  }
0x1b: {  	[tilespmem:s21+$0x3AE0] =	vst v0;
	s21 =	sshra.s32 s22, $0x2;
	s22 =	sadd.s32 $0x200, s22  }
0x1c: {  	[tilespmem:s21+$0x3AF0] =	vst v0  }
0x1d: {  	[tilespmem:s21+$0x3A80] =	vst v0  }
0x1e: {  	[tilespmem:s21+$0x3A90] =	vst v0  }
0x1f: {  	[tilespmem:s21+$0x3AA0] =	vst v0  }
0x20: {  	[tilespmem:s21+$0x3AB0] =	vst v0  }
0x21: {  	[tilespmem:s21+$0x3AC0] =	vst v0  }
0x22: {  	[tilespmem:s21+$0x3AD0] =	vst v0  }
0x23: {  	[tilespmem:s21+$0x3AE0] =	vst v0  }
0x24: {  	[spmem:s6] =	stream.linear.scatter [tilespmem:s15], [sflag:$0x4], $0x4000, $0x38;
	[tilespmem:$0x1FA80] =	vst v63  }
0x25: {  	_ =	swait.ge [sflag:s16], $0x4000  }
0x26: {  	[sflag:s16] =	ssyncset.done $0x0  }
0x27: {  	[sflag:s16] =	ssyncadd.s32 $0xFFFFC000  }
0x28: {  	[spmem:s7] =	stream.linear.scatter [tilespmem:s15], [sflag:$0x4], $0x4000, $0x38;
	[tilespmem:$0x1FA80] =	vst v63  }
0x29: {  	_ =	swait.ge [sflag:s16], $0x4000  }
0x2a: {  	[sflag:s16] =	ssyncset.done $0x0  }
0x2b: {  	[sflag:s16] =	ssyncadd.s32 $0xFFFFC000  }
0x2c: {  	[spmem:s8] =	stream.linear.scatter [tilespmem:s15], [sflag:$0x4], $0x4000, $0x38;
	[tilespmem:$0x1FA80] =	vst v63  }
0x2d: {  	_ =	swait.ge [sflag:s16], $0x4000  }
0x2e: {  	[sflag:s16] =	ssyncset.done $0x0  }
0x2f: {  	[sflag:s16] =	ssyncadd.s32 $0xFFFFC000  }
0x30: {  	[spmem:s9] =	stream.linear.scatter [tilespmem:s15], [sflag:$0x4], $0x4000, $0x38;
	[tilespmem:$0x1FA80] =	vst v63  }
0x31: {  	_ =	swait.ge [sflag:s16], $0x4000  }
0x32: {  	[sflag:s16] =	ssyncset.done $0x0  }
0x33: {  	[sflag:s16] =	ssyncadd.s32 $0xFFFFC000  }
0x34: {  	[spmem:s10] =	stream.linear.scatter [tilespmem:s15], [sflag:$0x4], $0x4000, $0x38;
	[tilespmem:$0x1FA80] =	vst v63  }
0x35: {  	_ =	swait.ge [sflag:s16], $0x4000  }
0x36: {  	[sflag:s16] =	ssyncset.done $0x0  }
0x37: {  	[sflag:s16] =	ssyncadd.s32 $0xFFFFC000  }
0x38: {  	_ =	swait.ge [sflag:s17], $0x1380  }
0x39: {  	[sflag:s17] =	ssyncset.done $0x0  }
0x3a: {  	[sflag:s17] =	ssyncadd.s32 $0xFFFFEC80  }
0x3b: {  	s31 =	simm.s32 $0x0;
	_ =	swait.ge [sflag:s18], $0x2700  }
0x3c: {  	s21 =	sand.u32 $0x1, s31;
	[sflag:s18] =	ssyncset.done $0x0  }
0x3d: {  	s22 =	simm.s32 $0x80;
	p0 =	seq.s32 s21, $0x1;
	[sflag:s18] =	ssyncadd.s32 $0xFFFFD900  }
0x3e: {  	[tilespmem:s15], [sflag:$0x1] =	stream.indirect.gather [hbm4b:s3+s22], $0x80, s31, s22, $0xb8;
	[tilespmem:$0x1FA80] =	vst v63  }
0x3f: {  	s25 =	simm.s32 @p0 $0x2;
	p0 =	por p0, p0;
	[bflag:$0x0] =	sbarrier.arrive $0xFFFF  }
0x40: {  	s26 =	simm.s32 $0x1;
	s23 =	simm.s32 $0x2;
	_ =	swait.ge @p0 [sflag:s25], $0x4000  }
0x41: {  	s26 =	sand.u32 $0x1, s26;
	s24 =	simm.s32 @!p0 $0x1;
	[sflag:s25] =	ssyncset.done @p0 $0x0  }
0x42: {  	s28 =	simm.s32 @p0 $0x3A80;
	[sflag:s25] =	ssyncadd.s32 @p0 $0xFFFFC000;
	s25 =	simm.s32 @p0 $0x80  }
0x43: {  	[tilespmem:s28], [sflag:$0x1] =	stream.indirect.gather @p0 [hbm4b:s3+s25], $0x80, s22, s25, $0xb8;
	[tilespmem:$0x1FA80] =	vst v63  }
0x44: {  	s21 =	simm.s32 $0x100;
	p1 =	seq.s32 s26, $0x1;
	_ =	swait.ge @!p0 [sflag:s24], $0x4000  }
0x45: {  	s26 =	simm.s32 @!p0 $0x80;
	s25 =	simm.s32 @!p0 $0x7A80;
	[sflag:s24] =	ssyncset.done @!p0 $0x0  }
.LBB2_4:
0x46: {  	s28 =	simm.s32 @p1 $0x2;
	[sflag:s24] =	ssyncadd.s32 @!p0 $0xFFFFC000  }
0x47: {  	s29 =	smov.u32 s23;
	s23 =	sadd.s32 $0x1, s23;
	s24 =	smov.u32 s22  }
0x48: {  	s22 =	smov.u32 s21;
	p2 =	por p0, p0;
	p0 =	por p1, p1  }
0x49: {  	[tilespmem:s25], [sflag:$0x2] =	stream.indirect.gather @!p2 [hbm4b:s3+s26], $0x80, s24, s26, $0xb8;
	[tilespmem:$0x1FA80] =	vst v63  }
0x4a: {  	s21 =	sadd.s32 $0x80, s21;
	p2 =	sne.s32 s23, $0x26;
	_ =	swait.ge @p0 [sflag:s28], $0x4000  }
.Ltmp1:
0x4b: {  	s24 =	simm.s32 @!p0 $0x1;
	[sflag:s28] =	ssyncset.done @p0 $0x0;
	(pc) =	sbr.rel @p2 .LBB2_4-.Ltmp1, $4  }
0x4c: {  	s25 =	simm.s32 @p0 $0x80;
	s26 =	simm.s32 @p0 $0x3A80;
	[sflag:s28] =	ssyncadd.s32 @p0 $0xFFFFC000  }
0x4d: {  	[tilespmem:s26], [sflag:$0x1] =	stream.indirect.gather @p0 [hbm4b:s3+s25], $0x80, s22, s25, $0xb8;
	[tilespmem:$0x1FA80] =	vst v63  }
0x4e: {  	s26 =	sand.u32 $0x1, s29;
	s25 =	simm.s32 @!p0 $0x7A80;
	_ =	swait.ge @!p0 [sflag:s24], $0x4000  }
0x4f: {  	p1 =	seq.s32 s26, $0x1;
	s26 =	simm.s32 @!p0 $0x80;
	[sflag:s24] =	ssyncset.done @!p0 $0x0  }
0x50: {  	s23 =	simm.s32 @p1 $0x2  }
0x51: {  	[sflag:s24] =	ssyncadd.s32 @!p0 $0xFFFFC000;
	p0 =	por p0, p0;
	p1 =	por p1, p1  }
0x52: {  	[tilespmem:s25], [sflag:$0x2] =	stream.indirect.gather @!p0 [hbm4b:s3+s26], $0x80, s22, s26, $0xb8;
	[tilespmem:$0x1FA80] =	vst v63  }
0x53: {  	_ =	swait.ge @p1 [sflag:s23], $0x4000  }
0x54: {  	s22 =	simm.s32 @!p1 $0x1;
	[sflag:s23] =	ssyncset.done @p1 $0x0  }
0x55: {  	s24 =	simm.s32 @p1 $0x3A80;
	[sflag:s23] =	ssyncadd.s32 @p1 $0xFFFFC000;
	s23 =	simm.s32 @p1 $0x80  }
0x56: {  	[tilespmem:s24], [sflag:$0x1] =	stream.indirect.gather @p1 [hbm4b:s3+s23], $0x80, s21, s23, $0xb8;
	[tilespmem:$0x1FA80] =	vst v63  }
0x57: {  	_ =	swait.ge @!p1 [sflag:s22], $0x4000  }
0x58: {  	p0 =	por p1, p1;
	[sflag:s22] =	ssyncset.done @!p1 $0x0  }
0x59: {  	s23 =	simm.s32 @!p1 $0x7A80;
	s24 =	simm.s32 @!p1 $0x80;
	[sflag:s22] =	ssyncadd.s32 @!p1 $0xFFFFC000  }
0x5a: {  	[tilespmem:s23], [sflag:$0x2] =	stream.indirect.gather @!p0 [hbm4b:s3+s24], $0x80, s21, s24, $0xb8;
	[tilespmem:$0x1FA80] =	vst v63  }
0x5b: {  	_ =	swait.ge [sflag:s19], $0x4000  }
0x5c: {  	[sflag:s19] =	ssyncset.done $0x0  }
0x5d: {  	s30 =	simm.s32 $0x0;
	[sflag:s19] =	ssyncadd.s32 $0xFFFFC000  }
0x5e: {  	[tilespmem:s30], [sflag:$0x4] =	stream.linear.gather [hbm4b:s11+s30], $0x1380, $0x38;
	[tilespmem:$0x1FA80] =	vst v63  }
0x5f: {  	s31 =	simm.s32 $0x1;
	s21 =	sand.u32 $0x1, s30;
	_ =	swait.ge [sflag:s16], $0x1380  }
0x60: {  	s22 =	simm.s32 $0x80;
	p0 =	seq.s32 s21, $0x1;
	[sflag:s16] =	ssyncset.done $0x0  }
0x61: {  	s25 =	simm.s32 @p0 $0x2;
	p0 =	por p0, p0;
	[sflag:s16] =	ssyncadd.s32 $0xFFFFEC80  }
0x62: {  	[tilespmem:s15], [sflag:$0x1] =	stream.indirect.gather [hbm4b:s3+s22], $0x80, s30, s22, $0xb8;
	[tilespmem:$0x1FA80] =	vst v63  }
0x63: {  	s26 =	sand.u32 $0x1, s31;
	_ =	swait.ge @p0 [sflag:s25], $0x4000  }
0x64: {  	p1 =	seq.s32 s26, $0x1;
	s24 =	simm.s32 @!p0 $0x1;
	[sflag:s25] =	ssyncset.done @p0 $0x0  }
0x65: {  	s28 =	simm.s32 @p0 $0x3A80;
	[sflag:s25] =	ssyncadd.s32 @p0 $0xFFFFC000;
	s25 =	simm.s32 @p0 $0x80  }
0x66: {  	[tilespmem:s28], [sflag:$0x1] =	stream.indirect.gather @p0 [hbm4b:s3+s25], $0x80, s22, s25, $0xb8;
	[tilespmem:$0x1FA80] =	vst v63  }
0x67: {  	s23 =	simm.s32 $0x2;
	s21 =	simm.s32 $0x100;
	_ =	swait.ge @!p0 [sflag:s24], $0x4000  }
0x68: {  	s26 =	simm.s32 @!p0 $0x80;
	s25 =	simm.s32 @!p0 $0x7A80;
	[sflag:s24] =	ssyncset.done @!p0 $0x0  }
.LBB2_6:
0x69: {  	s28 =	simm.s32 @p1 $0x2;
	[sflag:s24] =	ssyncadd.s32 @!p0 $0xFFFFC000  }
0x6a: {  	s29 =	smov.u32 s23;
	s23 =	sadd.s32 $0x1, s23;
	s24 =	smov.u32 s22  }
0x6b: {  	s22 =	smov.u32 s21;
	p2 =	por p0, p0;
	p0 =	por p1, p1  }
0x6c: {  	[tilespmem:s25], [sflag:$0x2] =	stream.indirect.gather @!p2 [hbm4b:s3+s26], $0x80, s24, s26, $0xb8;
	[tilespmem:$0x1FA80] =	vst v63  }
0x6d: {  	s21 =	sadd.s32 $0x80, s21;
	p2 =	sne.s32 s23, $0x26;
	_ =	swait.ge @p0 [sflag:s28], $0x4000  }
.Ltmp2:
0x6e: {  	s24 =	simm.s32 @!p0 $0x1;
	[sflag:s28] =	ssyncset.done @p0 $0x0;
	(pc) =	sbr.rel @p2 .LBB2_6-.Ltmp2, $4  }
0x6f: {  	s25 =	simm.s32 @p0 $0x80;
	s26 =	simm.s32 @p0 $0x3A80;
	[sflag:s28] =	ssyncadd.s32 @p0 $0xFFFFC000  }
0x70: {  	[tilespmem:s26], [sflag:$0x1] =	stream.indirect.gather @p0 [hbm4b:s3+s25], $0x80, s22, s25, $0xb8;
	[tilespmem:$0x1FA80] =	vst v63  }
0x71: {  	s26 =	sand.u32 $0x1, s29;
	s25 =	simm.s32 @!p0 $0x7A80;
	_ =	swait.ge @!p0 [sflag:s24], $0x4000  }
0x72: {  	p1 =	seq.s32 s26, $0x1;
	s26 =	simm.s32 @!p0 $0x80;
	[sflag:s24] =	ssyncset.done @!p0 $0x0  }
0x73: {  	s23 =	simm.s32 @p1 $0x2  }
0x74: {  	[sflag:s24] =	ssyncadd.s32 @!p0 $0xFFFFC000;
	p0 =	por p0, p0;
	p1 =	por p1, p1  }
0x75: {  	[tilespmem:s25], [sflag:$0x2] =	stream.indirect.gather @!p0 [hbm4b:s3+s26], $0x80, s22, s26, $0xb8;
	[tilespmem:$0x1FA80] =	vst v63  }
0x76: {  	_ =	swait.ge @p1 [sflag:s23], $0x4000  }
0x77: {  	s22 =	simm.s32 @!p1 $0x1;
	[sflag:s23] =	ssyncset.done @p1 $0x0  }
0x78: {  	s24 =	simm.s32 @p1 $0x3A80;
	[sflag:s23] =	ssyncadd.s32 @p1 $0xFFFFC000;
	s23 =	simm.s32 @p1 $0x80  }
0x79: {  	[tilespmem:s24], [sflag:$0x1] =	stream.indirect.gather @p1 [hbm4b:s3+s23], $0x80, s21, s23, $0xb8;
	[tilespmem:$0x1FA80] =	vst v63  }
0x7a: {  	_ =	swait.ge @!p1 [sflag:s22], $0x4000  }
0x7b: {  	p0 =	por p1, p1;
	[sflag:s22] =	ssyncset.done @!p1 $0x0  }
0x7c: {  	s23 =	simm.s32 @!p1 $0x7A80;
	s24 =	simm.s32 @!p1 $0x80;
	[sflag:s22] =	ssyncadd.s32 @!p1 $0xFFFFC000  }
0x7d: {  	[tilespmem:s23], [sflag:$0x2] =	stream.indirect.gather @!p0 [hbm4b:s3+s24], $0x80, s21, s24, $0xb8;
	[tilespmem:$0x1FA80] =	vst v63  }
0x7e: {  	_ =	swait.ge [sflag:s19], $0x4000  }
0x7f: {  	s30 =	sshll.u32 s0, $0x6;
	s20 =	sadd.s32 $0x1, s20;
	[sflag:s19] =	ssyncset.done $0x0  }
0x80: {  	s31 =	sshrl.u32 s6, $0x3;
	p0 =	sne.s32 s20, s13;
	[sflag:s19] =	ssyncadd.s32 $0xFFFFC000  }
.Ltmp3:
0x81: {  	s21 =	sor.u32 $0x1C04, s30;
	[bflag:$0x0] =	sbarrier.arrive $0xFFFF;
	(pc) =	sbr.rel @p0 .LBB2_1-.Ltmp3, $4  }
0x82: {  	[hbm:s12], [sflag:s21] =	dma.local [spmem:s31], $0x2800  }
0x83: {  	_ =	swait.ge [sflag:s16], $0x2800  }
0x84: {  	[sflag:s16] =	ssyncset.done $0x0  }
0x85: {  	[sflag:s16] =	ssyncadd.s32 $0xFFFFD800  }
0x86: {  	_ =	sfence.sel $0x180000  }
0x87: {  	[bflag:$0x0] =	sbarrier.arrive $0xFFFF  }
0x88: {  	p0 =	sne.s32 s0, $0x0;
	_ =	strace $0x9000004A  }
0x89: {  	s0 =	sadd.s32 @!p0 $0x100000, s1;
	[bflag:$0x2] =	sbarrier.arrive $0xFFFF  }
0x8a: {  	[sflag:s0] =	ssyncadd.tile.s32 @!p0 $0x1;
	_ =	shalt  }
.Lfunc_end2:
_tile_overlayer_lowered:
.L_overlay_start_2:
0x8b: {  	(tag) =	ssettag $0x2  }
0x8c: {  	s0 =	rddreg [dreg:$0x0];
	s2 =	stileid.u32  }
0x8d: {  	s1 =	rddreg [dreg:$0x1];
	p0 =	sne.s32 s2, $0x0  }
0x8e: {  	s3 =	rddreg [dreg:$0x2];
	[bflag:$0x3] =	sbarrier.arrive $0xFFFF;
	s2 =	simm.s32 @!p0 $0x1C04  }
0x8f: {  	[timem:s3], [sflag:s2] =	dma.local @!p0 [hbm:s0], s1  }
0x90: {  	s0 =	simm.s32 @!p0 $0x4  }
0x91: {  	_ =	swait.ge @!p0 [sflag:s0], s1  }
0x92: {  	s1 =	ssub.s32 @!p0 $0x0, s1;
	[sflag:s0] =	ssyncset.done @!p0 $0x0  }
0x93: {  	[sflag:s0] =	ssyncadd.s32 @!p0 s1  }
0x94: {  	[bflag:$0x3] =	sbarrier.arrive $0xFFFF  }
0x95: {  	_ =	shalt  }

// kernel: kernel.16.cloned.1.call-start
scs
__scs_entry_jumppad:
0x0: {  	(pc) =	sbr.rel $0x88, $3  }
0x1: {  	(tag) =	ssettag $0x0;
	lr =	simm.s32 $0x1  }
0x2: {  	[smem:$0x3F97] =	sst lr;
	_ =	strace $0xD0000000  }
0x3: {  	_ = 	snop  }
0x4: {  	_ = 	snop  }
0x5: {  	_ = 	snop  }
0x6: {  	_ = 	snop  }
0x7: {  	_ = 	snop  }
__scs_overlays_trampoline_lowered:
0x8: {  	[smem:$0x3FA6] =	sst s0  }
0x9: {  	[smem:$0x3FA7] =	sst s1  }
0xa: {  	[smem:$0x3FA8] =	sst s2  }
0xb: {  	[smem:$0x3FA9] =	sst s3  }
0xc: {  	[smem:$0x3FAA] =	sst s4  }
0xd: {  	[smem:$0x3FAB] =	sst s5  }
0xe: {  	[smem:$0x3FAC] =	sst s6  }
0xf: {  	[smem:$0x3FAD] =	sst s7  }
0x10: {  	[smem:$0x3FAE] =	sst s8  }
0x11: {  	[smem:$0x3FAF] =	sst s9;
	s0 =	simm.s32 @!p0 $0x0  }
0x12: {  	s1 =	sld [smem:$0x3F95];
	s0 =	simm.s32 @p0 $0x1  }
0x13: {  	[smem:$0x3FB0] =	sst s0;
	s0 =	simm.s32 @!p1 $0x0  }
0x14: {  	s2 =	sld [smem:$0x3F94];
	s0 =	simm.s32 @p1 $0x1  }
0x15: {  	[smem:$0x3FB1] =	sst s0;
	s0 =	simm.s32 @!p2 $0x0  }
0x16: {  	s3 =	sld [smem:$0x3FDB];
	s0 =	simm.s32 @p2 $0x1  }
0x17: {  	s4 =	simm.s32 $0x1BF5;
	[smem:$0x3FB3] =	sst s0  }
0x18: {  	s0 =	sld [smem:$0x3F96];
	_ =	swait.ge [sflag:s4], $0x0  }
0x19: {  	s7 =	sld [smem:$0x3F97]  }
0x1a: {  	s8 =	sadd.s32 $0xFFFFE003, lr  }
0x1b: {  	s9 =	sadd.s32 $0xFFFFFEF7, lr;
	s5 =	simm.s32 $0xFFFFFFFF;
	p2 =	slt.u32 s8, $0xFFFFF086  }
0x1c: {  	p1 =	slt.u32 s9, $0xF7A;
	s5 =	simm.s32 @!p2 $0x0  }
0x1d: {  	s5 =	simm.s32 @p1 $0x1;
	p0 =	seq.s32 s7, s2  }
0x1e: {  	s7 =	smul.u32 @!p0 $0xF7A, s2;
	p2 =	seq.s32 @!p0 s5, $0x0  }
0x1f: {  	s9 =	smul.u32 $0xF7A, s1;
	s8 =	simm.s32 @!p0 $0x1BF5;
	p2 =	por !p2, p0  }
0x20: {  	[sflag:s8] =	ssyncset.s32 @!p0 $0xFFFFF086;
	s6 =	sadd.s32 @!p0 s3, s7;
	s7 =	simm.s32 @!p0 $0x108  }
0x21: {  	s3 =	sadd.s32 s3, s9;
	s6 =	sadd.s32 @!p0 $0x88, s6;
	s7 =	simm.s32 @p2 $0x1082  }
0x22: {  	[simem:s7], [sflag:s8] =	dma.local @!p0 [hbm:s6], $0xF7A  }
0x23: {  	s9 =	sor.u32 $0xD0000000, s2;
	s6 =	simm.s32 $0x108;
	_ =	swait.ge @!p0 [sflag:s8], $0x0  }
0x24: {  	s3 =	sadd.s32 $0x88, s3;
	s6 =	simm.s32 @!p1 $0x1082;
	[sflag:s4] =	ssyncset.s32 $0xFFFFF086  }
0x25: {  	[simem:s6], [sflag:s4] =	dma.local [hbm:s3], $0xF7A  }
0x26: {  	[smem:$0x3F97] =	sst s1;
	(tag) =	ssettag s2;
	_ =	strace s9  }
0x27: {  	s1 =	sld [smem:$0x3FA7]  }
0x28: {  	s2 =	sld [smem:$0x3FA8]  }
0x29: {  	s4 =	sld [smem:$0x3FAA]  }
0x2a: {  	p0 =	seq.s32 s5, $0x0;
	s5 =	sld [smem:$0x3FAB]  }
0x2b: {  	s6 =	sld [smem:$0x3FAC]  }
0x2c: {  	s7 =	sld [smem:$0x3FAD]  }
0x2d: {  	s3 =	simm.s32 $0x108;
	s8 =	sld [smem:$0x3FAE]  }
0x2e: {  	s3 =	simm.s32 @!p0 $0x1082;
	s9 =	sld [smem:$0x3FAF]  }
0x2f: {  	lr =	sadd.s32 s0, s3;
	s0 =	sld [smem:$0x3FA6]  }
0x30: {  	s3 =	sld [smem:$0x3FA9]  }
0x31: {  	[smem:$0x3FB2] =	sst s10  }
0x32: {  	s10 =	sld [smem:$0x3FB0];
	_ =	sdelay $0x3  }
0x33: {  	p0 =	seq.s32 s10, $0x1;
	s10 =	sld [smem:$0x3FB2];
	_ =	sdelay $0x3  }
0x34: {  	[smem:$0x3FB2] =	sst s10  }
0x35: {  	s10 =	sld [smem:$0x3FB1];
	_ =	sdelay $0x3  }
0x36: {  	p1 =	seq.s32 s10, $0x1;
	s10 =	sld [smem:$0x3FB2];
	_ =	sdelay $0x3  }
0x37: {  	[smem:$0x3FB2] =	sst s10  }
0x38: {  	s10 =	sld [smem:$0x3FB3]  }
0x39: {  	_ = 	snop;
	(pc) =	sbr.ind lr, $3  }
0x3a: {  	_ = 	snop  }
0x3b: {  	_ = 	snop  }
0x3c: {  	p2 =	seq.s32 s10, $0x1;
	s10 =	sld [smem:$0x3FB2]  }
0x3d: {  	_ =	shalt  }
0x3e: {  	_ =	shalt  }
0x3f: {  	_ =	shalt  }
0x40: {  	_ =	shalt  }
0x41: {  	_ =	shalt  }
0x42: {  	_ =	shalt  }
0x43: {  	_ =	shalt  }
0x44: {  	_ =	shalt  }
0x45: {  	_ =	shalt  }
0x46: {  	_ =	shalt  }
0x47: {  	_ =	shalt  }
0x48: {  	_ =	shalt  }
0x49: {  	_ =	shalt  }
0x4a: {  	_ =	shalt  }
0x4b: {  	_ =	shalt  }
0x4c: {  	_ =	shalt  }
0x4d: {  	_ =	shalt  }
0x4e: {  	_ =	shalt  }
0x4f: {  	_ =	shalt  }
0x50: {  	_ =	shalt  }
0x51: {  	_ =	shalt  }
0x52: {  	_ =	shalt  }
0x53: {  	_ =	shalt  }
0x54: {  	_ =	shalt  }
0x55: {  	_ =	shalt  }
0x56: {  	_ =	shalt  }
0x57: {  	_ =	shalt  }
0x58: {  	_ =	shalt  }
0x59: {  	_ =	shalt  }
0x5a: {  	_ =	shalt  }
0x5b: {  	_ =	shalt  }
0x5c: {  	_ =	shalt  }
0x5d: {  	_ =	shalt  }
0x5e: {  	_ =	shalt  }
0x5f: {  	_ =	shalt  }
0x60: {  	_ =	shalt  }
0x61: {  	_ =	shalt  }
0x62: {  	_ =	shalt  }
0x63: {  	_ =	shalt  }
0x64: {  	_ =	shalt  }
0x65: {  	_ =	shalt  }
0x66: {  	_ =	shalt  }
0x67: {  	_ =	shalt  }
0x68: {  	_ =	shalt  }
0x69: {  	_ =	shalt  }
0x6a: {  	_ =	shalt  }
0x6b: {  	_ =	shalt  }
0x6c: {  	_ =	shalt  }
0x6d: {  	_ =	shalt  }
0x6e: {  	_ =	shalt  }
0x6f: {  	_ =	shalt  }
0x70: {  	_ =	shalt  }
0x71: {  	_ =	shalt  }
0x72: {  	_ =	shalt  }
0x73: {  	_ =	shalt  }
0x74: {  	_ =	shalt  }
0x75: {  	_ =	shalt  }
0x76: {  	_ =	shalt  }
0x77: {  	_ =	shalt  }
0x78: {  	_ =	shalt  }
0x79: {  	_ =	shalt  }
0x7a: {  	_ =	shalt  }
0x7b: {  	_ =	shalt  }
0x7c: {  	_ =	shalt  }
0x7d: {  	_ =	shalt  }
0x7e: {  	_ =	shalt  }
0x7f: {  	_ =	shalt  }
0x80: {  	_ =	shalt  }
0x81: {  	_ =	shalt  }
0x82: {  	_ =	shalt  }
0x83: {  	_ =	shalt  }
0x84: {  	_ =	shalt  }
0x85: {  	_ =	shalt  }
0x86: {  	_ =	shalt  }
0x87: {  	_ =	shalt  }
.Lfunc_end0:
.L_simem_size_0:
called_computation.2_lowered:
.L_overlay_start_0:
0x88: {  	s2 =	sld [smem:$0x3FD9]  }
0x89: {  	s3 =	sld [smem:$0x3FFE];
	_ =	sdelay $0x1  }
0x8a: {  	s1 =	srdreg.scid  }
0x8b: {  	s0 =	sand.u32 $0x1, s1  }
0x8c: {  	s16 =	sshll.u32 s0, $0xA;
	s2 =	sadd.s32 s3, s2  }
0x8d: {  	s2 =	sadd.s32 s2, s16  }
0x8e: {  	[smem:$0x3FBE] =	sst s2  }
0x8f: {  	_ = 	snop  }
0x90: {  	(tm) =	ssettm $0x1  }
0x91: {  	s17 =	sld [smem:$0x3FFB];
	_ =	sdelay $0x3  }
0x92: {  	_ =	strace s17  }
0x93: {  	s2 =	sld [smem:$0x3FFC];
	_ =	sdelay $0x3  }
0x94: {  	_ =	strace s2  }
0x95: {  	s2 =	sld [smem:$0x3FFD];
	_ =	sdelay $0x3  }
0x96: {  	_ =	strace s2  }
0x97: {  	_ =	strace $0x8FFFFFFF  }
0x98: {  	s18 =	sld [smem:$0x3FDB];
	_ =	sdelay $0x1  }
0x99: {  	s19 =	simm.s32 $_scs_section_size  }
0x9a: {  	s4 =	simm.s32 $_size__tile_overlayer_lowered;
	s5 =	simm.s32 $_tile_overlayer_lowered  }
0x9b: {  	s22 =	simm.s32 $0x1BFF;
	s21 =	sshll.u32 s5, $0x1;
	s2 =	sadd.s32 s19, s18  }
0x9c: {  	s6 =	simm.s32 $0x0;
	s20 =	sshll.u32 s4, $0x1;
	s4 =	sadd.s32 s21, s2  }
0x9d: {  	[timem:s6], [sflag:s22] =	dma.local [hbm:s4], s20  }
0x9e: {  	_ =	swait.ge [sflag:s22], s20  }
0x9f: {  	s3 =	ssub.s32 $0x0, s20;
	[sflag:s22] =	ssyncset.done $0x0  }
0xa0: {  	[sflag:s22] =	ssyncadd.s32 s3;
	_ =	sdelay $0x1  }
0xa1: {  	s23 =	simm.s32 $0x1B8B  }
0xa2: {  	_ =	swait.ge [sflag:s23], $0x1  }
0xa3: {  	[sflag:s23] =	ssyncset.done $0x0  }
0xa4: {  	s25 =	simm.s32 $0x1B8E;
	s24 =	sld [smem:$0x3FFE];
	[sflag:s23] =	ssyncadd.s32 $0xFFFFFFFF  }
0xa5: {  	s26 =	simm.s32 $execute0_lowered;
	[smem:$0x3FD2] =	sst s25  }
0xa6: {  	s4 =	sshll.u32 s26, $0x1;
	_ =	strace $0x8000004C;
	[dreg:$0x1] =	wrdreg $0xFFFFFFFF  }
0xa7: {  	s28 =	simm.s32 $_size_execute0_lowered;
	s2 =	sadd.s32 s2, s4;
	[dreg:$0x0] =	wrdreg $0x0  }
0xa8: {  	s4 =	sshll.u32 s28, $0x1;
	[dreg:$0x2] =	wrdreg s2  }
0xa9: {  	[dreg:$0x3] =	wrdreg s4  }
0xaa: {  	[dreg:$0x4] =	wrdreg $0xC0  }
0xab: {  	_ =	task [dreg:s6], $0x5FFFF  }
0xac: {  	[dreg:$0x1] =	wrdreg $0xFFFFFFFF  }
0xad: {  	[dreg:$0x0] =	wrdreg $0x60  }
0xae: {  	[dreg:$0x2] =	wrdreg s24  }
0xaf: {  	[dreg:$0x3] =	wrdreg $0x7A800  }
0xb0: {  	[dreg:$0x4] =	wrdreg $0x9  }
0xb1: {  	_ =	task.clear_ibuf [dreg:s6], $0x5FFFF;
	_ =	strace $0x9000004C  }
0xb2: {  	s29 =	simm.s32 $0x9;
	_ =	strace $0x8000004E  }
0xb3: {  	_ =	swait.ge [sflag:s29], $0x1  }
0xb4: {  	[sflag:s29] =	ssyncadd.s32 $0xFFFFFFFF  }
0xb5: {  	_ =	strace $0x9000004E  }
0xb6: {  	_ =	sfence  }
0xb7: {  	s30 =	sld [smem:$0x0];
	_ =	sdelay $0x2  }
0xb8: {  	s31 =	sshll.u32 s1, $0xD;
	s1 =	sshrl.u32 s1, $0x2  }
0xb9: {  	s3 =	sand.u32 $0x4000, s31;
	s1 =	sadd.s32 s1, s30  }
0xba: {  	s0 =	sor.u32 s3, s0;
	s1 =	sshll.u32 s1, $0x11  }
0xbb: {  	s0 =	sor.u32 s1, s0  }
0xbc: {  	s0 =	sadd.s32 $0x8F2B, s0  }
0xbd: {  	[sflag:s0] =	ssyncadd.remote.s32 $0x1  }
0xbe: {  	_ =	sfence.sel $0xFFFF  }
0xbf: {  	[dreg:$0x0] =	wrdreg $0xFFFFFFFF;
	(pc) =	sbr.abs _section_cstart, $3  }
0xc0: {  	[dreg:$0x1] =	wrdreg $0xFFFFFFFF  }
0xc1: {  	_ =	task.clear_ibuf [dreg:s6], $0x2FFFF;
	_ =	strace $0x9FFFFFFF  }
0xc2: {  	(tm) =	ssettm $0x7FFFFFFF  }
0xc3: {  	_ =	shalt  }
tec
execute0_lowered:
.L_overlay_start_1:
0x0: {  	(tag) =	ssettag $0x1  }
0x1: {  	s4 =	rddreg [dreg:$0x0];
	s0 =	srdreg.scid  }
0x2: {  	s2 =	rddreg [dreg:$0x1];
	s1 =	stileid.u32  }
0x3: {  	s3 =	simm.s32 $0x0;
	s13 =	simm.s32 $0x1380;
	s14 =	simm.s32 $0x3A80  }
0x4: {  	s15 =	simm.s32 $0x3;
	s16 =	simm.s32 $0x2;
	s17 =	simm.s32 $0x1  }
0x5: {  	s18 =	simm.s32 $0x80;
	s5 =	sand.u32 $0x1, s0;
	s0 =	rddreg [dreg:$0x2]  }
0x6: {  	s21 =	simm.s32 $0x0;
	s7 =	smul.u32 $0x14000, s1;
	[smem:$0x7FF] =	sst s3  }
0x7: {  	s9 =	smul.u32 $0x50000, s1;
	s19 =	sshll.u32 s1, $0x6;
	s6 =	sshll.u32 s5, $0x4  }
0x8: {  	s8 =	smul.u32 $0x140000, s5;
	_ =	strace $0x8000004D;
	s5 =	ssub.s32 $0x2, s5  }
0x9: {  	s19 =	sor.u32 $0x1C03, s19;
	s6 =	sor.u32 s1, s6;
	s30 =	sshrl.u32 s5, $0x1  }
0xa: {  	s31 =	sshrl.u32 s9, $0x2;
	s6 =	smul.u32 $0x4E0, s6;
	s8 =	sadd.s32 s7, s8  }
0xb: {  	s12 =	ssub.s32 s5, s30;
	s10 =	sadd.s32 s31, s2;
	s8 =	sshrl.u32 s8, $0x3  }
0xc: {  	s9 =	sadd.s32 $0xC000, s10;
	s12 =	smax.u32 s12, $0x1;
	s6 =	sadd.s32 s6, s4  }
0xd: {  	s11 =	sadd.s32 s8, s4;
	s8 =	sadd.s32 $0x8000, s10;
	s4 =	sadd.s32 $0x3600, s6  }
0xe: {  	s5 =	sadd.s32 $0xD400, s6;
	s6 =	sadd.s32 s7, s2;
	s7 =	sadd.s32 $0x4000, s10  }
0xf: {  	v0 =	vimm.f32 $0.0e+00;
	s10 =	sadd.s32 $0x10000, s10;
	s11 =	sadd.s32 $0x8C800, s11;
	s20 =	sshrl.u32 s6, $0x3  }
.LBB2_1:
0x10: {  	[tilespmem:s3], [sflag:$0x2] =	stream.linear.gather [hbm4b:s4+s3], $0x1380, $0x38;
	[tilespmem:$0x1BA80] =	vst v63  }
0x11: {  	s22 =	simm.s32 $0x0;
	s23 =	simm.s32 $0x200  }
0x12: {  	[tilespmem:s13], [sflag:$0x1] =	stream.linear.gather [hbm4b:s5+s3], $0x2700, $0x38;
	[tilespmem:$0x1BA80] =	vst v63  }
.LBB2_2:
0x13: {  	p0 =	sne.s32 s23, $0xFE00;
	[tilespmem:s22+$0x3AF0] =	vst v0  }
0x14: {  	[tilespmem:s22+$0x3A80] =	vst v0  }
0x15: {  	[tilespmem:s22+$0x3A90] =	vst v0  }
.Ltmp0:
0x16: {  	[tilespmem:s22+$0x3AA0] =	vst v0;
	(pc) =	sbr.rel @p0 .LBB2_2-.Ltmp0, $4  }
0x17: {  	[tilespmem:s22+$0x3AB0] =	vst v0  }
0x18: {  	[tilespmem:s22+$0x3AC0] =	vst v0  }
0x19: {  	[tilespmem:s22+$0x3AD0] =	vst v0  }
0x1a: {  	[tilespmem:s22+$0x3AE0] =	vst v0;
	s22 =	sshra.s32 s23, $0x2;
	s23 =	sadd.s32 $0x200, s23  }
0x1b: {  	[tilespmem:s22+$0x3AF0] =	vst v0  }
0x1c: {  	[tilespmem:s22+$0x3A80] =	vst v0  }
0x1d: {  	[tilespmem:s22+$0x3A90] =	vst v0  }
0x1e: {  	[tilespmem:s22+$0x3AA0] =	vst v0  }
0x1f: {  	[tilespmem:s22+$0x3AB0] =	vst v0  }
0x20: {  	[tilespmem:s22+$0x3AC0] =	vst v0  }
0x21: {  	[tilespmem:s22+$0x3AD0] =	vst v0  }
0x22: {  	[tilespmem:s22+$0x3AE0] =	vst v0  }
0x23: {  	[spmem:s6] =	stream.linear.scatter [tilespmem:s14], [sflag:$0x3], $0x4000, $0x38;
	[tilespmem:$0x1BA80] =	vst v63  }
0x24: {  	_ =	swait.ge [sflag:s15], $0x4000  }
0x25: {  	[sflag:s15] =	ssyncset.done $0x0  }
0x26: {  	[sflag:s15] =	ssyncadd.s32 $0xFFFFC000  }
0x27: {  	[spmem:s7] =	stream.linear.scatter [tilespmem:s14], [sflag:$0x3], $0x4000, $0x38;
	[tilespmem:$0x1BA80] =	vst v63  }
0x28: {  	_ =	swait.ge [sflag:s15], $0x4000  }
0x29: {  	[sflag:s15] =	ssyncset.done $0x0  }
0x2a: {  	[sflag:s15] =	ssyncadd.s32 $0xFFFFC000  }
0x2b: {  	[spmem:s8] =	stream.linear.scatter [tilespmem:s14], [sflag:$0x3], $0x4000, $0x38;
	[tilespmem:$0x1BA80] =	vst v63  }
0x2c: {  	_ =	swait.ge [sflag:s15], $0x4000  }
0x2d: {  	[sflag:s15] =	ssyncset.done $0x0  }
0x2e: {  	[sflag:s15] =	ssyncadd.s32 $0xFFFFC000  }
0x2f: {  	[spmem:s9] =	stream.linear.scatter [tilespmem:s14], [sflag:$0x3], $0x4000, $0x38;
	[tilespmem:$0x1BA80] =	vst v63  }
0x30: {  	_ =	swait.ge [sflag:s15], $0x4000  }
0x31: {  	[sflag:s15] =	ssyncset.done $0x0  }
0x32: {  	[sflag:s15] =	ssyncadd.s32 $0xFFFFC000  }
0x33: {  	[spmem:s10] =	stream.linear.scatter [tilespmem:s14], [sflag:$0x3], $0x4000, $0x38;
	[tilespmem:$0x1BA80] =	vst v63  }
0x34: {  	_ =	swait.ge [sflag:s15], $0x4000  }
0x35: {  	[sflag:s15] =	ssyncset.done $0x0  }
0x36: {  	[sflag:s15] =	ssyncadd.s32 $0xFFFFC000  }
0x37: {  	_ =	swait.ge [sflag:s16], $0x1380  }
0x38: {  	[sflag:s16] =	ssyncset.done $0x0  }
0x39: {  	[sflag:s16] =	ssyncadd.s32 $0xFFFFEC80  }
0x3a: {  	_ =	swait.ge [sflag:s17], $0x2700  }
0x3b: {  	[sflag:s17] =	ssyncset.done $0x0  }
0x3c: {  	[sflag:s17] =	ssyncadd.s32 $0xFFFFD900  }
0x3d: {  	s31 =	simm.s32 $0x1380;
	[bflag:$0x0] =	sbarrier.arrive $0xFFFF  }
0x3e: {  	[spmem:s2] =	stream.indirect.scatter.add.f32 [tilespmem:s14], [sflag:$0x3], $0x80, s31, s18, $0xb8;
	[tilespmem:$0x1BA80] =	vst v63  }
0x3f: {  	s22 =	simm.s32 $0x200;
	_ =	swait.ge [sflag:s15], $0x4000  }
.LBB2_4:
0x40: {  	s23 =	sshra.s32 s22, $0x2;
	[sflag:s15] =	ssyncset.done $0x0;
	p0 =	sne.s32 s22, $0x4C00  }
.Ltmp1:
0x41: {  	s23 =	sadd.s32 $0x1380, s23;
	[sflag:s15] =	ssyncadd.s32 $0xFFFFC000;
	(pc) =	sbr.rel @p0 .LBB2_4-.Ltmp1, $3  }
0x42: {  	[spmem:s2] =	stream.indirect.scatter.add.f32 [tilespmem:s14], [sflag:$0x3], $0x80, s23, s18, $0xb8;
	[tilespmem:$0x1BA80] =	vst v63  }
0x43: {  	s22 =	sadd.s32 $0x200, s22;
	_ =	sdelay $0x1  }
0x44: {  	_ =	swait.ge [sflag:s15], $0x4000  }
0x45: {  	[sflag:s15] =	ssyncset.done $0x0  }
0x46: {  	s22 =	simm.s32 $0x2700;
	[sflag:s15] =	ssyncadd.s32 $0xFFFFC000  }
0x47: {  	[spmem:s2] =	stream.indirect.scatter.add.f32 [tilespmem:s14], [sflag:$0x3], $0x80, s22, s18, $0xb8;
	[tilespmem:$0x1BA80] =	vst v63  }
0x48: {  	s22 =	simm.s32 $0x200;
	_ =	swait.ge [sflag:s15], $0x4000  }
.LBB2_6:
0x49: {  	s23 =	sshra.s32 s22, $0x2;
	[sflag:s15] =	ssyncset.done $0x0;
	p0 =	sne.s32 s22, $0x4C00  }
.Ltmp2:
0x4a: {  	s23 =	sadd.s32 $0x2700, s23;
	[sflag:s15] =	ssyncadd.s32 $0xFFFFC000;
	(pc) =	sbr.rel @p0 .LBB2_6-.Ltmp2, $3  }
0x4b: {  	[spmem:s2] =	stream.indirect.scatter.add.f32 [tilespmem:s14], [sflag:$0x3], $0x80, s23, s18, $0xb8;
	[tilespmem:$0x1BA80] =	vst v63  }
0x4c: {  	s22 =	sadd.s32 $0x200, s22;
	_ =	sdelay $0x1  }
0x4d: {  	_ =	swait.ge [sflag:s15], $0x4000  }
0x4e: {  	[sflag:s15] =	ssyncset.done $0x0;
	s21 =	sadd.s32 $0x1, s21  }
0x4f: {  	[sflag:s15] =	ssyncadd.s32 $0xFFFFC000;
	p0 =	sne.s32 s21, s12  }
.Ltmp3:
0x50: {  	[bflag:$0x0] =	sbarrier.arrive $0xFFFF;
	(pc) =	sbr.rel @p0 .LBB2_1-.Ltmp3, $4  }
0x51: {  	[hbm:s11], [sflag:s19] =	dma.local [spmem:s20], $0x2800  }
0x52: {  	_ =	swait.ge [sflag:s15], $0x2800  }
0x53: {  	[sflag:s15] =	ssyncset.done $0x0  }
0x54: {  	[sflag:s15] =	ssyncadd.s32 $0xFFFFD800  }
0x55: {  	_ =	sfence.sel $0x180000  }
0x56: {  	[bflag:$0x0] =	sbarrier.arrive $0xFFFF  }
0x57: {  	p0 =	sne.s32 s1, $0x0;
	_ =	strace $0x9000004D  }
0x58: {  	s0 =	sadd.s32 @!p0 $0x100000, s0;
	[bflag:$0x2] =	sbarrier.arrive $0xFFFF  }
0x59: {  	[sflag:s0] =	ssyncadd.tile.s32 @!p0 $0x1;
	_ =	shalt  }
.Lfunc_end2:
_tile_overlayer_lowered:
.L_overlay_start_2:
0x5a: {  	(tag) =	ssettag $0x2  }
0x5b: {  	s0 =	rddreg [dreg:$0x0];
	s2 =	stileid.u32  }
0x5c: {  	s1 =	rddreg [dreg:$0x1];
	p0 =	sne.s32 s2, $0x0  }
0x5d: {  	s3 =	rddreg [dreg:$0x2];
	[bflag:$0x3] =	sbarrier.arrive $0xFFFF;
	s2 =	simm.s32 @!p0 $0x1C03  }
0x5e: {  	[timem:s3], [sflag:s2] =	dma.local @!p0 [hbm:s0], s1  }
0x5f: {  	s0 =	simm.s32 @!p0 $0x3  }
0x60: {  	_ =	swait.ge @!p0 [sflag:s0], s1  }
0x61: {  	s1 =	ssub.s32 @!p0 $0x0, s1;
	[sflag:s0] =	ssyncset.done @!p0 $0x0  }
0x62: {  	[sflag:s0] =	ssyncadd.s32 @!p0 s1  }
0x63: {  	[bflag:$0x3] =	sbarrier.arrive $0xFFFF  }
0x64: {  	_ =	shalt  }

// kernel: kernel.19.cloned.1.call-start
scs
__scs_entry_jumppad:
0x0: {  	(pc) =	sbr.rel $0x88, $3  }
0x1: {  	(tag) =	ssettag $0x0;
	lr =	simm.s32 $0x1  }
0x2: {  	[smem:$0x3F97] =	sst lr;
	_ =	strace $0xD0000000  }
0x3: {  	_ = 	snop  }
0x4: {  	_ = 	snop  }
0x5: {  	_ = 	snop  }
0x6: {  	_ = 	snop  }
0x7: {  	_ = 	snop  }
__scs_overlays_trampoline_lowered:
0x8: {  	[smem:$0x3FA6] =	sst s0  }
0x9: {  	[smem:$0x3FA7] =	sst s1  }
0xa: {  	[smem:$0x3FA8] =	sst s2  }
0xb: {  	[smem:$0x3FA9] =	sst s3  }
0xc: {  	[smem:$0x3FAA] =	sst s4  }
0xd: {  	[smem:$0x3FAB] =	sst s5  }
0xe: {  	[smem:$0x3FAC] =	sst s6  }
0xf: {  	[smem:$0x3FAD] =	sst s7  }
0x10: {  	[smem:$0x3FAE] =	sst s8  }
0x11: {  	[smem:$0x3FAF] =	sst s9;
	s0 =	simm.s32 @!p0 $0x0  }
0x12: {  	s1 =	sld [smem:$0x3F95];
	s0 =	simm.s32 @p0 $0x1  }
0x13: {  	[smem:$0x3FB0] =	sst s0;
	s0 =	simm.s32 @!p1 $0x0  }
0x14: {  	s2 =	sld [smem:$0x3F94];
	s0 =	simm.s32 @p1 $0x1  }
0x15: {  	[smem:$0x3FB1] =	sst s0;
	s0 =	simm.s32 @!p2 $0x0  }
0x16: {  	s3 =	sld [smem:$0x3FDB];
	s0 =	simm.s32 @p2 $0x1  }
0x17: {  	s4 =	simm.s32 $0x1BF5;
	[smem:$0x3FB3] =	sst s0  }
0x18: {  	s0 =	sld [smem:$0x3F96];
	_ =	swait.ge [sflag:s4], $0x0  }
0x19: {  	s7 =	sld [smem:$0x3F97]  }
0x1a: {  	s8 =	sadd.s32 $0xFFFFE003, lr  }
0x1b: {  	s9 =	sadd.s32 $0xFFFFFEF7, lr;
	s5 =	simm.s32 $0xFFFFFFFF;
	p2 =	slt.u32 s8, $0xFFFFF086  }
0x1c: {  	p1 =	slt.u32 s9, $0xF7A;
	s5 =	simm.s32 @!p2 $0x0  }
0x1d: {  	s5 =	simm.s32 @p1 $0x1;
	p0 =	seq.s32 s7, s2  }
0x1e: {  	s7 =	smul.u32 @!p0 $0xF7A, s2;
	p2 =	seq.s32 @!p0 s5, $0x0  }
0x1f: {  	s9 =	smul.u32 $0xF7A, s1;
	s8 =	simm.s32 @!p0 $0x1BF5;
	p2 =	por !p2, p0  }
0x20: {  	[sflag:s8] =	ssyncset.s32 @!p0 $0xFFFFF086;
	s6 =	sadd.s32 @!p0 s3, s7;
	s7 =	simm.s32 @!p0 $0x108  }
0x21: {  	s3 =	sadd.s32 s3, s9;
	s6 =	sadd.s32 @!p0 $0x88, s6;
	s7 =	simm.s32 @p2 $0x1082  }
0x22: {  	[simem:s7], [sflag:s8] =	dma.local @!p0 [hbm:s6], $0xF7A  }
0x23: {  	s9 =	sor.u32 $0xD0000000, s2;
	s6 =	simm.s32 $0x108;
	_ =	swait.ge @!p0 [sflag:s8], $0x0  }
0x24: {  	s3 =	sadd.s32 $0x88, s3;
	s6 =	simm.s32 @!p1 $0x1082;
	[sflag:s4] =	ssyncset.s32 $0xFFFFF086  }
0x25: {  	[simem:s6], [sflag:s4] =	dma.local [hbm:s3], $0xF7A  }
0x26: {  	[smem:$0x3F97] =	sst s1;
	(tag) =	ssettag s2;
	_ =	strace s9  }
0x27: {  	s1 =	sld [smem:$0x3FA7]  }
0x28: {  	s2 =	sld [smem:$0x3FA8]  }
0x29: {  	s4 =	sld [smem:$0x3FAA]  }
0x2a: {  	p0 =	seq.s32 s5, $0x0;
	s5 =	sld [smem:$0x3FAB]  }
0x2b: {  	s6 =	sld [smem:$0x3FAC]  }
0x2c: {  	s7 =	sld [smem:$0x3FAD]  }
0x2d: {  	s3 =	simm.s32 $0x108;
	s8 =	sld [smem:$0x3FAE]  }
0x2e: {  	s3 =	simm.s32 @!p0 $0x1082;
	s9 =	sld [smem:$0x3FAF]  }
0x2f: {  	lr =	sadd.s32 s0, s3;
	s0 =	sld [smem:$0x3FA6]  }
0x30: {  	s3 =	sld [smem:$0x3FA9]  }
0x31: {  	[smem:$0x3FB2] =	sst s10  }
0x32: {  	s10 =	sld [smem:$0x3FB0];
	_ =	sdelay $0x3  }
0x33: {  	p0 =	seq.s32 s10, $0x1;
	s10 =	sld [smem:$0x3FB2];
	_ =	sdelay $0x3  }
0x34: {  	[smem:$0x3FB2] =	sst s10  }
0x35: {  	s10 =	sld [smem:$0x3FB1];
	_ =	sdelay $0x3  }
0x36: {  	p1 =	seq.s32 s10, $0x1;
	s10 =	sld [smem:$0x3FB2];
	_ =	sdelay $0x3  }
0x37: {  	[smem:$0x3FB2] =	sst s10  }
0x38: {  	s10 =	sld [smem:$0x3FB3]  }
0x39: {  	_ = 	snop;
	(pc) =	sbr.ind lr, $3  }
0x3a: {  	_ = 	snop  }
0x3b: {  	_ = 	snop  }
0x3c: {  	p2 =	seq.s32 s10, $0x1;
	s10 =	sld [smem:$0x3FB2]  }
0x3d: {  	_ =	shalt  }
0x3e: {  	_ =	shalt  }
0x3f: {  	_ =	shalt  }
0x40: {  	_ =	shalt  }
0x41: {  	_ =	shalt  }
0x42: {  	_ =	shalt  }
0x43: {  	_ =	shalt  }
0x44: {  	_ =	shalt  }
0x45: {  	_ =	shalt  }
0x46: {  	_ =	shalt  }
0x47: {  	_ =	shalt  }
0x48: {  	_ =	shalt  }
0x49: {  	_ =	shalt  }
0x4a: {  	_ =	shalt  }
0x4b: {  	_ =	shalt  }
0x4c: {  	_ =	shalt  }
0x4d: {  	_ =	shalt  }
0x4e: {  	_ =	shalt  }
0x4f: {  	_ =	shalt  }
0x50: {  	_ =	shalt  }
0x51: {  	_ =	shalt  }
0x52: {  	_ =	shalt  }
0x53: {  	_ =	shalt  }
0x54: {  	_ =	shalt  }
0x55: {  	_ =	shalt  }
0x56: {  	_ =	shalt  }
0x57: {  	_ =	shalt  }
0x58: {  	_ =	shalt  }
0x59: {  	_ =	shalt  }
0x5a: {  	_ =	shalt  }
0x5b: {  	_ =	shalt  }
0x5c: {  	_ =	shalt  }
0x5d: {  	_ =	shalt  }
0x5e: {  	_ =	shalt  }
0x5f: {  	_ =	shalt  }
0x60: {  	_ =	shalt  }
0x61: {  	_ =	shalt  }
0x62: {  	_ =	shalt  }
0x63: {  	_ =	shalt  }
0x64: {  	_ =	shalt  }
0x65: {  	_ =	shalt  }
0x66: {  	_ =	shalt  }
0x67: {  	_ =	shalt  }
0x68: {  	_ =	shalt  }
0x69: {  	_ =	shalt  }
0x6a: {  	_ =	shalt  }
0x6b: {  	_ =	shalt  }
0x6c: {  	_ =	shalt  }
0x6d: {  	_ =	shalt  }
0x6e: {  	_ =	shalt  }
0x6f: {  	_ =	shalt  }
0x70: {  	_ =	shalt  }
0x71: {  	_ =	shalt  }
0x72: {  	_ =	shalt  }
0x73: {  	_ =	shalt  }
0x74: {  	_ =	shalt  }
0x75: {  	_ =	shalt  }
0x76: {  	_ =	shalt  }
0x77: {  	_ =	shalt  }
0x78: {  	_ =	shalt  }
0x79: {  	_ =	shalt  }
0x7a: {  	_ =	shalt  }
0x7b: {  	_ =	shalt  }
0x7c: {  	_ =	shalt  }
0x7d: {  	_ =	shalt  }
0x7e: {  	_ =	shalt  }
0x7f: {  	_ =	shalt  }
0x80: {  	_ =	shalt  }
0x81: {  	_ =	shalt  }
0x82: {  	_ =	shalt  }
0x83: {  	_ =	shalt  }
0x84: {  	_ =	shalt  }
0x85: {  	_ =	shalt  }
0x86: {  	_ =	shalt  }
0x87: {  	_ =	shalt  }
.Lfunc_end0:
.L_simem_size_0:
called_computation.3_lowered:
.L_overlay_start_0:
0x88: {  	s2 =	sld [smem:$0x3FD9]  }
0x89: {  	s3 =	sld [smem:$0x3FFE];
	_ =	sdelay $0x1  }
0x8a: {  	s1 =	srdreg.scid  }
0x8b: {  	s0 =	sand.u32 $0x1, s1  }
0x8c: {  	s14 =	sshll.u32 s0, $0xA;
	s2 =	sadd.s32 s3, s2  }
0x8d: {  	s2 =	sadd.s32 s2, s14  }
0x8e: {  	[smem:$0x3FBE] =	sst s2  }
0x8f: {  	_ = 	snop  }
0x90: {  	s2 =	sld [smem:$0x3FD0];
	_ =	sdelay $0x2  }
0x91: {  	s15 =	simm.s32 $0xA;
	s4 =	simm.s32 $0x10  }
0x92: {  	[smem:s4], [sflag:s15] =	dma.local [hbm:s2], $0x1  }
0x93: {  	_ =	swait.eq [sflag:s15], $0x1  }
0x94: {  	[sflag:s15] =	ssyncset.done $0x0  }
0x95: {  	[sflag:s15] =	ssyncadd.s32 $0xFFFFFFFF  }
0x96: {  	s16 =	sld [smem:$0x11];
	(tm) =	ssettm $0x1  }
0x97: {  	s17 =	sld [smem:$0x3FFB];
	_ =	sdelay $0x3  }
0x98: {  	_ =	strace s17  }
0x99: {  	s3 =	sld [smem:$0x3FFC];
	_ =	sdelay $0x3  }
0x9a: {  	_ =	strace s3  }
0x9b: {  	s3 =	sld [smem:$0x3FFD];
	_ =	sdelay $0x3  }
0x9c: {  	_ =	strace s3  }
0x9d: {  	_ =	strace $0x8FFFFFFF  }
0x9e: {  	s18 =	sld [smem:$0x3FDB];
	_ =	sdelay $0x1  }
0x9f: {  	s19 =	simm.s32 $_scs_section_size  }
0xa0: {  	s5 =	simm.s32 $_size__tile_overlayer_lowered;
	s6 =	simm.s32 $_tile_overlayer_lowered  }
0xa1: {  	s22 =	simm.s32 $0x1BFF;
	s21 =	sshll.u32 s6, $0x1;
	s3 =	sadd.s32 s19, s18  }
0xa2: {  	s7 =	simm.s32 $0x0;
	s20 =	sshll.u32 s5, $0x1;
	s5 =	sadd.s32 s21, s3  }
0xa3: {  	[timem:s7], [sflag:s22] =	dma.local [hbm:s5], s20  }
0xa4: {  	_ =	swait.ge [sflag:s22], s20  }
0xa5: {  	s4 =	ssub.s32 $0x0, s20;
	[sflag:s22] =	ssyncset.done $0x0  }
0xa6: {  	[sflag:s22] =	ssyncadd.s32 s4;
	_ =	sdelay $0x1  }
0xa7: {  	s23 =	simm.s32 $0x1B8B  }
0xa8: {  	_ =	swait.ge [sflag:s23], $0x1  }
0xa9: {  	[sflag:s23] =	ssyncset.done $0x0  }
0xaa: {  	s25 =	simm.s32 $0x1B8E;
	s24 =	sld [smem:$0x3FFE];
	[sflag:s23] =	ssyncadd.s32 $0xFFFFFFFF  }
0xab: {  	s26 =	simm.s32 $execute0_lowered;
	[smem:$0x3FD2] =	sst s25  }
0xac: {  	s5 =	sshll.u32 s26, $0x1;
	_ =	strace $0x8000004F;
	[dreg:$0x1] =	wrdreg $0xFFFFFFFF  }
0xad: {  	s28 =	simm.s32 $_size_execute0_lowered;
	s3 =	sadd.s32 s3, s5;
	[dreg:$0x0] =	wrdreg $0x0  }
0xae: {  	s5 =	sshll.u32 s28, $0x1;
	[dreg:$0x2] =	wrdreg s3  }
0xaf: {  	[dreg:$0x3] =	wrdreg s5  }
0xb0: {  	[dreg:$0x4] =	wrdreg $0xC0  }
0xb1: {  	_ =	task [dreg:s7], $0x5FFFF  }
0xb2: {  	[dreg:$0x1] =	wrdreg $0xFFFFFFFF  }
0xb3: {  	[dreg:$0x0] =	wrdreg $0x60  }
0xb4: {  	[dreg:$0x2] =	wrdreg s24  }
0xb5: {  	[dreg:$0x3] =	wrdreg s16  }
0xb6: {  	[dreg:$0x4] =	wrdreg $0x9  }
0xb7: {  	_ =	task.clear_ibuf [dreg:s7], $0x5FFFF;
	_ =	strace $0x9000004F  }
0xb8: {  	s29 =	simm.s32 $0x9;
	_ =	strace $0x80000051  }
0xb9: {  	_ =	swait.ge [sflag:s29], $0x1  }
0xba: {  	[sflag:s29] =	ssyncadd.s32 $0xFFFFFFFF  }
0xbb: {  	_ =	strace $0x90000051  }
0xbc: {  	_ =	sfence  }
0xbd: {  	s30 =	sld [smem:$0x0];
	_ =	sdelay $0x2  }
0xbe: {  	s31 =	sshll.u32 s1, $0xD;
	s1 =	sshrl.u32 s1, $0x2  }
0xbf: {  	s3 =	sand.u32 $0x4000, s31;
	s1 =	sadd.s32 s1, s30  }
0xc0: {  	s0 =	sor.u32 s3, s0;
	s1 =	sshll.u32 s1, $0x11  }
0xc1: {  	s0 =	sor.u32 s1, s0  }
0xc2: {  	s0 =	sadd.s32 $0x8F2B, s0  }
0xc3: {  	[sflag:s0] =	ssyncadd.remote.s32 $0x1  }
0xc4: {  	_ =	sfence.sel $0xFFFF  }
0xc5: {  	[dreg:$0x0] =	wrdreg $0xFFFFFFFF;
	(pc) =	sbr.abs _section_cstart, $3  }
0xc6: {  	[dreg:$0x1] =	wrdreg $0xFFFFFFFF  }
0xc7: {  	_ =	task.clear_ibuf [dreg:s7], $0x2FFFF;
	_ =	strace $0x9FFFFFFF  }
0xc8: {  	(tm) =	ssettm $0x7FFFFFFF  }
0xc9: {  	_ =	shalt  }
tec
execute0_lowered:
.L_overlay_start_1:
0x0: {  	(tag) =	ssettag $0x1  }
0x1: {  	s5 =	rddreg [dreg:$0x0]  }
0x2: {  	s10 =	rddreg [dreg:$0x1]  }
0x3: {  	s0 =	rddreg [dreg:$0x2]  }
0x4: {  	s1 =	simm.s32 $0x0;
	s2 =	srdreg.scid;
	s15 =	simm.s32 $0xC340  }
0x5: {  	s17 =	simm.s32 $0x13840;
	s18 =	simm.s32 $0x0;
	[smem:$0x7FF] =	sst s1  }
0x6: {  	s6 =	sand.u32 $0x1, s2;
	s3 =	sadd.s32 $0x17200, s5;
	s2 =	stileid.u32  }
0x7: {  	s4 =	sadd.s32 $0x17C00, s5;
	s8 =	sadd.s32 $0x3600, s5;
	s7 =	sshll.u32 s6, $0x4  }
0x8: {  	s11 =	sadd.s32 $0xD400, s5;
	_ =	strace $0x80000050;
	s16 =	sor.u32 s2, s7  }
0x9: {  	s6 =	ssub.s32 $0x2, s6;
	s31 =	sor.u32 $0x9C0, s2;
	s9 =	smul.u32 $0x4E0, s16  }
0xa: {  	s29 =	sshrl.u32 s6, $0x1;
	s13 =	sshll.u32 s31, $0x4;
	s30 =	smul.u32 $0x9C0, s16  }
.Ltmp0:
0xb: {  	s14 =	sshll.u32 s31, $0x5;
	s12 =	ssub.s32 s6, s29;
	(pc) =	sbr.rel .LBB2_1-.Ltmp0, $4  }
0xc: {  	p0 =	sgt.u32 s16, $0x3;
	s16 =	simm.s32 $0xEA40;
	s5 =	sadd.s32 s8, s9  }
0xd: {  	s6 =	sadd.s32 s11, s9;
	s7 =	sadd.s32 s10, s30;
	s8 =	sadd.s32 s8, s13  }
0xe: {  	s9 =	sadd.s32 s11, s13;
	s10 =	sadd.s32 s10, s14;
	s11 =	smax.u32 s12, $0x1  }
0xf: {  	s12 =	simm.s32 $0x1;
	s13 =	simm.s32 $0x4E20;
	s14 =	simm.s32 $0x9C40  }
.LBB2_5:
0x10: {  	s18 =	sadd.s32 $0x1, s18  }
0x11: {  	p1 =	sne.s32 s18, s11  }
.Ltmp1:
0x12: {  	_ = 	snop;
	(pc) =	sbr.rel @!p1 .LBB2_6-.Ltmp1, $1  }
0x13: {  	_ =	sdelay $0x3  }
.LBB2_1:
0x14: {  	[tilespmem:s1], [sflag:$0x1] =	stream.linear.gather [hbm4b:s3+s1], $0x4E20, $0x38;
	[tilespmem:$0x13940] =	vst v63  }
0x15: {  	_ =	swait.ge [sflag:s12], $0x4E20  }
0x16: {  	[sflag:s12] =	ssyncset.done $0x0  }
0x17: {  	[sflag:s12] =	ssyncadd.s32 $0xFFFFB1E0  }
0x18: {  	[tilespmem:s13], [sflag:$0x1] =	stream.linear.gather [hbm4b:s4+s1], $0x4E20, $0x38;
	[tilespmem:$0x13940] =	vst v63  }
0x19: {  	_ =	swait.ge [sflag:s12], $0x4E20  }
0x1a: {  	[sflag:s12] =	ssyncset.done $0x0  }
0x1b: {  	[sflag:s12] =	ssyncadd.s32 $0xFFFFB1E0  }
0x1c: {  	[tilespmem:s14], [sflag:$0x1] =	stream.linear.gather [hbm4b:s5+s1], $0x2700, $0x38;
	[tilespmem:$0x13940] =	vst v63  }
0x1d: {  	_ =	swait.ge [sflag:s12], $0x2700  }
0x1e: {  	[sflag:s12] =	ssyncset.done $0x0  }
0x1f: {  	[sflag:s12] =	ssyncadd.s32 $0xFFFFD900  }
0x20: {  	[tilespmem:s15], [sflag:$0x1] =	stream.linear.gather [hbm4b:s6+s1], $0x2700, $0x38;
	[tilespmem:$0x13940] =	vst v63  }
0x21: {  	_ =	swait.ge [sflag:s12], $0x2700  }
0x22: {  	[sflag:s12] =	ssyncset.done $0x0  }
0x23: {  	s19 =	simm.s32 $0xEAC0;
	s20 =	simm.s32 $0x0;
	[sflag:s12] =	ssyncadd.s32 $0xFFFFD900  }
.LBB2_2:
0x24: {  	s21 =	sshra.s32 s20, $0x2  }
0x25: {  	v0 =	vld [tilespmem:s21+$0x9C40]  }
0x26: {  	v1 =	vld [tilespmem:s21+$0xC340];
	_ =	sdelay $0x3  }
0x27: {  	v0 =	vshll.u32 v0, $0x1  }
0x28: {  	v1 =	vshll.u32 v1, $0x1  }
0x29: {  	v2 =	vor.u32 $0x1, v0  }
0x2a: {  	v3 =	vor.u32 $0x1, v1;
	_ =	sdelay $0x1  }
0x2b: {  	v0 =	vld.idx.msk [tilespmem:v0+s1+$0x0], $0xffff  }
0x2c: {  	v1 =	vld.idx.msk [tilespmem:v1+s13+$0x0], $0xffff  }
0x2d: {  	v2 =	vld.idx.msk [tilespmem:v2+s1+$0x0], $0xffff  }
0x2e: {  	v3 =	vld.idx.msk [tilespmem:v3+s13+$0x0], $0xffff;
	_ =	sdelay $0x3  }
0x2f: {  	v0 =	vadd.f32 v1, v0  }
0x30: {  	v42 =	vadd.f32 v3, v2  }
0x31: {  	[tilespmem:s19+$0xFFFFFF80] =	vst v0  }
0x32: {  	[tilespmem:s19+$0x0] =	vst v42  }
0x33: {  	v0 =	vld [tilespmem:s21+$0x9C50]  }
0x34: {  	v1 =	vld [tilespmem:s21+$0xC350];
	_ =	sdelay $0x3  }
0x35: {  	v0 =	vshll.u32 v0, $0x1  }
0x36: {  	v1 =	vshll.u32 v1, $0x1  }
0x37: {  	v43 =	vor.u32 $0x1, v0  }
0x38: {  	v44 =	vor.u32 $0x1, v1;
	_ =	sdelay $0x1  }
0x39: {  	v0 =	vld.idx.msk [tilespmem:v0+s1+$0x0], $0xffff  }
0x3a: {  	v1 =	vld.idx.msk [tilespmem:v1+s13+$0x0], $0xffff  }
0x3b: {  	v2 =	vld.idx.msk [tilespmem:v43+s1+$0x0], $0xffff  }
0x3c: {  	v3 =	vld.idx.msk [tilespmem:v44+s13+$0x0], $0xffff;
	_ =	sdelay $0x3  }
0x3d: {  	v0 =	vadd.f32 v1, v0  }
0x3e: {  	v45 =	vadd.f32 v3, v2  }
0x3f: {  	[tilespmem:s19+$0xFFFFFF90] =	vst v0  }
0x40: {  	[tilespmem:s19+$0x10] =	vst v45  }
0x41: {  	v0 =	vld [tilespmem:s21+$0x9C60]  }
0x42: {  	v1 =	vld [tilespmem:s21+$0xC360];
	_ =	sdelay $0x3  }
0x43: {  	v0 =	vshll.u32 v0, $0x1  }
0x44: {  	v1 =	vshll.u32 v1, $0x1  }
0x45: {  	v46 =	vor.u32 $0x1, v0  }
0x46: {  	v47 =	vor.u32 $0x1, v1;
	_ =	sdelay $0x1  }
0x47: {  	v0 =	vld.idx.msk [tilespmem:v0+s1+$0x0], $0xffff  }
0x48: {  	v1 =	vld.idx.msk [tilespmem:v1+s13+$0x0], $0xffff  }
0x49: {  	v2 =	vld.idx.msk [tilespmem:v46+s1+$0x0], $0xffff  }
0x4a: {  	v3 =	vld.idx.msk [tilespmem:v47+s13+$0x0], $0xffff;
	_ =	sdelay $0x3  }
0x4b: {  	v0 =	vadd.f32 v1, v0  }
0x4c: {  	v48 =	vadd.f32 v3, v2  }
0x4d: {  	[tilespmem:s19+$0xFFFFFFA0] =	vst v0  }
0x4e: {  	[tilespmem:s19+$0x20] =	vst v48  }
0x4f: {  	v0 =	vld [tilespmem:s21+$0x9C70]  }
0x50: {  	v1 =	vld [tilespmem:s21+$0xC370];
	_ =	sdelay $0x3  }
0x51: {  	v0 =	vshll.u32 v0, $0x1  }
0x52: {  	v1 =	vshll.u32 v1, $0x1  }
0x53: {  	v49 =	vor.u32 $0x1, v0  }
0x54: {  	v50 =	vor.u32 $0x1, v1;
	_ =	sdelay $0x1  }
0x55: {  	v0 =	vld.idx.msk [tilespmem:v0+s1+$0x0], $0xffff  }
0x56: {  	v1 =	vld.idx.msk [tilespmem:v1+s13+$0x0], $0xffff  }
0x57: {  	v2 =	vld.idx.msk [tilespmem:v49+s1+$0x0], $0xffff  }
0x58: {  	v3 =	vld.idx.msk [tilespmem:v50+s13+$0x0], $0xffff;
	_ =	sdelay $0x3  }
0x59: {  	v0 =	vadd.f32 v1, v0  }
0x5a: {  	v51 =	vadd.f32 v3, v2  }
0x5b: {  	[tilespmem:s19+$0xFFFFFFB0] =	vst v0  }
0x5c: {  	[tilespmem:s19+$0x30] =	vst v51  }
0x5d: {  	v0 =	vld [tilespmem:s21+$0x9C80]  }
0x5e: {  	v1 =	vld [tilespmem:s21+$0xC380];
	_ =	sdelay $0x3  }
0x5f: {  	v0 =	vshll.u32 v0, $0x1  }
0x60: {  	v1 =	vshll.u32 v1, $0x1  }
0x61: {  	v52 =	vor.u32 $0x1, v0  }
0x62: {  	v53 =	vor.u32 $0x1, v1;
	_ =	sdelay $0x1  }
0x63: {  	v0 =	vld.idx.msk [tilespmem:v0+s1+$0x0], $0xffff  }
0x64: {  	v1 =	vld.idx.msk [tilespmem:v1+s13+$0x0], $0xffff  }
0x65: {  	v2 =	vld.idx.msk [tilespmem:v52+s1+$0x0], $0xffff  }
0x66: {  	v3 =	vld.idx.msk [tilespmem:v53+s13+$0x0], $0xffff;
	_ =	sdelay $0x3  }
0x67: {  	v0 =	vadd.f32 v1, v0  }
0x68: {  	v54 =	vadd.f32 v3, v2  }
0x69: {  	[tilespmem:s19+$0xFFFFFFC0] =	vst v0  }
0x6a: {  	[tilespmem:s19+$0x40] =	vst v54  }
0x6b: {  	v0 =	vld [tilespmem:s21+$0x9C90]  }
0x6c: {  	v1 =	vld [tilespmem:s21+$0xC390];
	_ =	sdelay $0x3  }
0x6d: {  	v0 =	vshll.u32 v0, $0x1  }
0x6e: {  	v1 =	vshll.u32 v1, $0x1  }
0x6f: {  	v55 =	vor.u32 $0x1, v0  }
0x70: {  	v56 =	vor.u32 $0x1, v1;
	_ =	sdelay $0x1  }
0x71: {  	v0 =	vld.idx.msk [tilespmem:v0+s1+$0x0], $0xffff  }
0x72: {  	v1 =	vld.idx.msk [tilespmem:v1+s13+$0x0], $0xffff  }
0x73: {  	v2 =	vld.idx.msk [tilespmem:v55+s1+$0x0], $0xffff  }
0x74: {  	v3 =	vld.idx.msk [tilespmem:v56+s13+$0x0], $0xffff;
	_ =	sdelay $0x3  }
0x75: {  	v0 =	vadd.f32 v1, v0  }
0x76: {  	v57 =	vadd.f32 v3, v2  }
0x77: {  	[tilespmem:s19+$0xFFFFFFD0] =	vst v0  }
0x78: {  	[tilespmem:s19+$0x50] =	vst v57  }
0x79: {  	v0 =	vld [tilespmem:s21+$0x9CA0]  }
0x7a: {  	v1 =	vld [tilespmem:s21+$0xC3A0];
	_ =	sdelay $0x3  }
0x7b: {  	v0 =	vshll.u32 v0, $0x1  }
0x7c: {  	v1 =	vshll.u32 v1, $0x1  }
0x7d: {  	v58 =	vor.u32 $0x1, v0  }
0x7e: {  	v59 =	vor.u32 $0x1, v1;
	_ =	sdelay $0x1  }
0x7f: {  	v0 =	vld.idx.msk [tilespmem:v0+s1+$0x0], $0xffff  }
0x80: {  	v1 =	vld.idx.msk [tilespmem:v1+s13+$0x0], $0xffff  }
0x81: {  	v2 =	vld.idx.msk [tilespmem:v58+s1+$0x0], $0xffff  }
0x82: {  	v3 =	vld.idx.msk [tilespmem:v59+s13+$0x0], $0xffff;
	_ =	sdelay $0x3  }
0x83: {  	v0 =	vadd.f32 v1, v0  }
0x84: {  	v60 =	vadd.f32 v3, v2  }
0x85: {  	[tilespmem:s19+$0xFFFFFFE0] =	vst v0  }
0x86: {  	[tilespmem:s19+$0x60] =	vst v60  }
0x87: {  	v0 =	vld [tilespmem:s21+$0x9CB0]  }
0x88: {  	v1 =	vld [tilespmem:s21+$0xC3B0];
	_ =	sdelay $0x3  }
0x89: {  	v0 =	vshll.u32 v0, $0x1  }
0x8a: {  	v1 =	vshll.u32 v1, $0x1  }
0x8b: {  	v61 =	vor.u32 $0x1, v0  }
0x8c: {  	v62 =	vor.u32 $0x1, v1;
	_ =	sdelay $0x1  }
0x8d: {  	v0 =	vld.idx.msk [tilespmem:v0+s1+$0x0], $0xffff  }
0x8e: {  	v1 =	vld.idx.msk [tilespmem:v1+s13+$0x0], $0xffff  }
0x8f: {  	v2 =	vld.idx.msk [tilespmem:v61+s1+$0x0], $0xffff  }
0x90: {  	v3 =	vld.idx.msk [tilespmem:v62+s13+$0x0], $0xffff;
	_ =	sdelay $0x1  }
0x91: {  	p1 =	sne.s32 s20, $0x9A00  }
.Ltmp2:
0x92: {  	_ = 	snop;
	(pc) =	sbr.rel @p1 .LBB2_2-.Ltmp2, $4  }
0x93: {  	v0 =	vadd.f32 v1, v0  }
0x94: {  	v63 =	vadd.f32 v3, v2  }
0x95: {  	[tilespmem:s19+$0xFFFFFFF0] =	vst v0  }
0x96: {  	s20 =	sadd.s32 $0x200, s20;
	[tilespmem:s19+$0x70] =	vst v63;
	s19 =	sadd.s32 $0x100, s19  }
.Ltmp3:
0x97: {  	(pc) =	sbr.rel @p0 .LBB2_5-.Ltmp3, $4  }
0x98: {  	[hbm4b:s7+s1] =	stream.linear.scatter [tilespmem:s16], [sflag:$0x1], $0x4E00, $0x38;
	[tilespmem:$0x13940] =	vst v63  }
0x99: {  	_ =	swait.ge [sflag:s12], $0x4E00  }
0x9a: {  	[sflag:s12] =	ssyncset.done $0x0  }
0x9b: {  	[sflag:s12] =	ssyncadd.s32 $0xFFFFB200  }
0x9c: {  	[tilespmem:s14], [sflag:$0x1] =	stream.linear.gather [hbm4b:s8+s1], $0x80, $0x38;
	[tilespmem:$0x13940] =	vst v63  }
0x9d: {  	_ =	swait.ge [sflag:s12], $0x80  }
0x9e: {  	[sflag:s12] =	ssyncset.done $0x0  }
0x9f: {  	[sflag:s12] =	ssyncadd.s32 $0xFFFFFF80  }
0xa0: {  	[tilespmem:s15], [sflag:$0x1] =	stream.linear.gather [hbm4b:s9+s1], $0x80, $0x38;
	[tilespmem:$0x13940] =	vst v63  }
0xa1: {  	_ =	swait.ge [sflag:s12], $0x80  }
0xa2: {  	[sflag:s12] =	ssyncset.done $0x0  }
0xa3: {  	[sflag:s12] =	ssyncadd.s32 $0xFFFFFF80  }
0xa4: {  	v0 =	vld [tilespmem:$0x9C40]  }
0xa5: {  	v1 =	vld [tilespmem:$0xC340];
	_ =	sdelay $0x3  }
0xa6: {  	v0 =	vshll.u32 v0, $0x1  }
0xa7: {  	v1 =	vshll.u32 v1, $0x1  }
0xa8: {  	v2 =	vor.u32 $0x1, v0  }
0xa9: {  	v4 =	vld [tilespmem:$0x9C50];
	v3 =	vor.u32 $0x1, v1  }
0xaa: {  	v5 =	vld [tilespmem:$0xC350]  }
0xab: {  	v0 =	vld.idx.msk [tilespmem:v0+s1+$0x0], $0xffff  }
0xac: {  	v1 =	vld.idx.msk [tilespmem:v1+s13+$0x0], $0xffff  }
0xad: {  	v2 =	vld.idx.msk [tilespmem:v2+s1+$0x0], $0xffff  }
0xae: {  	v3 =	vld.idx.msk [tilespmem:v3+s13+$0x0], $0xffff;
	_ =	sdelay $0x2  }
0xaf: {  	v4 =	vshll.u32 v4, $0x1  }
0xb0: {  	v31 =	vshll.u32 v5, $0x1;
	v0 =	vadd.f32 v1, v0  }
0xb1: {  	v32 =	vor.u32 $0x1, v4;
	v2 =	vadd.f32 v3, v2  }
0xb2: {  	v34 =	vld [tilespmem:$0x9C60];
	v33 =	vor.u32 $0x1, v31;
	[tilespmem:$0x13840] =	vst v0  }
0xb3: {  	v35 =	vld [tilespmem:$0xC360];
	[tilespmem:$0x138C0] =	vst v2  }
0xb4: {  	v0 =	vld.idx.msk [tilespmem:v4+s1+$0x0], $0xffff  }
0xb5: {  	v1 =	vld.idx.msk [tilespmem:v31+s13+$0x0], $0xffff  }
0xb6: {  	v3 =	vld.idx.msk [tilespmem:v32+s1+$0x0], $0xffff  }
0xb7: {  	v2 =	vld.idx.msk [tilespmem:v33+s13+$0x0], $0xffff;
	_ =	sdelay $0x2  }
0xb8: {  	v4 =	vshll.u32 v34, $0x1  }
0xb9: {  	v36 =	vshll.u32 v35, $0x1;
	v0 =	vadd.f32 v1, v0  }
0xba: {  	v37 =	vor.u32 $0x1, v4;
	v2 =	vadd.f32 v2, v3  }
0xbb: {  	v39 =	vld [tilespmem:$0x9C70];
	v38 =	vor.u32 $0x1, v36;
	[tilespmem:$0x13850] =	vst v0  }
0xbc: {  	v40 =	vld [tilespmem:$0xC370];
	[tilespmem:$0x138D0] =	vst v2  }
0xbd: {  	v0 =	vld.idx.msk [tilespmem:v4+s1+$0x0], $0xffff  }
0xbe: {  	v1 =	vld.idx.msk [tilespmem:v36+s13+$0x0], $0xffff  }
0xbf: {  	v3 =	vld.idx.msk [tilespmem:v37+s1+$0x0], $0xffff  }
0xc0: {  	v2 =	vld.idx.msk [tilespmem:v38+s13+$0x0], $0xffff;
	_ =	sdelay $0x2  }
0xc1: {  	v4 =	vshll.u32 v39, $0x1  }
0xc2: {  	v41 =	vshll.u32 v40, $0x1;
	v0 =	vadd.f32 v1, v0  }
0xc3: {  	v42 =	vor.u32 $0x1, v4;
	v2 =	vadd.f32 v2, v3  }
0xc4: {  	v44 =	vld [tilespmem:$0x9C80];
	v43 =	vor.u32 $0x1, v41;
	[tilespmem:$0x13860] =	vst v0  }
0xc5: {  	v45 =	vld [tilespmem:$0xC380];
	[tilespmem:$0x138E0] =	vst v2  }
0xc6: {  	v0 =	vld.idx.msk [tilespmem:v4+s1+$0x0], $0xffff  }
0xc7: {  	v1 =	vld.idx.msk [tilespmem:v41+s13+$0x0], $0xffff  }
0xc8: {  	v3 =	vld.idx.msk [tilespmem:v42+s1+$0x0], $0xffff  }
0xc9: {  	v2 =	vld.idx.msk [tilespmem:v43+s13+$0x0], $0xffff;
	_ =	sdelay $0x2  }
0xca: {  	v4 =	vshll.u32 v44, $0x1  }
0xcb: {  	v46 =	vshll.u32 v45, $0x1;
	v0 =	vadd.f32 v1, v0  }
0xcc: {  	v47 =	vor.u32 $0x1, v4;
	v2 =	vadd.f32 v2, v3  }
0xcd: {  	v49 =	vld [tilespmem:$0x9C90];
	v48 =	vor.u32 $0x1, v46;
	[tilespmem:$0x13870] =	vst v0  }
0xce: {  	v50 =	vld [tilespmem:$0xC390];
	[tilespmem:$0x138F0] =	vst v2  }
0xcf: {  	v0 =	vld.idx.msk [tilespmem:v4+s1+$0x0], $0xffff  }
0xd0: {  	v1 =	vld.idx.msk [tilespmem:v46+s13+$0x0], $0xffff  }
0xd1: {  	v3 =	vld.idx.msk [tilespmem:v47+s1+$0x0], $0xffff  }
0xd2: {  	v2 =	vld.idx.msk [tilespmem:v48+s13+$0x0], $0xffff;
	_ =	sdelay $0x2  }
0xd3: {  	v4 =	vshll.u32 v49, $0x1  }
0xd4: {  	v51 =	vshll.u32 v50, $0x1;
	v0 =	vadd.f32 v1, v0  }
0xd5: {  	v52 =	vor.u32 $0x1, v4;
	v2 =	vadd.f32 v2, v3  }
0xd6: {  	v54 =	vld [tilespmem:$0x9CA0];
	v53 =	vor.u32 $0x1, v51;
	[tilespmem:$0x13880] =	vst v0  }
0xd7: {  	v55 =	vld [tilespmem:$0xC3A0];
	[tilespmem:$0x13900] =	vst v2  }
0xd8: {  	v0 =	vld.idx.msk [tilespmem:v4+s1+$0x0], $0xffff  }
0xd9: {  	v1 =	vld.idx.msk [tilespmem:v51+s13+$0x0], $0xffff  }
0xda: {  	v3 =	vld.idx.msk [tilespmem:v52+s1+$0x0], $0xffff  }
0xdb: {  	v2 =	vld.idx.msk [tilespmem:v53+s13+$0x0], $0xffff;
	_ =	sdelay $0x2  }
0xdc: {  	v4 =	vshll.u32 v54, $0x1  }
0xdd: {  	v56 =	vshll.u32 v55, $0x1;
	v0 =	vadd.f32 v1, v0  }
0xde: {  	v57 =	vor.u32 $0x1, v4;
	v2 =	vadd.f32 v2, v3  }
0xdf: {  	v59 =	vld [tilespmem:$0x9CB0];
	v58 =	vor.u32 $0x1, v56;
	[tilespmem:$0x13890] =	vst v0  }
0xe0: {  	v60 =	vld [tilespmem:$0xC3B0];
	[tilespmem:$0x13910] =	vst v2  }
0xe1: {  	v0 =	vld.idx.msk [tilespmem:v4+s1+$0x0], $0xffff  }
0xe2: {  	v1 =	vld.idx.msk [tilespmem:v56+s13+$0x0], $0xffff  }
0xe3: {  	v3 =	vld.idx.msk [tilespmem:v57+s1+$0x0], $0xffff  }
0xe4: {  	v2 =	vld.idx.msk [tilespmem:v58+s13+$0x0], $0xffff;
	_ =	sdelay $0x2  }
0xe5: {  	v4 =	vshll.u32 v59, $0x1  }
0xe6: {  	v61 =	vshll.u32 v60, $0x1;
	v0 =	vadd.f32 v1, v0  }
0xe7: {  	v62 =	vor.u32 $0x1, v4;
	v2 =	vadd.f32 v2, v3  }
0xe8: {  	v63 =	vor.u32 $0x1, v61;
	[tilespmem:$0x138A0] =	vst v0  }
0xe9: {  	[tilespmem:$0x13920] =	vst v2  }
0xea: {  	v2 =	vld.idx.msk [tilespmem:v4+s1+$0x0], $0xffff  }
0xeb: {  	v1 =	vld.idx.msk [tilespmem:v61+s13+$0x0], $0xffff  }
0xec: {  	v3 =	vld.idx.msk [tilespmem:v62+s1+$0x0], $0xffff  }
0xed: {  	v0 =	vld.idx.msk [tilespmem:v63+s13+$0x0], $0xffff;
	_ =	sdelay $0x3  }
0xee: {  	v1 =	vadd.f32 v1, v2  }
0xef: {  	v0 =	vadd.f32 v0, v3  }
0xf0: {  	[tilespmem:$0x138B0] =	vst v1  }
.Ltmp4:
0xf1: {  	[tilespmem:$0x13930] =	vst v0;
	(pc) =	sbr.rel .LBB2_5-.Ltmp4, $4  }
0xf2: {  	[hbm4b:s10+s1] =	stream.linear.scatter [tilespmem:s17], [sflag:$0x1], $0x100, $0x38;
	[tilespmem:$0x13940] =	vst v63  }
0xf3: {  	_ =	swait.ge [sflag:s12], $0x100  }
0xf4: {  	[sflag:s12] =	ssyncset.done $0x0  }
0xf5: {  	[sflag:s12] =	ssyncadd.s32 $0xFFFFFF00  }
.LBB2_6:
0xf6: {  	_ =	sfence.sel $0x180000  }
0xf7: {  	[bflag:$0x0] =	sbarrier.arrive $0xFFFF  }
0xf8: {  	p0 =	sne.s32 s2, $0x0;
	_ =	strace $0x90000050  }
0xf9: {  	s0 =	sadd.s32 @!p0 $0x100000, s0;
	[bflag:$0x2] =	sbarrier.arrive $0xFFFF  }
0xfa: {  	[sflag:s0] =	ssyncadd.tile.s32 @!p0 $0x1;
	_ =	shalt  }
.Lfunc_end2:
_tile_overlayer_lowered:
.L_overlay_start_2:
0xfb: {  	(tag) =	ssettag $0x2  }
0xfc: {  	s0 =	rddreg [dreg:$0x0];
	s2 =	stileid.u32  }
0xfd: {  	s1 =	rddreg [dreg:$0x1];
	p0 =	sne.s32 s2, $0x0  }
0xfe: {  	s3 =	rddreg [dreg:$0x2];
	[bflag:$0x3] =	sbarrier.arrive $0xFFFF;
	s2 =	simm.s32 @!p0 $0x1C01  }
0xff: {  	[timem:s3], [sflag:s2] =	dma.local @!p0 [hbm:s0], s1  }
0x100: {  	s0 =	simm.s32 @!p0 $0x1  }
0x101: {  	_ =	swait.ge @!p0 [sflag:s0], s1  }
0x102: {  	s1 =	ssub.s32 @!p0 $0x0, s1;
	[sflag:s0] =	ssyncset.done @!p0 $0x0  }
0x103: {  	[sflag:s0] =	ssyncadd.s32 @!p0 s1  }
0x104: {  	[bflag:$0x3] =	sbarrier.arrive $0xFFFF  }
0x105: {  	_ =	shalt  }

</sc_bundles>
